<compile_context>
chip_gen: v7x
topology: tpu7x:2x2x1
jax: 0.10.2.dev20260603
libtpu: 0.0.44.dev20260713+nightly
codegen_flags: <defaults>
</compile_context>

<pallas_src>
import jax
import jax.numpy as jnp
from jax import lax
from jax.experimental import pallas as pl
from jax.experimental.pallas import tpu as pltpu
from jax.experimental.pallas import tpu_sc as plsc

N = 10000
E = 320000
D = 128
G = 128
DOUT = 16

NC = 2
NS = 16
NW = NC * NS
N_PAD = 10240
ROWS_PER_SUB = N_PAD // NS
EB = 128
E_PAD = 327680
EPT = E_PAD // NW
NBLK = EPT // EB
CHUNK = 8
NCH = NBLK // CHUNK
ZR = 64



def _zero_acc_slice(zb_hbm, zb_v, acc, s):
    pltpu.sync_copy(zb_hbm, zb_v)

    @pl.loop(0, ROWS_PER_SUB // ZR)
    def _(j):
        pltpu.sync_copy(zb_v, acc.at[pl.ds(s * ROWS_PER_SUB + j * ZR, ZR)])


def _deg_body(dst_hbm, zb_hbm, ones_hbm, out_hbm, didx0, didx1, ones_v, zb_v,
              isem0, isem1, acc):
    c = lax.axis_index("c")
    s = lax.axis_index("s")
    wid = c * NS + s
    pltpu.sync_copy(ones_hbm, ones_v)
    _zero_acc_slice(zb_hbm, zb_v, acc, s)
    pltpu.make_async_copy(dst_hbm.at[wid, pl.ds(0, CHUNK)], didx0, isem0).start()
    plsc.subcore_barrier()

    @pl.loop(0, NCH, step=2)
    def _(g):
        pltpu.make_async_copy(
            dst_hbm.at[wid, pl.ds((g + 1) * CHUNK, CHUNK)], didx1, isem1).start()
        pltpu.make_async_copy(
            dst_hbm.at[wid, pl.ds(g * CHUNK, CHUNK)], didx0, isem0).wait()

        @pl.loop(0, CHUNK)
        def _(b):
            pltpu.sync_copy(ones_v, acc.at[didx0.at[b]], add=True)

        @pl.when(g + 2 < NCH)
        def _():
            pltpu.make_async_copy(
                dst_hbm.at[wid, pl.ds((g + 2) * CHUNK, CHUNK)], didx0,
                isem0).start()

        pltpu.make_async_copy(
            dst_hbm.at[wid, pl.ds((g + 1) * CHUNK, CHUNK)], didx1, isem1).wait()

        @pl.loop(0, CHUNK)
        def _(b):
            pltpu.sync_copy(ones_v, acc.at[didx1.at[b]], add=True)

    plsc.subcore_barrier()
    sl = pl.ds(s * ROWS_PER_SUB, ROWS_PER_SUB)
    pltpu.sync_copy(acc.at[sl], out_hbm.at[c, sl])


def _agg_chunk(u_hbm, sidx, didx, rows0, rows1, sem0, sem1, acc):
    pltpu.make_async_copy(u_hbm.at[sidx.at[0]], rows0, sem0).start()

    @pl.loop(0, CHUNK, step=2)
    def _(b):
        pltpu.make_async_copy(u_hbm.at[sidx.at[b + 1]], rows1, sem1).start()
        pltpu.make_async_copy(u_hbm.at[sidx.at[b]], rows0, sem0).wait()
        pltpu.sync_copy(rows0, acc.at[didx.at[b]], add=True)

        @pl.when(b + 2 < CHUNK)
        def _():
            pltpu.make_async_copy(
                u_hbm.at[sidx.at[b + 2]], rows0, sem0).start()

        pltpu.make_async_copy(u_hbm.at[sidx.at[b + 1]], rows1, sem1).wait()
        pltpu.sync_copy(rows1, acc.at[didx.at[b + 1]], add=True)


def _agg_body(u_hbm, src_hbm, dst_hbm, zb_hbm, out_hbm,
              sidx0, didx0, sidx1, didx1, rows0, rows1, zb_v,
              isem0, isem1, sem0, sem1, acc):
    c = lax.axis_index("c")
    s = lax.axis_index("s")
    wid = c * NS + s
    _zero_acc_slice(zb_hbm, zb_v, acc, s)
    pltpu.make_async_copy(src_hbm.at[wid, pl.ds(0, CHUNK)], sidx0, isem0).start()
    pltpu.make_async_copy(dst_hbm.at[wid, pl.ds(0, CHUNK)], didx0, isem0).start()
    plsc.subcore_barrier()

    @pl.loop(0, NCH, step=2)
    def _(g):
        pltpu.make_async_copy(
            src_hbm.at[wid, pl.ds((g + 1) * CHUNK, CHUNK)], sidx1, isem1).start()
        pltpu.make_async_copy(
            dst_hbm.at[wid, pl.ds((g + 1) * CHUNK, CHUNK)], didx1, isem1).start()
        pltpu.make_async_copy(
            src_hbm.at[wid, pl.ds(g * CHUNK, CHUNK)], sidx0, isem0).wait()
        pltpu.make_async_copy(
            dst_hbm.at[wid, pl.ds(g * CHUNK, CHUNK)], didx0, isem0).wait()
        _agg_chunk(u_hbm, sidx0, didx0, rows0, rows1, sem0, sem1, acc)

        @pl.when(g + 2 < NCH)
        def _():
            pltpu.make_async_copy(
                src_hbm.at[wid, pl.ds((g + 2) * CHUNK, CHUNK)], sidx0,
                isem0).start()
            pltpu.make_async_copy(
                dst_hbm.at[wid, pl.ds((g + 2) * CHUNK, CHUNK)], didx0,
                isem0).start()

        pltpu.make_async_copy(
            src_hbm.at[wid, pl.ds((g + 1) * CHUNK, CHUNK)], sidx1, isem1).wait()
        pltpu.make_async_copy(
            dst_hbm.at[wid, pl.ds((g + 1) * CHUNK, CHUNK)], didx1, isem1).wait()
        _agg_chunk(u_hbm, sidx1, didx1, rows0, rows1, sem0, sem1, acc)

    plsc.subcore_barrier()
    sl = pl.ds(s * ROWS_PER_SUB, ROWS_PER_SUB)
    pltpu.sync_copy(acc.at[sl], out_hbm.at[c, sl])


_SC_MESH = plsc.VectorSubcoreMesh(core_axis_name="c", subcore_axis_name="s")

_deg_sc = pl.kernel(
    _deg_body,
    out_type=jax.ShapeDtypeStruct((NC, N_PAD, D), jnp.float32),
    mesh=_SC_MESH,
    scratch_types=[
        pltpu.VMEM((CHUNK, EB), jnp.int32),
        pltpu.VMEM((CHUNK, EB), jnp.int32),
        pltpu.VMEM((EB, D), jnp.float32),
        pltpu.VMEM((ZR, D), jnp.float32),
        pltpu.SemaphoreType.DMA,
        pltpu.SemaphoreType.DMA,
        pltpu.VMEM_SHARED((N_PAD, D), jnp.float32),
    ],
)

_agg_sc = pl.kernel(
    _agg_body,
    out_type=jax.ShapeDtypeStruct((NC, N_PAD, D), jnp.float32),
    mesh=_SC_MESH,
    scratch_types=[
        pltpu.VMEM((CHUNK, EB), jnp.int32),
        pltpu.VMEM((CHUNK, EB), jnp.int32),
        pltpu.VMEM((CHUNK, EB), jnp.int32),
        pltpu.VMEM((CHUNK, EB), jnp.int32),
        pltpu.VMEM((EB, D), jnp.float32),
        pltpu.VMEM((EB, D), jnp.float32),
        pltpu.VMEM((ZR, D), jnp.float32),
        pltpu.SemaphoreType.DMA,
        pltpu.SemaphoreType.DMA,
        pltpu.SemaphoreType.DMA,
        pltpu.SemaphoreType.DMA,
        pltpu.VMEM_SHARED((N_PAD, D), jnp.float32),
    ],
)



RA = 2048


def _lin1_kern(x_ref, w_ref, deg_ref, u_ref, dinv_ref):
    deg = deg_ref[0, :, 0] + deg_ref[1, :, 0] + 1.0
    dinv = lax.rsqrt(deg)
    h = jnp.dot(x_ref[...], w_ref[...], preferred_element_type=jnp.float32)
    u_ref[...] = h * dinv[:, None]
    dinv_ref[...] = dinv[:, None]


def _layer2_kern(agg_ref, u_ref, dinv_ref, b1_ref, w_ref, u2_ref):
    a = agg_ref[0] + agg_ref[1] + u_ref[...]
    h = jnp.maximum(a * dinv_ref[...] + b1_ref[...], 0.0)
    u2_ref[...] = jnp.dot(h, w_ref[...],
                          preferred_element_type=jnp.float32) * dinv_ref[...]


def _final_kern(agg_ref, u_ref, dinv_ref, b2_ref, batch_ref, wfc_ref, bfc_ref,
                out_ref, pool_ref, cnt_ref):
    i = pl.program_id(0)

    @pl.when(i == 0)
    def _():
        pool_ref[...] = jnp.zeros_like(pool_ref)
        cnt_ref[...] = jnp.zeros_like(cnt_ref)

    a = agg_ref[0] + agg_ref[1] + u_ref[...]
    h = jnp.maximum(a * dinv_ref[...] + b2_ref[...], 0.0)
    b = batch_ref[0]
    rows = lax.broadcasted_iota(jnp.int32, (G, RA), 0)
    oh = (rows == b).astype(jnp.float32)
    pool_ref[...] += jnp.dot(oh, h, preferred_element_type=jnp.float32)
    cnt_ref[...] += jnp.dot(oh, jnp.ones((RA, 1), jnp.float32),
                            preferred_element_type=jnp.float32)

    @pl.when(i == pl.num_programs(0) - 1)
    def _():
        g = pool_ref[...] / jnp.maximum(cnt_ref[...], 1.0)
        logits = jnp.dot(g, wfc_ref[...],
                         preferred_element_type=jnp.float32) + bfc_ref[...]
        m = jnp.max(logits, axis=1, keepdims=True)
        e = jnp.exp(logits - m)
        out_ref[...] = (logits - m) - jnp.log(jnp.sum(e, axis=1, keepdims=True))


_NB = N_PAD // RA

_lin1 = pl.pallas_call(
    _lin1_kern,
    grid=(_NB,),
    in_specs=[
        pl.BlockSpec((RA, D), lambda i: (i, 0)),
        pl.BlockSpec((D, D), lambda i: (0, 0)),
        pl.BlockSpec((NC, RA, D), lambda i: (0, i, 0)),
    ],
    out_specs=[
        pl.BlockSpec((RA, D), lambda i: (i, 0)),
        pl.BlockSpec((RA, 1), lambda i: (i, 0)),
    ],
    out_shape=[
        jax.ShapeDtypeStruct((N_PAD, D), jnp.float32),
        jax.ShapeDtypeStruct((N_PAD, 1), jnp.float32),
    ],
)

_layer2 = pl.pallas_call(
    _layer2_kern,
    grid=(_NB,),
    in_specs=[
        pl.BlockSpec((NC, RA, D), lambda i: (0, i, 0)),
        pl.BlockSpec((RA, D), lambda i: (i, 0)),
        pl.BlockSpec((RA, 1), lambda i: (i, 0)),
        pl.BlockSpec((1, D), lambda i: (0, 0)),
        pl.BlockSpec((D, D), lambda i: (0, 0)),
    ],
    out_specs=pl.BlockSpec((RA, D), lambda i: (i, 0)),
    out_shape=jax.ShapeDtypeStruct((N_PAD, D), jnp.float32),
)

_final = pl.pallas_call(
    _final_kern,
    grid=(_NB,),
    in_specs=[
        pl.BlockSpec((NC, RA, D), lambda i: (0, i, 0)),
        pl.BlockSpec((RA, D), lambda i: (i, 0)),
        pl.BlockSpec((RA, 1), lambda i: (i, 0)),
        pl.BlockSpec((1, D), lambda i: (0, 0)),
        pl.BlockSpec((1, 1, RA), lambda i: (i, 0, 0)),
        pl.BlockSpec((D, DOUT), lambda i: (0, 0)),
        pl.BlockSpec((1, DOUT), lambda i: (0, 0)),
    ],
    out_specs=pl.BlockSpec((G, DOUT), lambda i: (0, 0)),
    out_shape=jax.ShapeDtypeStruct((G, DOUT), jnp.float32),
    scratch_shapes=[
        pltpu.VMEM((G, G), jnp.float32),
        pltpu.VMEM((G, 1), jnp.float32),
    ],
)



def kernel(x, edge_index, batch, W1, b1, W2, b2, Wfc, bfc):
    src = edge_index[0].astype(jnp.int32)
    dst = edge_index[1].astype(jnp.int32)
    padk = N + jnp.arange(E_PAD - E, dtype=jnp.int32) % (N_PAD - N)
    src3 = jnp.concatenate([src, padk]).reshape(NW, NBLK, EB)
    dst3 = jnp.concatenate([dst, padk]).reshape(NW, NBLK, EB)
    x_pad = jnp.pad(x, ((0, N_PAD - N), (0, 0)))
    batch_pad = jnp.concatenate(
        [batch.astype(jnp.int32), jnp.full((N_PAD - N,), G, dtype=jnp.int32)]
    ).reshape(_NB, 1, RA)
    zb = jnp.zeros((ZR, D), jnp.float32)
    onesb = jnp.ones((EB, D), jnp.float32)

    deg16 = _deg_sc(dst3, zb, onesb)
    u1, dinv = _lin1(x_pad, W1, deg16)
    agg1 = _agg_sc(u1, src3, dst3, zb)
    u2 = _layer2(agg1, u1, dinv, b1.reshape(1, D), W2)
    agg2 = _agg_sc(u2, src3, dst3, zb)
    out = _final(agg2, u2, dinv, b2.reshape(1, D), batch_pad,
                 Wfc, bfc.reshape(1, DOUT))
    return out

# --- scband reference (transcript-rebuilt; emitter-appended) ---
"""Pipeline reference for scband-gcn-21732534518460 (READ-ONLY COPY).

The authoritative reference and input builder live on the scoring server;
editing this copy changes nothing except your own understanding.
"""

import jax, jax.numpy as jnp
import numpy as np

N = 10000
E = 320000
D_IN = 128
D_HID = 128
D_OUT = 16
NUM_GRAPHS = 128


def setup_inputs(seed: int = 0) -> dict:
    key = jax.random.key(seed)
    ks = jax.random.split(key, 10)
    x = jax.random.normal(ks[0], (N, D_IN), dtype=jnp.float32)
    edge_index = jax.random.randint(ks[1], (2, E), 0, N, dtype=jnp.int64)
    batch = jnp.sort(jax.random.randint(ks[2], (N,), 0, NUM_GRAPHS, dtype=jnp.int64))
    # GCNConv1 params (glorot-ish init)
    W1 = jax.random.normal(ks[3], (D_IN, D_HID), dtype=jnp.float32) * (1.0 / np.sqrt(D_IN))
    b1 = jnp.zeros((D_HID,), dtype=jnp.float32)
    # GCNConv2 params
    W2 = jax.random.normal(ks[4], (D_HID, D_HID), dtype=jnp.float32) * (1.0 / np.sqrt(D_HID))
    b2 = jnp.zeros((D_HID,), dtype=jnp.float32)
    # Final linear
    Wfc = jax.random.normal(ks[5], (D_HID, D_OUT), dtype=jnp.float32) * (1.0 / np.sqrt(D_HID))
    bfc = jnp.zeros((D_OUT,), dtype=jnp.float32)
    return {"x": x, "edge_index": edge_index, "batch": batch,
            "W1": W1, "b1": b1, "W2": W2, "b2": b2, "Wfc": Wfc, "bfc": bfc}


def _gcn_conv(x, src, dst, W, b, n_nodes):
    # Linear transform
    h = x @ W
    # Add self loops
    loop = jnp.arange(n_nodes, dtype=src.dtype)
    s = jnp.concatenate([src, loop])
    d = jnp.concatenate([dst, loop])
    # Symmetric normalization: deg computed on dst with self loops
    deg = jnp.zeros((n_nodes,), dtype=h.dtype).at[d].add(1.0)
    dinv = jax.lax.rsqrt(deg)  # deg >= 1 due to self loops
    norm = dinv[s] * dinv[d]
    # Gather messages, scale, scatter-add to dst
    msg = h[s] * norm[:, None]
    out = jnp.zeros_like(h).at[d].add(msg)
    return out + b


def _global_mean_pool(x, batch, num_graphs):
    sums = jax.ops.segment_sum(x, batch, num_segments=num_graphs)
    counts = jax.ops.segment_sum(jnp.ones((x.shape[0],), dtype=x.dtype), batch,
                                 num_segments=num_graphs)
    return sums / jnp.maximum(counts, 1.0)[:, None]


def reference(x, edge_index, batch, W1, b1, W2, b2, Wfc, bfc):
    src = edge_index[0]
    dst = edge_index[1]
    h = _gcn_conv(x, src, dst, W1, b1, N)
    h = jax.nn.relu(h)
    h = _gcn_conv(h, src, dst, W2, b2, N)
    h = jax.nn.relu(h)
    g = _global_mean_pool(h, batch, NUM_GRAPHS)
    logits = g @ Wfc + bfc
    return jax.nn.log_softmax(logits, axis=1)

if __name__ == "__main__":
    import jax
    _d = setup_inputs()
    print(jax.jit(kernel)(*tuple(_d.values())))

</pallas_src>

<mosaic_0001>
#map = affine_map<(d0, d1) -> (0, 0, 0)>
#map1 = affine_map<(d0, d1) -> (0, 0)>
module attributes {stable_mosaic.version = 14 : i64} {
  func.func @_deg_body(%arg0: i32, %arg1: i32, %arg2: memref<32x80x128xi32, #tpu.memory_space<hbm>>, %arg3: memref<64x128xf32, #tpu.memory_space<hbm>>, %arg4: memref<128x128xf32, #tpu.memory_space<hbm>>, %arg5: memref<2x10240x128xf32, #tpu.memory_space<hbm>>, %arg6: memref<8x128xi32, #tpu.memory_space<vmem>>, %arg7: memref<8x128xi32, #tpu.memory_space<vmem>>, %arg8: memref<128x128xf32, #tpu.memory_space<vmem>>, %arg9: memref<64x128xf32, #tpu.memory_space<vmem>>, %arg10: memref<!tpu.dma_semaphore, #tpu.memory_space<semaphore_mem>>, %arg11: memref<!tpu.dma_semaphore, #tpu.memory_space<semaphore_mem>>, %arg12: memref<10240x128xf32, #tpu.memory_space<vmem_shared>>) attributes {dimension_semantics = [#tpu.dimension_semantics<core_parallel>, #tpu.dimension_semantics<subcore_parallel>], iteration_bounds = array<i64: 2, 16>, scalar_prefetch = 0 : i64, scratch_operands = 7 : i64, tpu.core_type = #tpu.core_type<sc_vector_subcore>, window_params = [{transform_indices = #map}, {transform_indices = #map1}, {transform_indices = #map1}, {transform_indices = #map}]} {
    %mul3A = arith.constant 16 : i32
    %mul3A_0 = arith.muli %arg0, %mul3A : i32
    %add3A = arith.addi %mul3A_0, %arg1 : i32
    "tpu.region"() ({
      %run_scoped3A = tpu.sem_alloc : memref<!tpu.dma_semaphore, #tpu.memory_space<semaphore_mem>>
      tpu.enqueue_dma source(%arg4 : memref<128x128xf32, #tpu.memory_space<hbm>>) target(%arg8 : memref<128x128xf32, #tpu.memory_space<vmem>>) target_semaphore(%run_scoped3A : memref<!tpu.dma_semaphore, #tpu.memory_space<semaphore_mem>>)
      tpu.wait_dma2 semaphore(%run_scoped3A : memref<!tpu.dma_semaphore, #tpu.memory_space<semaphore_mem>>) src(%arg4 : memref<128x128xf32, #tpu.memory_space<hbm>>) dst(%arg8 : memref<128x128xf32, #tpu.memory_space<vmem>>)
      tpu.yield
    }) : () -> ()
    "tpu.region"() ({
      %run_scoped3A = tpu.sem_alloc : memref<!tpu.dma_semaphore, #tpu.memory_space<semaphore_mem>>
      tpu.enqueue_dma source(%arg3 : memref<64x128xf32, #tpu.memory_space<hbm>>) target(%arg9 : memref<64x128xf32, #tpu.memory_space<vmem>>) target_semaphore(%run_scoped3A : memref<!tpu.dma_semaphore, #tpu.memory_space<semaphore_mem>>)
      tpu.wait_dma2 semaphore(%run_scoped3A : memref<!tpu.dma_semaphore, #tpu.memory_space<semaphore_mem>>) src(%arg3 : memref<64x128xf32, #tpu.memory_space<hbm>>) dst(%arg9 : memref<64x128xf32, #tpu.memory_space<vmem>>)
      tpu.yield
    }) : () -> ()
    %scan3A = arith.constant 0 : i32
    %scan3A_1 = arith.constant 10 : i32
    %scan3A_2 = arith.addi %scan3A, %scan3A_1 : i32
    %scan3A_3 = arith.constant 1 : i32
    scf.for %scan3A_20 = %scan3A to %scan3A_2 step %scan3A_3  : i32 {
      %mul3A_21 = arith.constant 1 : i32
      %mul3A_22 = arith.muli %scan3A_20, %mul3A_21 : i32
      %add3A_23 = arith.constant 0 : i32
      %add3A_24 = arith.addi %add3A_23, %mul3A_22 : i32
      %mul3A_25 = arith.constant 640 : i32
      %mul3A_26 = arith.muli %arg1, %mul3A_25 : i32
      %mul3A_27 = arith.constant 64 : i32
      %mul3A_28 = arith.muli %add3A_24, %mul3A_27 : i32
      %add3A_29 = arith.addi %mul3A_26, %mul3A_28 : i32
      "tpu.region"() ({
        %run_scoped3A = tpu.sem_alloc : memref<!tpu.dma_semaphore, #tpu.memory_space<semaphore_mem>>
        %dma_start3A_30 = arith.constant 0 : i32
        %dma_start3A_31 = tpu.memref_slice %arg12[%add3A_29, %dma_start3A_30] : memref<10240x128xf32, #tpu.memory_space<vmem_shared>> -> memref<64x128xf32, #tpu.memory_space<vmem_shared>>
        %dma_start3A_32 = arith.constant 0 : i32
        %dma_start3A_33 = tpu.memref_slice %arg12[%add3A_29, %dma_start3A_32] : memref<10240x128xf32, #tpu.memory_space<vmem_shared>> -> memref<64x128xf32, #tpu.memory_space<vmem_shared>>
        tpu.enqueue_dma source(%arg9 : memref<64x128xf32, #tpu.memory_space<vmem>>) target(%dma_start3A_33 : memref<64x128xf32, #tpu.memory_space<vmem_shared>>) target_semaphore(%run_scoped3A : memref<!tpu.dma_semaphore, #tpu.memory_space<semaphore_mem>>)
        %dma_wait3A = arith.constant 0 : i32
        %dma_wait3A_34 = tpu.memref_slice %arg12[%add3A_29, %dma_wait3A] : memref<10240x128xf32, #tpu.memory_space<vmem_shared>> -> memref<64x128xf32, #tpu.memory_space<vmem_shared>>
        %dma_wait3A_35 = arith.constant 0 : i32
        %dma_wait3A_36 = tpu.memref_slice %arg12[%add3A_29, %dma_wait3A_35] : memref<10240x128xf32, #tpu.memory_space<vmem_shared>> -> memref<64x128xf32, #tpu.memory_space<vmem_shared>>
        tpu.wait_dma2 semaphore(%run_scoped3A : memref<!tpu.dma_semaphore, #tpu.memory_space<semaphore_mem>>) src(%arg9 : memref<64x128xf32, #tpu.memory_space<vmem>>) dst(%dma_wait3A_36 : memref<64x128xf32, #tpu.memory_space<vmem_shared>>)
        tpu.yield
      }) : () -> ()
    }
    %scan3A_4 = arith.constant 10 : i32
    %dma_start3A = arith.constant 0 : i32
    %dma_start3A_5 = arith.constant 0 : i32
    %dma_start3A_6 = tpu.memref_slice %arg2[%add3A, %dma_start3A, %dma_start3A_5] : memref<32x80x128xi32, #tpu.memory_space<hbm>> -> memref<1x8x128xi32, #tpu.memory_space<hbm>>
    %dma_start3A_7 = tpu.memref_squeeze %dma_start3A_6 : memref<1x8x128xi32, #tpu.memory_space<hbm>> -> memref<8x128xi32, #tpu.memory_space<hbm>>
    %dma_start3A_8 = arith.constant 0 : i32
    %dma_start3A_9 = arith.constant 0 : i32
    %dma_start3A_10 = tpu.memref_slice %arg2[%add3A, %dma_start3A_8, %dma_start3A_9] : memref<32x80x128xi32, #tpu.memory_space<hbm>> -> memref<1x8x128xi32, #tpu.memory_space<hbm>>
    %dma_start3A_11 = tpu.memref_squeeze %dma_start3A_10 : memref<1x8x128xi32, #tpu.memory_space<hbm>> -> memref<8x128xi32, #tpu.memory_space<hbm>>
    tpu.enqueue_dma source(%dma_start3A_11 : memref<8x128xi32, #tpu.memory_space<hbm>>) target(%arg6 : memref<8x128xi32, #tpu.memory_space<vmem>>) target_semaphore(%arg10 : memref<!tpu.dma_semaphore, #tpu.memory_space<semaphore_mem>>)
    %barrier3A = arith.constant 0 : index
    tpu.barrier barrier_id(%barrier3A)
    %scan3A_12 = arith.constant 0 : i32
    %scan3A_13 = arith.constant 5 : i32
    %scan3A_14 = arith.addi %scan3A_12, %scan3A_13 : i32
    %scan3A_15 = arith.constant 1 : i32
    scf.for %scan3A_20 = %scan3A_12 to %scan3A_14 step %scan3A_15  : i32 {
      %mul3A_21 = arith.constant 2 : i32
      %mul3A_22 = arith.muli %scan3A_20, %mul3A_21 : i32
      %add3A_23 = arith.constant 0 : i32
      %add3A_24 = arith.addi %add3A_23, %mul3A_22 : i32
      %add3A_25 = arith.constant 1 : i32
      %add3A_26 = arith.addi %add3A_24, %add3A_25 : i32
      %mul3A_27 = arith.constant 8 : i32
      %mul3A_28 = arith.muli %add3A_26, %mul3A_27 : i32
      %dma_start3A_29 = arith.constant 0 : i32
      %dma_start3A_30 = tpu.memref_slice %arg2[%add3A, %mul3A_28, %dma_start3A_29] : memref<32x80x128xi32, #tpu.memory_space<hbm>> -> memref<1x8x128xi32, #tpu.memory_space<hbm>>
      %dma_start3A_31 = tpu.memref_squeeze %dma_start3A_30 : memref<1x8x128xi32, #tpu.memory_space<hbm>> -> memref<8x128xi32, #tpu.memory_space<hbm>>
      %dma_start3A_32 = arith.constant 0 : i32
      %dma_start3A_33 = tpu.memref_slice %arg2[%add3A, %mul3A_28, %dma_start3A_32] : memref<32x80x128xi32, #tpu.memory_space<hbm>> -> memref<1x8x128xi32, #tpu.memory_space<hbm>>
      %dma_start3A_34 = tpu.memref_squeeze %dma_start3A_33 : memref<1x8x128xi32, #tpu.memory_space<hbm>> -> memref<8x128xi32, #tpu.memory_space<hbm>>
      tpu.enqueue_dma source(%dma_start3A_34 : memref<8x128xi32, #tpu.memory_space<hbm>>) target(%arg7 : memref<8x128xi32, #tpu.memory_space<vmem>>) target_semaphore(%arg11 : memref<!tpu.dma_semaphore, #tpu.memory_space<semaphore_mem>>)
      %mul3A_35 = arith.constant 8 : i32
      %mul3A_36 = arith.muli %add3A_24, %mul3A_35 : i32
      %dma_wait3A = arith.constant 0 : i32
      %dma_wait3A_37 = tpu.memref_slice %arg2[%add3A, %mul3A_36, %dma_wait3A] : memref<32x80x128xi32, #tpu.memory_space<hbm>> -> memref<1x8x128xi32, #tpu.memory_space<hbm>>
      %dma_wait3A_38 = tpu.memref_squeeze %dma_wait3A_37 : memref<1x8x128xi32, #tpu.memory_space<hbm>> -> memref<8x128xi32, #tpu.memory_space<hbm>>
      %dma_wait3A_39 = arith.constant 0 : i32
      %dma_wait3A_40 = tpu.memref_slice %arg2[%add3A, %mul3A_36, %dma_wait3A_39] : memref<32x80x128xi32, #tpu.memory_space<hbm>> -> memref<1x8x128xi32, #tpu.memory_space<hbm>>
      %dma_wait3A_41 = tpu.memref_squeeze %dma_wait3A_40 : memref<1x8x128xi32, #tpu.memory_space<hbm>> -> memref<8x128xi32, #tpu.memory_space<hbm>>
      tpu.wait_dma2 semaphore(%arg10 : memref<!tpu.dma_semaphore, #tpu.memory_space<semaphore_mem>>) src(%dma_wait3A_41 : memref<8x128xi32, #tpu.memory_space<hbm>>) dst(%arg6 : memref<8x128xi32, #tpu.memory_space<vmem>>)
      %scan3A_42 = arith.constant 0 : i32
      %scan3A_43 = arith.constant 8 : i32
      %scan3A_44 = arith.addi %scan3A_42, %scan3A_43 : i32
      %scan3A_45 = arith.constant 1 : i32
      scf.for %scan3A_66 = %scan3A_42 to %scan3A_44 step %scan3A_45  : i32 {
        %mul3A_67 = arith.constant 1 : i32
        %mul3A_68 = arith.muli %scan3A_66, %mul3A_67 : i32
        %add3A_69 = arith.constant 0 : i32
        %add3A_70 = arith.addi %add3A_69, %mul3A_68 : i32
        "tpu.region"() ({
          %run_scoped3A = tpu.sem_alloc : memref<!tpu.dma_semaphore, #tpu.memory_space<semaphore_mem>>
          %dma_start3A_71 = arith.constant 0 : i32
          %dma_start3A_72 = tpu.memref_slice %arg6[%add3A_70, %dma_start3A_71] : memref<8x128xi32, #tpu.memory_space<vmem>> -> memref<1x128xi32, #tpu.memory_space<vmem>>
          %dma_start3A_73 = tpu.memref_squeeze %dma_start3A_72 : memref<1x128xi32, #tpu.memory_space<vmem>> -> memref<128xi32, #tpu.memory_space<vmem>>
          %dma_start3A_74 = arith.constant 0 : i32
          %dma_start3A_75 = arith.constant 0 : i32
          %dma_start3A_76 = tpu.memref_slice %arg12[%dma_start3A_74, %dma_start3A_75] : memref<10240x128xf32, #tpu.memory_space<vmem_shared>> -> memref<10240x128xf32, #tpu.memory_space<vmem_shared>>
          tpu.enqueue_indirect_dma source(%arg8 : memref<128x128xf32, #tpu.memory_space<vmem>>) target(%dma_start3A_76 : memref<10240x128xf32, #tpu.memory_space<vmem_shared>>) offsets(%dma_start3A_73 : memref<128xi32, #tpu.memory_space<vmem>>) semaphore(%run_scoped3A : memref<!tpu.dma_semaphore, #tpu.memory_space<semaphore_mem>>) {add = true}
          %dma_wait3A_77 = arith.constant 0 : i32
          %dma_wait3A_78 = tpu.memref_slice %arg6[%add3A_70, %dma_wait3A_77] : memref<8x128xi32, #tpu.memory_space<vmem>> -> memref<1x128xi32, #tpu.memory_space<vmem>>
          %dma_wait3A_79 = tpu.memref_squeeze %dma_wait3A_78 : memref<1x128xi32, #tpu.memory_space<vmem>> -> memref<128xi32, #tpu.memory_space<vmem>>
          %dma_wait3A_80 = arith.constant 0 : i32
          %dma_wait3A_81 = arith.constant 0 : i32
          %dma_wait3A_82 = tpu.memref_slice %arg12[%dma_wait3A_80, %dma_wait3A_81] : memref<10240x128xf32, #tpu.memory_space<vmem_shared>> -> memref<10240x128xf32, #tpu.memory_space<vmem_shared>>
          tpu.wait_indirect_dma semaphore(%run_scoped3A : memref<!tpu.dma_semaphore, #tpu.memory_space<semaphore_mem>>) src(%arg8 : memref<128x128xf32, #tpu.memory_space<vmem>>) dst(%dma_wait3A_82 : memref<10240x128xf32, #tpu.memory_space<vmem_shared>>)
          tpu.yield
        }) : () -> ()
      }
      %scan3A_46 = arith.constant 8 : i32
      %add3A_47 = arith.constant 2 : i32
      %add3A_48 = arith.addi %add3A_24, %add3A_47 : i32
      %lt3A = arith.constant 10 : i32
      %lt3A_49 = arith.cmpi slt, %add3A_48, %lt3A : i32
      %convert_element_type3A = arith.extui %lt3A_49 : i1 to i32
      %cond3A = arith.constant 0 : i32
      %cond3A_50 = arith.cmpi ne, %convert_element_type3A, %cond3A : i32
      scf.if %cond3A_50 {
        %add3A_66 = arith.constant 2 : i32
        %add3A_67 = arith.addi %add3A_24, %add3A_66 : i32
        %mul3A_68 = arith.constant 8 : i32
        %mul3A_69 = arith.muli %add3A_67, %mul3A_68 : i32
        %dma_start3A_70 = arith.constant 0 : i32
        %dma_start3A_71 = tpu.memref_slice %arg2[%add3A, %mul3A_69, %dma_start3A_70] : memref<32x80x128xi32, #tpu.memory_space<hbm>> -> memref<1x8x128xi32, #tpu.memory_space<hbm>>
        %dma_start3A_72 = tpu.memref_squeeze %dma_start3A_71 : memref<1x8x128xi32, #tpu.memory_space<hbm>> -> memref<8x128xi32, #tpu.memory_space<hbm>>
        %dma_start3A_73 = arith.constant 0 : i32
        %dma_start3A_74 = tpu.memref_slice %arg2[%add3A, %mul3A_69, %dma_start3A_73] : memref<32x80x128xi32, #tpu.memory_space<hbm>> -> memref<1x8x128xi32, #tpu.memory_space<hbm>>
        %dma_start3A_75 = tpu.memref_squeeze %dma_start3A_74 : memref<1x8x128xi32, #tpu.memory_space<hbm>> -> memref<8x128xi32, #tpu.memory_space<hbm>>
        tpu.enqueue_dma source(%dma_start3A_75 : memref<8x128xi32, #tpu.memory_space<hbm>>) target(%arg6 : memref<8x128xi32, #tpu.memory_space<vmem>>) target_semaphore(%arg10 : memref<!tpu.dma_semaphore, #tpu.memory_space<semaphore_mem>>)
      } else {
      }
      %add3A_51 = arith.constant 1 : i32
      %add3A_52 = arith.addi %add3A_24, %add3A_51 : i32
      %mul3A_53 = arith.constant 8 : i32
      %mul3A_54 = arith.muli %add3A_52, %mul3A_53 : i32
      %dma_wait3A_55 = arith.constant 0 : i32
      %dma_wait3A_56 = tpu.memref_slice %arg2[%add3A, %mul3A_54, %dma_wait3A_55] : memref<32x80x128xi32, #tpu.memory_space<hbm>> -> memref<1x8x128xi32, #tpu.memory_space<hbm>>
      %dma_wait3A_57 = tpu.memref_squeeze %dma_wait3A_56 : memref<1x8x128xi32, #tpu.memory_space<hbm>> -> memref<8x128xi32, #tpu.memory_space<hbm>>
      %dma_wait3A_58 = arith.constant 0 : i32
      %dma_wait3A_59 = tpu.memref_slice %arg2[%add3A, %mul3A_54, %dma_wait3A_58] : memref<32x80x128xi32, #tpu.memory_space<hbm>> -> memref<1x8x128xi32, #tpu.memory_space<hbm>>
      %dma_wait3A_60 = tpu.memref_squeeze %dma_wait3A_59 : memref<1x8x128xi32, #tpu.memory_space<hbm>> -> memref<8x128xi32, #tpu.memory_space<hbm>>
      tpu.wait_dma2 semaphore(%arg11 : memref<!tpu.dma_semaphore, #tpu.memory_space<semaphore_mem>>) src(%dma_wait3A_60 : memref<8x128xi32, #tpu.memory_space<hbm>>) dst(%arg7 : memref<8x128xi32, #tpu.memory_space<vmem>>)
      %scan3A_61 = arith.constant 0 : i32
      %scan3A_62 = arith.constant 8 : i32
      %scan3A_63 = arith.addi %scan3A_61, %scan3A_62 : i32
      %scan3A_64 = arith.constant 1 : i32
      scf.for %scan3A_66 = %scan3A_61 to %scan3A_63 step %scan3A_64  : i32 {
        %mul3A_67 = arith.constant 1 : i32
        %mul3A_68 = arith.muli %scan3A_66, %mul3A_67 : i32
        %add3A_69 = arith.constant 0 : i32
        %add3A_70 = arith.addi %add3A_69, %mul3A_68 : i32
        "tpu.region"() ({
          %run_scoped3A = tpu.sem_alloc : memref<!tpu.dma_semaphore, #tpu.memory_space<semaphore_mem>>
          %dma_start3A_71 = arith.constant 0 : i32
          %dma_start3A_72 = tpu.memref_slice %arg7[%add3A_70, %dma_start3A_71] : memref<8x128xi32, #tpu.memory_space<vmem>> -> memref<1x128xi32, #tpu.memory_space<vmem>>
          %dma_start3A_73 = tpu.memref_squeeze %dma_start3A_72 : memref<1x128xi32, #tpu.memory_space<vmem>> -> memref<128xi32, #tpu.memory_space<vmem>>
          %dma_start3A_74 = arith.constant 0 : i32
          %dma_start3A_75 = arith.constant 0 : i32
          %dma_start3A_76 = tpu.memref_slice %arg12[%dma_start3A_74, %dma_start3A_75] : memref<10240x128xf32, #tpu.memory_space<vmem_shared>> -> memref<10240x128xf32, #tpu.memory_space<vmem_shared>>
          tpu.enqueue_indirect_dma source(%arg8 : memref<128x128xf32, #tpu.memory_space<vmem>>) target(%dma_start3A_76 : memref<10240x128xf32, #tpu.memory_space<vmem_shared>>) offsets(%dma_start3A_73 : memref<128xi32, #tpu.memory_space<vmem>>) semaphore(%run_scoped3A : memref<!tpu.dma_semaphore, #tpu.memory_space<semaphore_mem>>) {add = true}
          %dma_wait3A_77 = arith.constant 0 : i32
          %dma_wait3A_78 = tpu.memref_slice %arg7[%add3A_70, %dma_wait3A_77] : memref<8x128xi32, #tpu.memory_space<vmem>> -> memref<1x128xi32, #tpu.memory_space<vmem>>
          %dma_wait3A_79 = tpu.memref_squeeze %dma_wait3A_78 : memref<1x128xi32, #tpu.memory_space<vmem>> -> memref<128xi32, #tpu.memory_space<vmem>>
          %dma_wait3A_80 = arith.constant 0 : i32
          %dma_wait3A_81 = arith.constant 0 : i32
          %dma_wait3A_82 = tpu.memref_slice %arg12[%dma_wait3A_80, %dma_wait3A_81] : memref<10240x128xf32, #tpu.memory_space<vmem_shared>> -> memref<10240x128xf32, #tpu.memory_space<vmem_shared>>
          tpu.wait_indirect_dma semaphore(%run_scoped3A : memref<!tpu.dma_semaphore, #tpu.memory_space<semaphore_mem>>) src(%arg8 : memref<128x128xf32, #tpu.memory_space<vmem>>) dst(%dma_wait3A_82 : memref<10240x128xf32, #tpu.memory_space<vmem_shared>>)
          tpu.yield
        }) : () -> ()
      }
      %scan3A_65 = arith.constant 8 : i32
    }
    %scan3A_16 = arith.constant 5 : i32
    %barrier3A_17 = arith.constant 0 : index
    tpu.barrier barrier_id(%barrier3A_17)
    %mul3A_18 = arith.constant 640 : i32
    %mul3A_19 = arith.muli %arg1, %mul3A_18 : i32
    "tpu.region"() ({
      %run_scoped3A = tpu.sem_alloc : memref<!tpu.dma_semaphore, #tpu.memory_space<semaphore_mem>>
      %dma_start3A_20 = arith.constant 0 : i32
      %dma_start3A_21 = tpu.memref_slice %arg5[%arg0, %mul3A_19, %dma_start3A_20] : memref<2x10240x128xf32, #tpu.memory_space<hbm>> -> memref<1x640x128xf32, #tpu.memory_space<hbm>>
      %dma_start3A_22 = tpu.memref_squeeze %dma_start3A_21 : memref<1x640x128xf32, #tpu.memory_space<hbm>> -> memref<640x128xf32, #tpu.memory_space<hbm>>
      %dma_start3A_23 = arith.constant 0 : i32
      %dma_start3A_24 = tpu.memref_slice %arg12[%mul3A_19, %dma_start3A_23] : memref<10240x128xf32, #tpu.memory_space<vmem_shared>> -> memref<640x128xf32, #tpu.memory_space<vmem_shared>>
      tpu.enqueue_dma source(%dma_start3A_24 : memref<640x128xf32, #tpu.memory_space<vmem_shared>>) target(%dma_start3A_22 : memref<640x128xf32, #tpu.memory_space<hbm>>) target_semaphore(%run_scoped3A : memref<!tpu.dma_semaphore, #tpu.memory_space<semaphore_mem>>)
      %dma_wait3A = arith.constant 0 : i32
      %dma_wait3A_25 = tpu.memref_slice %arg5[%arg0, %mul3A_19, %dma_wait3A] : memref<2x10240x128xf32, #tpu.memory_space<hbm>> -> memref<1x640x128xf32, #tpu.memory_space<hbm>>
      %dma_wait3A_26 = tpu.memref_squeeze %dma_wait3A_25 : memref<1x640x128xf32, #tpu.memory_space<hbm>> -> memref<640x128xf32, #tpu.memory_space<hbm>>
      %dma_wait3A_27 = arith.constant 0 : i32
      %dma_wait3A_28 = tpu.memref_slice %arg12[%mul3A_19, %dma_wait3A_27] : memref<10240x128xf32, #tpu.memory_space<vmem_shared>> -> memref<640x128xf32, #tpu.memory_space<vmem_shared>>
      tpu.wait_dma2 semaphore(%run_scoped3A : memref<!tpu.dma_semaphore, #tpu.memory_space<semaphore_mem>>) src(%dma_wait3A_28 : memref<640x128xf32, #tpu.memory_space<vmem_shared>>) dst(%dma_wait3A_26 : memref<640x128xf32, #tpu.memory_space<hbm>>)
      tpu.yield
    }) : () -> ()
    return
  }
}

#map = affine_map<(d0, d1) -> (0, 0)>
#map1 = affine_map<(d0, d1) -> (0, 0, 0)>
module attributes {stable_mosaic.version = 14 : i64} {
  func.func @_agg_body(%arg0: i32, %arg1: i32, %arg2: memref<10240x128xf32, #tpu.memory_space<hbm>>, %arg3: memref<32x80x128xi32, #tpu.memory_space<hbm>>, %arg4: memref<32x80x128xi32, #tpu.memory_space<hbm>>, %arg5: memref<64x128xf32, #tpu.memory_space<hbm>>, %arg6: memref<2x10240x128xf32, #tpu.memory_space<hbm>>, %arg7: memref<8x128xi32, #tpu.memory_space<vmem>>, %arg8: memref<8x128xi32, #tpu.memory_space<vmem>>, %arg9: memref<8x128xi32, #tpu.memory_space<vmem>>, %arg10: memref<8x128xi32, #tpu.memory_space<vmem>>, %arg11: memref<128x128xf32, #tpu.memory_space<vmem>>, %arg12: memref<128x128xf32, #tpu.memory_space<vmem>>, %arg13: memref<64x128xf32, #tpu.memory_space<vmem>>, %arg14: memref<!tpu.dma_semaphore, #tpu.memory_space<semaphore_mem>>, %arg15: memref<!tpu.dma_semaphore, #tpu.memory_space<semaphore_mem>>, %arg16: memref<!tpu.dma_semaphore, #tpu.memory_space<semaphore_mem>>, %arg17: memref<!tpu.dma_semaphore, #tpu.memory_space<semaphore_mem>>, %arg18: memref<10240x128xf32, #tpu.memory_space<vmem_shared>>) attributes {dimension_semantics = [#tpu.dimension_semantics<core_parallel>, #tpu.dimension_semantics<subcore_parallel>], iteration_bounds = array<i64: 2, 16>, scalar_prefetch = 0 : i64, scratch_operands = 12 : i64, tpu.core_type = #tpu.core_type<sc_vector_subcore>, window_params = [{transform_indices = #map}, {transform_indices = #map1}, {transform_indices = #map1}, {transform_indices = #map}, {transform_indices = #map1}]} {
    %mul3A = arith.constant 16 : i32
    %mul3A_0 = arith.muli %arg0, %mul3A : i32
    %add3A = arith.addi %mul3A_0, %arg1 : i32
    "tpu.region"() ({
      %run_scoped3A = tpu.sem_alloc : memref<!tpu.dma_semaphore, #tpu.memory_space<semaphore_mem>>
      tpu.enqueue_dma source(%arg5 : memref<64x128xf32, #tpu.memory_space<hbm>>) target(%arg13 : memref<64x128xf32, #tpu.memory_space<vmem>>) target_semaphore(%run_scoped3A : memref<!tpu.dma_semaphore, #tpu.memory_space<semaphore_mem>>)
      tpu.wait_dma2 semaphore(%run_scoped3A : memref<!tpu.dma_semaphore, #tpu.memory_space<semaphore_mem>>) src(%arg5 : memref<64x128xf32, #tpu.memory_space<hbm>>) dst(%arg13 : memref<64x128xf32, #tpu.memory_space<vmem>>)
      tpu.yield
    }) : () -> ()
    %scan3A = arith.constant 0 : i32
    %scan3A_1 = arith.constant 10 : i32
    %scan3A_2 = arith.addi %scan3A, %scan3A_1 : i32
    %scan3A_3 = arith.constant 1 : i32
    scf.for %scan3A_28 = %scan3A to %scan3A_2 step %scan3A_3  : i32 {
      %mul3A_29 = arith.constant 1 : i32
      %mul3A_30 = arith.muli %scan3A_28, %mul3A_29 : i32
      %add3A_31 = arith.constant 0 : i32
      %add3A_32 = arith.addi %add3A_31, %mul3A_30 : i32
      %mul3A_33 = arith.constant 640 : i32
      %mul3A_34 = arith.muli %arg1, %mul3A_33 : i32
      %mul3A_35 = arith.constant 64 : i32
      %mul3A_36 = arith.muli %add3A_32, %mul3A_35 : i32
      %add3A_37 = arith.addi %mul3A_34, %mul3A_36 : i32
      "tpu.region"() ({
        %run_scoped3A = tpu.sem_alloc : memref<!tpu.dma_semaphore, #tpu.memory_space<semaphore_mem>>
        %dma_start3A_38 = arith.constant 0 : i32
        %dma_start3A_39 = tpu.memref_slice %arg18[%add3A_37, %dma_start3A_38] : memref<10240x128xf32, #tpu.memory_space<vmem_shared>> -> memref<64x128xf32, #tpu.memory_space<vmem_shared>>
        %dma_start3A_40 = arith.constant 0 : i32
        %dma_start3A_41 = tpu.memref_slice %arg18[%add3A_37, %dma_start3A_40] : memref<10240x128xf32, #tpu.memory_space<vmem_shared>> -> memref<64x128xf32, #tpu.memory_space<vmem_shared>>
        tpu.enqueue_dma source(%arg13 : memref<64x128xf32, #tpu.memory_space<vmem>>) target(%dma_start3A_41 : memref<64x128xf32, #tpu.memory_space<vmem_shared>>) target_semaphore(%run_scoped3A : memref<!tpu.dma_semaphore, #tpu.memory_space<semaphore_mem>>)
        %dma_wait3A = arith.constant 0 : i32
        %dma_wait3A_42 = tpu.memref_slice %arg18[%add3A_37, %dma_wait3A] : memref<10240x128xf32, #tpu.memory_space<vmem_shared>> -> memref<64x128xf32, #tpu.memory_space<vmem_shared>>
        %dma_wait3A_43 = arith.constant 0 : i32
        %dma_wait3A_44 = tpu.memref_slice %arg18[%add3A_37, %dma_wait3A_43] : memref<10240x128xf32, #tpu.memory_space<vmem_shared>> -> memref<64x128xf32, #tpu.memory_space<vmem_shared>>
        tpu.wait_dma2 semaphore(%run_scoped3A : memref<!tpu.dma_semaphore, #tpu.memory_space<semaphore_mem>>) src(%arg13 : memref<64x128xf32, #tpu.memory_space<vmem>>) dst(%dma_wait3A_44 : memref<64x128xf32, #tpu.memory_space<vmem_shared>>)
        tpu.yield
      }) : () -> ()
    }
    %scan3A_4 = arith.constant 10 : i32
    %dma_start3A = arith.constant 0 : i32
    %dma_start3A_5 = arith.constant 0 : i32
    %dma_start3A_6 = tpu.memref_slice %arg3[%add3A, %dma_start3A, %dma_start3A_5] : memref<32x80x128xi32, #tpu.memory_space<hbm>> -> memref<1x8x128xi32, #tpu.memory_space<hbm>>
    %dma_start3A_7 = tpu.memref_squeeze %dma_start3A_6 : memref<1x8x128xi32, #tpu.memory_space<hbm>> -> memref<8x128xi32, #tpu.memory_space<hbm>>
    %dma_start3A_8 = arith.constant 0 : i32
    %dma_start3A_9 = arith.constant 0 : i32
    %dma_start3A_10 = tpu.memref_slice %arg3[%add3A, %dma_start3A_8, %dma_start3A_9] : memref<32x80x128xi32, #tpu.memory_space<hbm>> -> memref<1x8x128xi32, #tpu.memory_space<hbm>>
    %dma_start3A_11 = tpu.memref_squeeze %dma_start3A_10 : memref<1x8x128xi32, #tpu.memory_space<hbm>> -> memref<8x128xi32, #tpu.memory_space<hbm>>
    tpu.enqueue_dma source(%dma_start3A_11 : memref<8x128xi32, #tpu.memory_space<hbm>>) target(%arg7 : memref<8x128xi32, #tpu.memory_space<vmem>>) target_semaphore(%arg14 : memref<!tpu.dma_semaphore, #tpu.memory_space<semaphore_mem>>)
    %dma_start3A_12 = arith.constant 0 : i32
    %dma_start3A_13 = arith.constant 0 : i32
    %dma_start3A_14 = tpu.memref_slice %arg4[%add3A, %dma_start3A_12, %dma_start3A_13] : memref<32x80x128xi32, #tpu.memory_space<hbm>> -> memref<1x8x128xi32, #tpu.memory_space<hbm>>
    %dma_start3A_15 = tpu.memref_squeeze %dma_start3A_14 : memref<1x8x128xi32, #tpu.memory_space<hbm>> -> memref<8x128xi32, #tpu.memory_space<hbm>>
    %dma_start3A_16 = arith.constant 0 : i32
    %dma_start3A_17 = arith.constant 0 : i32
    %dma_start3A_18 = tpu.memref_slice %arg4[%add3A, %dma_start3A_16, %dma_start3A_17] : memref<32x80x128xi32, #tpu.memory_space<hbm>> -> memref<1x8x128xi32, #tpu.memory_space<hbm>>
    %dma_start3A_19 = tpu.memref_squeeze %dma_start3A_18 : memref<1x8x128xi32, #tpu.memory_space<hbm>> -> memref<8x128xi32, #tpu.memory_space<hbm>>
    tpu.enqueue_dma source(%dma_start3A_19 : memref<8x128xi32, #tpu.memory_space<hbm>>) target(%arg8 : memref<8x128xi32, #tpu.memory_space<vmem>>) target_semaphore(%arg14 : memref<!tpu.dma_semaphore, #tpu.memory_space<semaphore_mem>>)
    %barrier3A = arith.constant 0 : index
    tpu.barrier barrier_id(%barrier3A)
    %scan3A_20 = arith.constant 0 : i32
    %scan3A_21 = arith.constant 5 : i32
    %scan3A_22 = arith.addi %scan3A_20, %scan3A_21 : i32
    %scan3A_23 = arith.constant 1 : i32
    scf.for %scan3A_28 = %scan3A_20 to %scan3A_22 step %scan3A_23  : i32 {
      %mul3A_29 = arith.constant 2 : i32
      %mul3A_30 = arith.muli %scan3A_28, %mul3A_29 : i32
      %add3A_31 = arith.constant 0 : i32
      %add3A_32 = arith.addi %add3A_31, %mul3A_30 : i32
      %add3A_33 = arith.constant 1 : i32
      %add3A_34 = arith.addi %add3A_32, %add3A_33 : i32
      %mul3A_35 = arith.constant 8 : i32
      %mul3A_36 = arith.muli %add3A_34, %mul3A_35 : i32
      %dma_start3A_37 = arith.constant 0 : i32
      %dma_start3A_38 = tpu.memref_slice %arg3[%add3A, %mul3A_36, %dma_start3A_37] : memref<32x80x128xi32, #tpu.memory_space<hbm>> -> memref<1x8x128xi32, #tpu.memory_space<hbm>>
      %dma_start3A_39 = tpu.memref_squeeze %dma_start3A_38 : memref<1x8x128xi32, #tpu.memory_space<hbm>> -> memref<8x128xi32, #tpu.memory_space<hbm>>
      %dma_start3A_40 = arith.constant 0 : i32
      %dma_start3A_41 = tpu.memref_slice %arg3[%add3A, %mul3A_36, %dma_start3A_40] : memref<32x80x128xi32, #tpu.memory_space<hbm>> -> memref<1x8x128xi32, #tpu.memory_space<hbm>>
      %dma_start3A_42 = tpu.memref_squeeze %dma_start3A_41 : memref<1x8x128xi32, #tpu.memory_space<hbm>> -> memref<8x128xi32, #tpu.memory_space<hbm>>
      tpu.enqueue_dma source(%dma_start3A_42 : memref<8x128xi32, #tpu.memory_space<hbm>>) target(%arg9 : memref<8x128xi32, #tpu.memory_space<vmem>>) target_semaphore(%arg15 : memref<!tpu.dma_semaphore, #tpu.memory_space<semaphore_mem>>)
      %add3A_43 = arith.constant 1 : i32
      %add3A_44 = arith.addi %add3A_32, %add3A_43 : i32
      %mul3A_45 = arith.constant 8 : i32
      %mul3A_46 = arith.muli %add3A_44, %mul3A_45 : i32
      %dma_start3A_47 = arith.constant 0 : i32
      %dma_start3A_48 = tpu.memref_slice %arg4[%add3A, %mul3A_46, %dma_start3A_47] : memref<32x80x128xi32, #tpu.memory_space<hbm>> -> memref<1x8x128xi32, #tpu.memory_space<hbm>>
      %dma_start3A_49 = tpu.memref_squeeze %dma_start3A_48 : memref<1x8x128xi32, #tpu.memory_space<hbm>> -> memref<8x128xi32, #tpu.memory_space<hbm>>
      %dma_start3A_50 = arith.constant 0 : i32
      %dma_start3A_51 = tpu.memref_slice %arg4[%add3A, %mul3A_46, %dma_start3A_50] : memref<32x80x128xi32, #tpu.memory_space<hbm>> -> memref<1x8x128xi32, #tpu.memory_space<hbm>>
      %dma_start3A_52 = tpu.memref_squeeze %dma_start3A_51 : memref<1x8x128xi32, #tpu.memory_space<hbm>> -> memref<8x128xi32, #tpu.memory_space<hbm>>
      tpu.enqueue_dma source(%dma_start3A_52 : memref<8x128xi32, #tpu.memory_space<hbm>>) target(%arg10 : memref<8x128xi32, #tpu.memory_space<vmem>>) target_semaphore(%arg15 : memref<!tpu.dma_semaphore, #tpu.memory_space<semaphore_mem>>)
      %mul3A_53 = arith.constant 8 : i32
      %mul3A_54 = arith.muli %add3A_32, %mul3A_53 : i32
      %dma_wait3A = arith.constant 0 : i32
      %dma_wait3A_55 = tpu.memref_slice %arg3[%add3A, %mul3A_54, %dma_wait3A] : memref<32x80x128xi32, #tpu.memory_space<hbm>> -> memref<1x8x128xi32, #tpu.memory_space<hbm>>
      %dma_wait3A_56 = tpu.memref_squeeze %dma_wait3A_55 : memref<1x8x128xi32, #tpu.memory_space<hbm>> -> memref<8x128xi32, #tpu.memory_space<hbm>>
      %dma_wait3A_57 = arith.constant 0 : i32
      %dma_wait3A_58 = tpu.memref_slice %arg3[%add3A, %mul3A_54, %dma_wait3A_57] : memref<32x80x128xi32, #tpu.memory_space<hbm>> -> memref<1x8x128xi32, #tpu.memory_space<hbm>>
      %dma_wait3A_59 = tpu.memref_squeeze %dma_wait3A_58 : memref<1x8x128xi32, #tpu.memory_space<hbm>> -> memref<8x128xi32, #tpu.memory_space<hbm>>
      tpu.wait_dma2 semaphore(%arg14 : memref<!tpu.dma_semaphore, #tpu.memory_space<semaphore_mem>>) src(%dma_wait3A_59 : memref<8x128xi32, #tpu.memory_space<hbm>>) dst(%arg7 : memref<8x128xi32, #tpu.memory_space<vmem>>)
      %mul3A_60 = arith.constant 8 : i32
      %mul3A_61 = arith.muli %add3A_32, %mul3A_60 : i32
      %dma_wait3A_62 = arith.constant 0 : i32
      %dma_wait3A_63 = tpu.memref_slice %arg4[%add3A, %mul3A_61, %dma_wait3A_62] : memref<32x80x128xi32, #tpu.memory_space<hbm>> -> memref<1x8x128xi32, #tpu.memory_space<hbm>>
      %dma_wait3A_64 = tpu.memref_squeeze %dma_wait3A_63 : memref<1x8x128xi32, #tpu.memory_space<hbm>> -> memref<8x128xi32, #tpu.memory_space<hbm>>
      %dma_wait3A_65 = arith.constant 0 : i32
      %dma_wait3A_66 = tpu.memref_slice %arg4[%add3A, %mul3A_61, %dma_wait3A_65] : memref<32x80x128xi32, #tpu.memory_space<hbm>> -> memref<1x8x128xi32, #tpu.memory_space<hbm>>
      %dma_wait3A_67 = tpu.memref_squeeze %dma_wait3A_66 : memref<1x8x128xi32, #tpu.memory_space<hbm>> -> memref<8x128xi32, #tpu.memory_space<hbm>>
      tpu.wait_dma2 semaphore(%arg14 : memref<!tpu.dma_semaphore, #tpu.memory_space<semaphore_mem>>) src(%dma_wait3A_67 : memref<8x128xi32, #tpu.memory_space<hbm>>) dst(%arg8 : memref<8x128xi32, #tpu.memory_space<vmem>>)
      %dma_start3A_68 = arith.constant 0 : i32
      %dma_start3A_69 = arith.constant 0 : i32
      %dma_start3A_70 = tpu.memref_slice %arg7[%dma_start3A_68, %dma_start3A_69] : memref<8x128xi32, #tpu.memory_space<vmem>> -> memref<1x128xi32, #tpu.memory_space<vmem>>
      %dma_start3A_71 = tpu.memref_squeeze %dma_start3A_70 : memref<1x128xi32, #tpu.memory_space<vmem>> -> memref<128xi32, #tpu.memory_space<vmem>>
      %dma_start3A_72 = arith.constant 0 : i32
      %dma_start3A_73 = arith.constant 0 : i32
      %dma_start3A_74 = tpu.memref_slice %arg2[%dma_start3A_72, %dma_start3A_73] : memref<10240x128xf32, #tpu.memory_space<hbm>> -> memref<10240x128xf32, #tpu.memory_space<hbm>>
      tpu.enqueue_indirect_dma source(%dma_start3A_74 : memref<10240x128xf32, #tpu.memory_space<hbm>>) target(%arg11 : memref<128x128xf32, #tpu.memory_space<vmem>>) offsets(%dma_start3A_71 : memref<128xi32, #tpu.memory_space<vmem>>) semaphore(%arg16 : memref<!tpu.dma_semaphore, #tpu.memory_space<semaphore_mem>>)
      %scan3A_75 = arith.constant 0 : i32
      %scan3A_76 = arith.constant 4 : i32
      %scan3A_77 = arith.addi %scan3A_75, %scan3A_76 : i32
      %scan3A_78 = arith.constant 1 : i32
      scf.for %scan3A_116 = %scan3A_75 to %scan3A_77 step %scan3A_78  : i32 {
        %mul3A_117 = arith.constant 2 : i32
        %mul3A_118 = arith.muli %scan3A_116, %mul3A_117 : i32
        %add3A_119 = arith.constant 0 : i32
        %add3A_120 = arith.addi %add3A_119, %mul3A_118 : i32
        %add3A_121 = arith.constant 1 : i32
        %add3A_122 = arith.addi %add3A_120, %add3A_121 : i32
        %dma_start3A_123 = arith.constant 0 : i32
        %dma_start3A_124 = tpu.memref_slice %arg7[%add3A_122, %dma_start3A_123] : memref<8x128xi32, #tpu.memory_space<vmem>> -> memref<1x128xi32, #tpu.memory_space<vmem>>
        %dma_start3A_125 = tpu.memref_squeeze %dma_start3A_124 : memref<1x128xi32, #tpu.memory_space<vmem>> -> memref<128xi32, #tpu.memory_space<vmem>>
        %dma_start3A_126 = arith.constant 0 : i32
        %dma_start3A_127 = arith.constant 0 : i32
        %dma_start3A_128 = tpu.memref_slice %arg2[%dma_start3A_126, %dma_start3A_127] : memref<10240x128xf32, #tpu.memory_space<hbm>> -> memref<10240x128xf32, #tpu.memory_space<hbm>>
        tpu.enqueue_indirect_dma source(%dma_start3A_128 : memref<10240x128xf32, #tpu.memory_space<hbm>>) target(%arg12 : memref<128x128xf32, #tpu.memory_space<vmem>>) offsets(%dma_start3A_125 : memref<128xi32, #tpu.memory_space<vmem>>) semaphore(%arg17 : memref<!tpu.dma_semaphore, #tpu.memory_space<semaphore_mem>>)
        %dma_wait3A_129 = arith.constant 0 : i32
        %dma_wait3A_130 = tpu.memref_slice %arg7[%add3A_120, %dma_wait3A_129] : memref<8x128xi32, #tpu.memory_space<vmem>> -> memref<1x128xi32, #tpu.memory_space<vmem>>
        %dma_wait3A_131 = tpu.memref_squeeze %dma_wait3A_130 : memref<1x128xi32, #tpu.memory_space<vmem>> -> memref<128xi32, #tpu.memory_space<vmem>>
        %dma_wait3A_132 = arith.constant 0 : i32
        %dma_wait3A_133 = arith.constant 0 : i32
        %dma_wait3A_134 = tpu.memref_slice %arg2[%dma_wait3A_132, %dma_wait3A_133] : memref<10240x128xf32, #tpu.memory_space<hbm>> -> memref<10240x128xf32, #tpu.memory_space<hbm>>
        tpu.wait_indirect_dma semaphore(%arg16 : memref<!tpu.dma_semaphore, #tpu.memory_space<semaphore_mem>>) src(%dma_wait3A_134 : memref<10240x128xf32, #tpu.memory_space<hbm>>) dst(%arg11 : memref<128x128xf32, #tpu.memory_space<vmem>>)
        "tpu.region"() ({
          %run_scoped3A = tpu.sem_alloc : memref<!tpu.dma_semaphore, #tpu.memory_space<semaphore_mem>>
          %dma_start3A_152 = arith.constant 0 : i32
          %dma_start3A_153 = tpu.memref_slice %arg8[%add3A_120, %dma_start3A_152] : memref<8x128xi32, #tpu.memory_space<vmem>> -> memref<1x128xi32, #tpu.memory_space<vmem>>
          %dma_start3A_154 = tpu.memref_squeeze %dma_start3A_153 : memref<1x128xi32, #tpu.memory_space<vmem>> -> memref<128xi32, #tpu.memory_space<vmem>>
          %dma_start3A_155 = arith.constant 0 : i32
          %dma_start3A_156 = arith.constant 0 : i32
          %dma_start3A_157 = tpu.memref_slice %arg18[%dma_start3A_155, %dma_start3A_156] : memref<10240x128xf32, #tpu.memory_space<vmem_shared>> -> memref<10240x128xf32, #tpu.memory_space<vmem_shared>>
          tpu.enqueue_indirect_dma source(%arg11 : memref<128x128xf32, #tpu.memory_space<vmem>>) target(%dma_start3A_157 : memref<10240x128xf32, #tpu.memory_space<vmem_shared>>) offsets(%dma_start3A_154 : memref<128xi32, #tpu.memory_space<vmem>>) semaphore(%run_scoped3A : memref<!tpu.dma_semaphore, #tpu.memory_space<semaphore_mem>>) {add = true}
          %dma_wait3A_158 = arith.constant 0 : i32
          %dma_wait3A_159 = tpu.memref_slice %arg8[%add3A_120, %dma_wait3A_158] : memref<8x128xi32, #tpu.memory_space<vmem>> -> memref<1x128xi32, #tpu.memory_space<vmem>>
          %dma_wait3A_160 = tpu.memref_squeeze %dma_wait3A_159 : memref<1x128xi32, #tpu.memory_space<vmem>> -> memref<128xi32, #tpu.memory_space<vmem>>
          %dma_wait3A_161 = arith.constant 0 : i32
          %dma_wait3A_162 = arith.constant 0 : i32
          %dma_wait3A_163 = tpu.memref_slice %arg18[%dma_wait3A_161, %dma_wait3A_162] : memref<10240x128xf32, #tpu.memory_space<vmem_shared>> -> memref<10240x128xf32, #tpu.memory_space<vmem_shared>>
          tpu.wait_indirect_dma semaphore(%run_scoped3A : memref<!tpu.dma_semaphore, #tpu.memory_space<semaphore_mem>>) src(%arg11 : memref<128x128xf32, #tpu.memory_space<vmem>>) dst(%dma_wait3A_163 : memref<10240x128xf32, #tpu.memory_space<vmem_shared>>)
          tpu.yield
        }) : () -> ()
        %add3A_135 = arith.constant 2 : i32
        %add3A_136 = arith.addi %add3A_120, %add3A_135 : i32
        %lt3A_137 = arith.constant 8 : i32
        %lt3A_138 = arith.cmpi slt, %add3A_136, %lt3A_137 : i32
        %convert_element_type3A_139 = arith.extui %lt3A_138 : i1 to i32
        %cond3A_140 = arith.constant 0 : i32
        %cond3A_141 = arith.cmpi ne, %convert_element_type3A_139, %cond3A_140 : i32
        scf.if %cond3A_141 {
          %add3A_152 = arith.constant 2 : i32
          %add3A_153 = arith.addi %add3A_120, %add3A_152 : i32
          %dma_start3A_154 = arith.constant 0 : i32
          %dma_start3A_155 = tpu.memref_slice %arg7[%add3A_153, %dma_start3A_154] : memref<8x128xi32, #tpu.memory_space<vmem>> -> memref<1x128xi32, #tpu.memory_space<vmem>>
          %dma_start3A_156 = tpu.memref_squeeze %dma_start3A_155 : memref<1x128xi32, #tpu.memory_space<vmem>> -> memref<128xi32, #tpu.memory_space<vmem>>
          %dma_start3A_157 = arith.constant 0 : i32
          %dma_start3A_158 = arith.constant 0 : i32
          %dma_start3A_159 = tpu.memref_slice %arg2[%dma_start3A_157, %dma_start3A_158] : memref<10240x128xf32, #tpu.memory_space<hbm>> -> memref<10240x128xf32, #tpu.memory_space<hbm>>
          tpu.enqueue_indirect_dma source(%dma_start3A_159 : memref<10240x128xf32, #tpu.memory_space<hbm>>) target(%arg11 : memref<128x128xf32, #tpu.memory_space<vmem>>) offsets(%dma_start3A_156 : memref<128xi32, #tpu.memory_space<vmem>>) semaphore(%arg16 : memref<!tpu.dma_semaphore, #tpu.memory_space<semaphore_mem>>)
        } else {
        }
        %add3A_142 = arith.constant 1 : i32
        %add3A_143 = arith.addi %add3A_120, %add3A_142 : i32
        %dma_wait3A_144 = arith.constant 0 : i32
        %dma_wait3A_145 = tpu.memref_slice %arg7[%add3A_143, %dma_wait3A_144] : memref<8x128xi32, #tpu.memory_space<vmem>> -> memref<1x128xi32, #tpu.memory_space<vmem>>
        %dma_wait3A_146 = tpu.memref_squeeze %dma_wait3A_145 : memref<1x128xi32, #tpu.memory_space<vmem>> -> memref<128xi32, #tpu.memory_space<vmem>>
        %dma_wait3A_147 = arith.constant 0 : i32
        %dma_wait3A_148 = arith.constant 0 : i32
        %dma_wait3A_149 = tpu.memref_slice %arg2[%dma_wait3A_147, %dma_wait3A_148] : memref<10240x128xf32, #tpu.memory_space<hbm>> -> memref<10240x128xf32, #tpu.memory_space<hbm>>
        tpu.wait_indirect_dma semaphore(%arg17 : memref<!tpu.dma_semaphore, #tpu.memory_space<semaphore_mem>>) src(%dma_wait3A_149 : memref<10240x128xf32, #tpu.memory_space<hbm>>) dst(%arg12 : memref<128x128xf32, #tpu.memory_space<vmem>>)
        %add3A_150 = arith.constant 1 : i32
        %add3A_151 = arith.addi %add3A_120, %add3A_150 : i32
        "tpu.region"() ({
          %run_scoped3A = tpu.sem_alloc : memref<!tpu.dma_semaphore, #tpu.memory_space<semaphore_mem>>
          %dma_start3A_152 = arith.constant 0 : i32
          %dma_start3A_153 = tpu.memref_slice %arg8[%add3A_151, %dma_start3A_152] : memref<8x128xi32, #tpu.memory_space<vmem>> -> memref<1x128xi32, #tpu.memory_space<vmem>>
          %dma_start3A_154 = tpu.memref_squeeze %dma_start3A_153 : memref<1x128xi32, #tpu.memory_space<vmem>> -> memref<128xi32, #tpu.memory_space<vmem>>
          %dma_start3A_155 = arith.constant 0 : i32
          %dma_start3A_156 = arith.constant 0 : i32
          %dma_start3A_157 = tpu.memref_slice %arg18[%dma_start3A_155, %dma_start3A_156] : memref<10240x128xf32, #tpu.memory_space<vmem_shared>> -> memref<10240x128xf32, #tpu.memory_space<vmem_shared>>
          tpu.enqueue_indirect_dma source(%arg12 : memref<128x128xf32, #tpu.memory_space<vmem>>) target(%dma_start3A_157 : memref<10240x128xf32, #tpu.memory_space<vmem_shared>>) offsets(%dma_start3A_154 : memref<128xi32, #tpu.memory_space<vmem>>) semaphore(%run_scoped3A : memref<!tpu.dma_semaphore, #tpu.memory_space<semaphore_mem>>) {add = true}
          %dma_wait3A_158 = arith.constant 0 : i32
          %dma_wait3A_159 = tpu.memref_slice %arg8[%add3A_151, %dma_wait3A_158] : memref<8x128xi32, #tpu.memory_space<vmem>> -> memref<1x128xi32, #tpu.memory_space<vmem>>
          %dma_wait3A_160 = tpu.memref_squeeze %dma_wait3A_159 : memref<1x128xi32, #tpu.memory_space<vmem>> -> memref<128xi32, #tpu.memory_space<vmem>>
          %dma_wait3A_161 = arith.constant 0 : i32
          %dma_wait3A_162 = arith.constant 0 : i32
          %dma_wait3A_163 = tpu.memref_slice %arg18[%dma_wait3A_161, %dma_wait3A_162] : memref<10240x128xf32, #tpu.memory_space<vmem_shared>> -> memref<10240x128xf32, #tpu.memory_space<vmem_shared>>
          tpu.wait_indirect_dma semaphore(%run_scoped3A : memref<!tpu.dma_semaphore, #tpu.memory_space<semaphore_mem>>) src(%arg12 : memref<128x128xf32, #tpu.memory_space<vmem>>) dst(%dma_wait3A_163 : memref<10240x128xf32, #tpu.memory_space<vmem_shared>>)
          tpu.yield
        }) : () -> ()
      }
      %scan3A_79 = arith.constant 4 : i32
      %add3A_80 = arith.constant 2 : i32
      %add3A_81 = arith.addi %add3A_32, %add3A_80 : i32
      %lt3A = arith.constant 10 : i32
      %lt3A_82 = arith.cmpi slt, %add3A_81, %lt3A : i32
      %convert_element_type3A = arith.extui %lt3A_82 : i1 to i32
      %cond3A = arith.constant 0 : i32
      %cond3A_83 = arith.cmpi ne, %convert_element_type3A, %cond3A : i32
      scf.if %cond3A_83 {
        %add3A_116 = arith.constant 2 : i32
        %add3A_117 = arith.addi %add3A_32, %add3A_116 : i32
        %mul3A_118 = arith.constant 8 : i32
        %mul3A_119 = arith.muli %add3A_117, %mul3A_118 : i32
        %dma_start3A_120 = arith.constant 0 : i32
        %dma_start3A_121 = tpu.memref_slice %arg3[%add3A, %mul3A_119, %dma_start3A_120] : memref<32x80x128xi32, #tpu.memory_space<hbm>> -> memref<1x8x128xi32, #tpu.memory_space<hbm>>
        %dma_start3A_122 = tpu.memref_squeeze %dma_start3A_121 : memref<1x8x128xi32, #tpu.memory_space<hbm>> -> memref<8x128xi32, #tpu.memory_space<hbm>>
        %dma_start3A_123 = arith.constant 0 : i32
        %dma_start3A_124 = tpu.memref_slice %arg3[%add3A, %mul3A_119, %dma_start3A_123] : memref<32x80x128xi32, #tpu.memory_space<hbm>> -> memref<1x8x128xi32, #tpu.memory_space<hbm>>
        %dma_start3A_125 = tpu.memref_squeeze %dma_start3A_124 : memref<1x8x128xi32, #tpu.memory_space<hbm>> -> memref<8x128xi32, #tpu.memory_space<hbm>>
        tpu.enqueue_dma source(%dma_start3A_125 : memref<8x128xi32, #tpu.memory_space<hbm>>) target(%arg7 : memref<8x128xi32, #tpu.memory_space<vmem>>) target_semaphore(%arg14 : memref<!tpu.dma_semaphore, #tpu.memory_space<semaphore_mem>>)
        %add3A_126 = arith.constant 2 : i32
        %add3A_127 = arith.addi %add3A_32, %add3A_126 : i32
        %mul3A_128 = arith.constant 8 : i32
        %mul3A_129 = arith.muli %add3A_127, %mul3A_128 : i32
        %dma_start3A_130 = arith.constant 0 : i32
        %dma_start3A_131 = tpu.memref_slice %arg4[%add3A, %mul3A_129, %dma_start3A_130] : memref<32x80x128xi32, #tpu.memory_space<hbm>> -> memref<1x8x128xi32, #tpu.memory_space<hbm>>
        %dma_start3A_132 = tpu.memref_squeeze %dma_start3A_131 : memref<1x8x128xi32, #tpu.memory_space<hbm>> -> memref<8x128xi32, #tpu.memory_space<hbm>>
        %dma_start3A_133 = arith.constant 0 : i32
        %dma_start3A_134 = tpu.memref_slice %arg4[%add3A, %mul3A_129, %dma_start3A_133] : memref<32x80x128xi32, #tpu.memory_space<hbm>> -> memref<1x8x128xi32, #tpu.memory_space<hbm>>
        %dma_start3A_135 = tpu.memref_squeeze %dma_start3A_134 : memref<1x8x128xi32, #tpu.memory_space<hbm>> -> memref<8x128xi32, #tpu.memory_space<hbm>>
        tpu.enqueue_dma source(%dma_start3A_135 : memref<8x128xi32, #tpu.memory_space<hbm>>) target(%arg8 : memref<8x128xi32, #tpu.memory_space<vmem>>) target_semaphore(%arg14 : memref<!tpu.dma_semaphore, #tpu.memory_space<semaphore_mem>>)
      } else {
      }
      %add3A_84 = arith.constant 1 : i32
      %add3A_85 = arith.addi %add3A_32, %add3A_84 : i32
      %mul3A_86 = arith.constant 8 : i32
      %mul3A_87 = arith.muli %add3A_85, %mul3A_86 : i32
      %dma_wait3A_88 = arith.constant 0 : i32
      %dma_wait3A_89 = tpu.memref_slice %arg3[%add3A, %mul3A_87, %dma_wait3A_88] : memref<32x80x128xi32, #tpu.memory_space<hbm>> -> memref<1x8x128xi32, #tpu.memory_space<hbm>>
      %dma_wait3A_90 = tpu.memref_squeeze %dma_wait3A_89 : memref<1x8x128xi32, #tpu.memory_space<hbm>> -> memref<8x128xi32, #tpu.memory_space<hbm>>
      %dma_wait3A_91 = arith.constant 0 : i32
      %dma_wait3A_92 = tpu.memref_slice %arg3[%add3A, %mul3A_87, %dma_wait3A_91] : memref<32x80x128xi32, #tpu.memory_space<hbm>> -> memref<1x8x128xi32, #tpu.memory_space<hbm>>
      %dma_wait3A_93 = tpu.memref_squeeze %dma_wait3A_92 : memref<1x8x128xi32, #tpu.memory_space<hbm>> -> memref<8x128xi32, #tpu.memory_space<hbm>>
      tpu.wait_dma2 semaphore(%arg15 : memref<!tpu.dma_semaphore, #tpu.memory_space<semaphore_mem>>) src(%dma_wait3A_93 : memref<8x128xi32, #tpu.memory_space<hbm>>) dst(%arg9 : memref<8x128xi32, #tpu.memory_space<vmem>>)
      %add3A_94 = arith.constant 1 : i32
      %add3A_95 = arith.addi %add3A_32, %add3A_94 : i32
      %mul3A_96 = arith.constant 8 : i32
      %mul3A_97 = arith.muli %add3A_95, %mul3A_96 : i32
      %dma_wait3A_98 = arith.constant 0 : i32
      %dma_wait3A_99 = tpu.memref_slice %arg4[%add3A, %mul3A_97, %dma_wait3A_98] : memref<32x80x128xi32, #tpu.memory_space<hbm>> -> memref<1x8x128xi32, #tpu.memory_space<hbm>>
      %dma_wait3A_100 = tpu.memref_squeeze %dma_wait3A_99 : memref<1x8x128xi32, #tpu.memory_space<hbm>> -> memref<8x128xi32, #tpu.memory_space<hbm>>
      %dma_wait3A_101 = arith.constant 0 : i32
      %dma_wait3A_102 = tpu.memref_slice %arg4[%add3A, %mul3A_97, %dma_wait3A_101] : memref<32x80x128xi32, #tpu.memory_space<hbm>> -> memref<1x8x128xi32, #tpu.memory_space<hbm>>
      %dma_wait3A_103 = tpu.memref_squeeze %dma_wait3A_102 : memref<1x8x128xi32, #tpu.memory_space<hbm>> -> memref<8x128xi32, #tpu.memory_space<hbm>>
      tpu.wait_dma2 semaphore(%arg15 : memref<!tpu.dma_semaphore, #tpu.memory_space<semaphore_mem>>) src(%dma_wait3A_103 : memref<8x128xi32, #tpu.memory_space<hbm>>) dst(%arg10 : memref<8x128xi32, #tpu.memory_space<vmem>>)
      %dma_start3A_104 = arith.constant 0 : i32
      %dma_start3A_105 = arith.constant 0 : i32
      %dma_start3A_106 = tpu.memref_slice %arg9[%dma_start3A_104, %dma_start3A_105] : memref<8x128xi32, #tpu.memory_space<vmem>> -> memref<1x128xi32, #tpu.memory_space<vmem>>
      %dma_start3A_107 = tpu.memref_squeeze %dma_start3A_106 : memref<1x128xi32, #tpu.memory_space<vmem>> -> memref<128xi32, #tpu.memory_space<vmem>>
      %dma_start3A_108 = arith.constant 0 : i32
      %dma_start3A_109 = arith.constant 0 : i32
      %dma_start3A_110 = tpu.memref_slice %arg2[%dma_start3A_108, %dma_start3A_109] : memref<10240x128xf32, #tpu.memory_space<hbm>> -> memref<10240x128xf32, #tpu.memory_space<hbm>>
      tpu.enqueue_indirect_dma source(%dma_start3A_110 : memref<10240x128xf32, #tpu.memory_space<hbm>>) target(%arg11 : memref<128x128xf32, #tpu.memory_space<vmem>>) offsets(%dma_start3A_107 : memref<128xi32, #tpu.memory_space<vmem>>) semaphore(%arg16 : memref<!tpu.dma_semaphore, #tpu.memory_space<semaphore_mem>>)
      %scan3A_111 = arith.constant 0 : i32
      %scan3A_112 = arith.constant 4 : i32
      %scan3A_113 = arith.addi %scan3A_111, %scan3A_112 : i32
      %scan3A_114 = arith.constant 1 : i32
      scf.for %scan3A_116 = %scan3A_111 to %scan3A_113 step %scan3A_114  : i32 {
        %mul3A_117 = arith.constant 2 : i32
        %mul3A_118 = arith.muli %scan3A_116, %mul3A_117 : i32
        %add3A_119 = arith.constant 0 : i32
        %add3A_120 = arith.addi %add3A_119, %mul3A_118 : i32
        %add3A_121 = arith.constant 1 : i32
        %add3A_122 = arith.addi %add3A_120, %add3A_121 : i32
        %dma_start3A_123 = arith.constant 0 : i32
        %dma_start3A_124 = tpu.memref_slice %arg9[%add3A_122, %dma_start3A_123] : memref<8x128xi32, #tpu.memory_space<vmem>> -> memref<1x128xi32, #tpu.memory_space<vmem>>
        %dma_start3A_125 = tpu.memref_squeeze %dma_start3A_124 : memref<1x128xi32, #tpu.memory_space<vmem>> -> memref<128xi32, #tpu.memory_space<vmem>>
        %dma_start3A_126 = arith.constant 0 : i32
        %dma_start3A_127 = arith.constant 0 : i32
        %dma_start3A_128 = tpu.memref_slice %arg2[%dma_start3A_126, %dma_start3A_127] : memref<10240x128xf32, #tpu.memory_space<hbm>> -> memref<10240x128xf32, #tpu.memory_space<hbm>>
        tpu.enqueue_indirect_dma source(%dma_start3A_128 : memref<10240x128xf32, #tpu.memory_space<hbm>>) target(%arg12 : memref<128x128xf32, #tpu.memory_space<vmem>>) offsets(%dma_start3A_125 : memref<128xi32, #tpu.memory_space<vmem>>) semaphore(%arg17 : memref<!tpu.dma_semaphore, #tpu.memory_space<semaphore_mem>>)
        %dma_wait3A_129 = arith.constant 0 : i32
        %dma_wait3A_130 = tpu.memref_slice %arg9[%add3A_120, %dma_wait3A_129] : memref<8x128xi32, #tpu.memory_space<vmem>> -> memref<1x128xi32, #tpu.memory_space<vmem>>
        %dma_wait3A_131 = tpu.memref_squeeze %dma_wait3A_130 : memref<1x128xi32, #tpu.memory_space<vmem>> -> memref<128xi32, #tpu.memory_space<vmem>>
        %dma_wait3A_132 = arith.constant 0 : i32
        %dma_wait3A_133 = arith.constant 0 : i32
        %dma_wait3A_134 = tpu.memref_slice %arg2[%dma_wait3A_132, %dma_wait3A_133] : memref<10240x128xf32, #tpu.memory_space<hbm>> -> memref<10240x128xf32, #tpu.memory_space<hbm>>
        tpu.wait_indirect_dma semaphore(%arg16 : memref<!tpu.dma_semaphore, #tpu.memory_space<semaphore_mem>>) src(%dma_wait3A_134 : memref<10240x128xf32, #tpu.memory_space<hbm>>) dst(%arg11 : memref<128x128xf32, #tpu.memory_space<vmem>>)
        "tpu.region"() ({
          %run_scoped3A = tpu.sem_alloc : memref<!tpu.dma_semaphore, #tpu.memory_space<semaphore_mem>>
          %dma_start3A_152 = arith.constant 0 : i32
          %dma_start3A_153 = tpu.memref_slice %arg10[%add3A_120, %dma_start3A_152] : memref<8x128xi32, #tpu.memory_space<vmem>> -> memref<1x128xi32, #tpu.memory_space<vmem>>
          %dma_start3A_154 = tpu.memref_squeeze %dma_start3A_153 : memref<1x128xi32, #tpu.memory_space<vmem>> -> memref<128xi32, #tpu.memory_space<vmem>>
          %dma_start3A_155 = arith.constant 0 : i32
          %dma_start3A_156 = arith.constant 0 : i32
          %dma_start3A_157 = tpu.memref_slice %arg18[%dma_start3A_155, %dma_start3A_156] : memref<10240x128xf32, #tpu.memory_space<vmem_shared>> -> memref<10240x128xf32, #tpu.memory_space<vmem_shared>>
          tpu.enqueue_indirect_dma source(%arg11 : memref<128x128xf32, #tpu.memory_space<vmem>>) target(%dma_start3A_157 : memref<10240x128xf32, #tpu.memory_space<vmem_shared>>) offsets(%dma_start3A_154 : memref<128xi32, #tpu.memory_space<vmem>>) semaphore(%run_scoped3A : memref<!tpu.dma_semaphore, #tpu.memory_space<semaphore_mem>>) {add = true}
          %dma_wait3A_158 = arith.constant 0 : i32
          %dma_wait3A_159 = tpu.memref_slice %arg10[%add3A_120, %dma_wait3A_158] : memref<8x128xi32, #tpu.memory_space<vmem>> -> memref<1x128xi32, #tpu.memory_space<vmem>>
          %dma_wait3A_160 = tpu.memref_squeeze %dma_wait3A_159 : memref<1x128xi32, #tpu.memory_space<vmem>> -> memref<128xi32, #tpu.memory_space<vmem>>
          %dma_wait3A_161 = arith.constant 0 : i32
          %dma_wait3A_162 = arith.constant 0 : i32
          %dma_wait3A_163 = tpu.memref_slice %arg18[%dma_wait3A_161, %dma_wait3A_162] : memref<10240x128xf32, #tpu.memory_space<vmem_shared>> -> memref<10240x128xf32, #tpu.memory_space<vmem_shared>>
          tpu.wait_indirect_dma semaphore(%run_scoped3A : memref<!tpu.dma_semaphore, #tpu.memory_space<semaphore_mem>>) src(%arg11 : memref<128x128xf32, #tpu.memory_space<vmem>>) dst(%dma_wait3A_163 : memref<10240x128xf32, #tpu.memory_space<vmem_shared>>)
          tpu.yield
        }) : () -> ()
        %add3A_135 = arith.constant 2 : i32
        %add3A_136 = arith.addi %add3A_120, %add3A_135 : i32
        %lt3A_137 = arith.constant 8 : i32
        %lt3A_138 = arith.cmpi slt, %add3A_136, %lt3A_137 : i32
        %convert_element_type3A_139 = arith.extui %lt3A_138 : i1 to i32
        %cond3A_140 = arith.constant 0 : i32
        %cond3A_141 = arith.cmpi ne, %convert_element_type3A_139, %cond3A_140 : i32
        scf.if %cond3A_141 {
          %add3A_152 = arith.constant 2 : i32
          %add3A_153 = arith.addi %add3A_120, %add3A_152 : i32
          %dma_start3A_154 = arith.constant 0 : i32
          %dma_start3A_155 = tpu.memref_slice %arg9[%add3A_153, %dma_start3A_154] : memref<8x128xi32, #tpu.memory_space<vmem>> -> memref<1x128xi32, #tpu.memory_space<vmem>>
          %dma_start3A_156 = tpu.memref_squeeze %dma_start3A_155 : memref<1x128xi32, #tpu.memory_space<vmem>> -> memref<128xi32, #tpu.memory_space<vmem>>
          %dma_start3A_157 = arith.constant 0 : i32
          %dma_start3A_158 = arith.constant 0 : i32
          %dma_start3A_159 = tpu.memref_slice %arg2[%dma_start3A_157, %dma_start3A_158] : memref<10240x128xf32, #tpu.memory_space<hbm>> -> memref<10240x128xf32, #tpu.memory_space<hbm>>
          tpu.enqueue_indirect_dma source(%dma_start3A_159 : memref<10240x128xf32, #tpu.memory_space<hbm>>) target(%arg11 : memref<128x128xf32, #tpu.memory_space<vmem>>) offsets(%dma_start3A_156 : memref<128xi32, #tpu.memory_space<vmem>>) semaphore(%arg16 : memref<!tpu.dma_semaphore, #tpu.memory_space<semaphore_mem>>)
        } else {
        }
        %add3A_142 = arith.constant 1 : i32
        %add3A_143 = arith.addi %add3A_120, %add3A_142 : i32
        %dma_wait3A_144 = arith.constant 0 : i32
        %dma_wait3A_145 = tpu.memref_slice %arg9[%add3A_143, %dma_wait3A_144] : memref<8x128xi32, #tpu.memory_space<vmem>> -> memref<1x128xi32, #tpu.memory_space<vmem>>
        %dma_wait3A_146 = tpu.memref_squeeze %dma_wait3A_145 : memref<1x128xi32, #tpu.memory_space<vmem>> -> memref<128xi32, #tpu.memory_space<vmem>>
        %dma_wait3A_147 = arith.constant 0 : i32
        %dma_wait3A_148 = arith.constant 0 : i32
        %dma_wait3A_149 = tpu.memref_slice %arg2[%dma_wait3A_147, %dma_wait3A_148] : memref<10240x128xf32, #tpu.memory_space<hbm>> -> memref<10240x128xf32, #tpu.memory_space<hbm>>
        tpu.wait_indirect_dma semaphore(%arg17 : memref<!tpu.dma_semaphore, #tpu.memory_space<semaphore_mem>>) src(%dma_wait3A_149 : memref<10240x128xf32, #tpu.memory_space<hbm>>) dst(%arg12 : memref<128x128xf32, #tpu.memory_space<vmem>>)
        %add3A_150 = arith.constant 1 : i32
        %add3A_151 = arith.addi %add3A_120, %add3A_150 : i32
        "tpu.region"() ({
          %run_scoped3A = tpu.sem_alloc : memref<!tpu.dma_semaphore, #tpu.memory_space<semaphore_mem>>
          %dma_start3A_152 = arith.constant 0 : i32
          %dma_start3A_153 = tpu.memref_slice %arg10[%add3A_151, %dma_start3A_152] : memref<8x128xi32, #tpu.memory_space<vmem>> -> memref<1x128xi32, #tpu.memory_space<vmem>>
          %dma_start3A_154 = tpu.memref_squeeze %dma_start3A_153 : memref<1x128xi32, #tpu.memory_space<vmem>> -> memref<128xi32, #tpu.memory_space<vmem>>
          %dma_start3A_155 = arith.constant 0 : i32
          %dma_start3A_156 = arith.constant 0 : i32
          %dma_start3A_157 = tpu.memref_slice %arg18[%dma_start3A_155, %dma_start3A_156] : memref<10240x128xf32, #tpu.memory_space<vmem_shared>> -> memref<10240x128xf32, #tpu.memory_space<vmem_shared>>
          tpu.enqueue_indirect_dma source(%arg12 : memref<128x128xf32, #tpu.memory_space<vmem>>) target(%dma_start3A_157 : memref<10240x128xf32, #tpu.memory_space<vmem_shared>>) offsets(%dma_start3A_154 : memref<128xi32, #tpu.memory_space<vmem>>) semaphore(%run_scoped3A : memref<!tpu.dma_semaphore, #tpu.memory_space<semaphore_mem>>) {add = true}
          %dma_wait3A_158 = arith.constant 0 : i32
          %dma_wait3A_159 = tpu.memref_slice %arg10[%add3A_151, %dma_wait3A_158] : memref<8x128xi32, #tpu.memory_space<vmem>> -> memref<1x128xi32, #tpu.memory_space<vmem>>
          %dma_wait3A_160 = tpu.memref_squeeze %dma_wait3A_159 : memref<1x128xi32, #tpu.memory_space<vmem>> -> memref<128xi32, #tpu.memory_space<vmem>>
          %dma_wait3A_161 = arith.constant 0 : i32
          %dma_wait3A_162 = arith.constant 0 : i32
          %dma_wait3A_163 = tpu.memref_slice %arg18[%dma_wait3A_161, %dma_wait3A_162] : memref<10240x128xf32, #tpu.memory_space<vmem_shared>> -> memref<10240x128xf32, #tpu.memory_space<vmem_shared>>
          tpu.wait_indirect_dma semaphore(%run_scoped3A : memref<!tpu.dma_semaphore, #tpu.memory_space<semaphore_mem>>) src(%arg12 : memref<128x128xf32, #tpu.memory_space<vmem>>) dst(%dma_wait3A_163 : memref<10240x128xf32, #tpu.memory_space<vmem_shared>>)
          tpu.yield
        }) : () -> ()
      }
      %scan3A_115 = arith.constant 4 : i32
    }
    %scan3A_24 = arith.constant 5 : i32
    %barrier3A_25 = arith.constant 0 : index
    tpu.barrier barrier_id(%barrier3A_25)
    %mul3A_26 = arith.constant 640 : i32
    %mul3A_27 = arith.muli %arg1, %mul3A_26 : i32
    "tpu.region"() ({
      %run_scoped3A = tpu.sem_alloc : memref<!tpu.dma_semaphore, #tpu.memory_space<semaphore_mem>>
      %dma_start3A_28 = arith.constant 0 : i32
      %dma_start3A_29 = tpu.memref_slice %arg6[%arg0, %mul3A_27, %dma_start3A_28] : memref<2x10240x128xf32, #tpu.memory_space<hbm>> -> memref<1x640x128xf32, #tpu.memory_space<hbm>>
      %dma_start3A_30 = tpu.memref_squeeze %dma_start3A_29 : memref<1x640x128xf32, #tpu.memory_space<hbm>> -> memref<640x128xf32, #tpu.memory_space<hbm>>
      %dma_start3A_31 = arith.constant 0 : i32
      %dma_start3A_32 = tpu.memref_slice %arg18[%mul3A_27, %dma_start3A_31] : memref<10240x128xf32, #tpu.memory_space<vmem_shared>> -> memref<640x128xf32, #tpu.memory_space<vmem_shared>>
      tpu.enqueue_dma source(%dma_start3A_32 : memref<640x128xf32, #tpu.memory_space<vmem_shared>>) target(%dma_start3A_30 : memref<640x128xf32, #tpu.memory_space<hbm>>) target_semaphore(%run_scoped3A : memref<!tpu.dma_semaphore, #tpu.memory_space<semaphore_mem>>)
      %dma_wait3A = arith.constant 0 : i32
      %dma_wait3A_33 = tpu.memref_slice %arg6[%arg0, %mul3A_27, %dma_wait3A] : memref<2x10240x128xf32, #tpu.memory_space<hbm>> -> memref<1x640x128xf32, #tpu.memory_space<hbm>>
      %dma_wait3A_34 = tpu.memref_squeeze %dma_wait3A_33 : memref<1x640x128xf32, #tpu.memory_space<hbm>> -> memref<640x128xf32, #tpu.memory_space<hbm>>
      %dma_wait3A_35 = arith.constant 0 : i32
      %dma_wait3A_36 = tpu.memref_slice %arg18[%mul3A_27, %dma_wait3A_35] : memref<10240x128xf32, #tpu.memory_space<vmem_shared>> -> memref<640x128xf32, #tpu.memory_space<vmem_shared>>
      tpu.wait_dma2 semaphore(%run_scoped3A : memref<!tpu.dma_semaphore, #tpu.memory_space<semaphore_mem>>) src(%dma_wait3A_36 : memref<640x128xf32, #tpu.memory_space<vmem_shared>>) dst(%dma_wait3A_34 : memref<640x128xf32, #tpu.memory_space<hbm>>)
      tpu.yield
    }) : () -> ()
    return
  }
}

#map = affine_map<(d0, d1) -> (0, 0)>
#map1 = affine_map<(d0, d1) -> (0, 0, 0)>
module attributes {stable_mosaic.version = 14 : i64} {
  func.func @_agg_body(%arg0: i32, %arg1: i32, %arg2: memref<10240x128xf32, #tpu.memory_space<hbm>>, %arg3: memref<32x80x128xi32, #tpu.memory_space<hbm>>, %arg4: memref<32x80x128xi32, #tpu.memory_space<hbm>>, %arg5: memref<64x128xf32, #tpu.memory_space<hbm>>, %arg6: memref<2x10240x128xf32, #tpu.memory_space<hbm>>, %arg7: memref<8x128xi32, #tpu.memory_space<vmem>>, %arg8: memref<8x128xi32, #tpu.memory_space<vmem>>, %arg9: memref<8x128xi32, #tpu.memory_space<vmem>>, %arg10: memref<8x128xi32, #tpu.memory_space<vmem>>, %arg11: memref<128x128xf32, #tpu.memory_space<vmem>>, %arg12: memref<128x128xf32, #tpu.memory_space<vmem>>, %arg13: memref<64x128xf32, #tpu.memory_space<vmem>>, %arg14: memref<!tpu.dma_semaphore, #tpu.memory_space<semaphore_mem>>, %arg15: memref<!tpu.dma_semaphore, #tpu.memory_space<semaphore_mem>>, %arg16: memref<!tpu.dma_semaphore, #tpu.memory_space<semaphore_mem>>, %arg17: memref<!tpu.dma_semaphore, #tpu.memory_space<semaphore_mem>>, %arg18: memref<10240x128xf32, #tpu.memory_space<vmem_shared>>) attributes {dimension_semantics = [#tpu.dimension_semantics<core_parallel>, #tpu.dimension_semantics<subcore_parallel>], iteration_bounds = array<i64: 2, 16>, scalar_prefetch = 0 : i64, scratch_operands = 12 : i64, tpu.core_type = #tpu.core_type<sc_vector_subcore>, window_params = [{transform_indices = #map}, {transform_indices = #map1}, {transform_indices = #map1}, {transform_indices = #map}, {transform_indices = #map1}]} {
    %mul3A = arith.constant 16 : i32
    %mul3A_0 = arith.muli %arg0, %mul3A : i32
    %add3A = arith.addi %mul3A_0, %arg1 : i32
    "tpu.region"() ({
      %run_scoped3A = tpu.sem_alloc : memref<!tpu.dma_semaphore, #tpu.memory_space<semaphore_mem>>
      tpu.enqueue_dma source(%arg5 : memref<64x128xf32, #tpu.memory_space<hbm>>) target(%arg13 : memref<64x128xf32, #tpu.memory_space<vmem>>) target_semaphore(%run_scoped3A : memref<!tpu.dma_semaphore, #tpu.memory_space<semaphore_mem>>)
      tpu.wait_dma2 semaphore(%run_scoped3A : memref<!tpu.dma_semaphore, #tpu.memory_space<semaphore_mem>>) src(%arg5 : memref<64x128xf32, #tpu.memory_space<hbm>>) dst(%arg13 : memref<64x128xf32, #tpu.memory_space<vmem>>)
      tpu.yield
    }) : () -> ()
    %scan3A = arith.constant 0 : i32
    %scan3A_1 = arith.constant 10 : i32
    %scan3A_2 = arith.addi %scan3A, %scan3A_1 : i32
    %scan3A_3 = arith.constant 1 : i32
    scf.for %scan3A_28 = %scan3A to %scan3A_2 step %scan3A_3  : i32 {
      %mul3A_29 = arith.constant 1 : i32
      %mul3A_30 = arith.muli %scan3A_28, %mul3A_29 : i32
      %add3A_31 = arith.constant 0 : i32
      %add3A_32 = arith.addi %add3A_31, %mul3A_30 : i32
      %mul3A_33 = arith.constant 640 : i32
      %mul3A_34 = arith.muli %arg1, %mul3A_33 : i32
      %mul3A_35 = arith.constant 64 : i32
      %mul3A_36 = arith.muli %add3A_32, %mul3A_35 : i32
      %add3A_37 = arith.addi %mul3A_34, %mul3A_36 : i32
      "tpu.region"() ({
        %run_scoped3A = tpu.sem_alloc : memref<!tpu.dma_semaphore, #tpu.memory_space<semaphore_mem>>
        %dma_start3A_38 = arith.constant 0 : i32
        %dma_start3A_39 = tpu.memref_slice %arg18[%add3A_37, %dma_start3A_38] : memref<10240x128xf32, #tpu.memory_space<vmem_shared>> -> memref<64x128xf32, #tpu.memory_space<vmem_shared>>
        %dma_start3A_40 = arith.constant 0 : i32
        %dma_start3A_41 = tpu.memref_slice %arg18[%add3A_37, %dma_start3A_40] : memref<10240x128xf32, #tpu.memory_space<vmem_shared>> -> memref<64x128xf32, #tpu.memory_space<vmem_shared>>
        tpu.enqueue_dma source(%arg13 : memref<64x128xf32, #tpu.memory_space<vmem>>) target(%dma_start3A_41 : memref<64x128xf32, #tpu.memory_space<vmem_shared>>) target_semaphore(%run_scoped3A : memref<!tpu.dma_semaphore, #tpu.memory_space<semaphore_mem>>)
        %dma_wait3A = arith.constant 0 : i32
        %dma_wait3A_42 = tpu.memref_slice %arg18[%add3A_37, %dma_wait3A] : memref<10240x128xf32, #tpu.memory_space<vmem_shared>> -> memref<64x128xf32, #tpu.memory_space<vmem_shared>>
        %dma_wait3A_43 = arith.constant 0 : i32
        %dma_wait3A_44 = tpu.memref_slice %arg18[%add3A_37, %dma_wait3A_43] : memref<10240x128xf32, #tpu.memory_space<vmem_shared>> -> memref<64x128xf32, #tpu.memory_space<vmem_shared>>
        tpu.wait_dma2 semaphore(%run_scoped3A : memref<!tpu.dma_semaphore, #tpu.memory_space<semaphore_mem>>) src(%arg13 : memref<64x128xf32, #tpu.memory_space<vmem>>) dst(%dma_wait3A_44 : memref<64x128xf32, #tpu.memory_space<vmem_shared>>)
        tpu.yield
      }) : () -> ()
    }
    %scan3A_4 = arith.constant 10 : i32
    %dma_start3A = arith.constant 0 : i32
    %dma_start3A_5 = arith.constant 0 : i32
    %dma_start3A_6 = tpu.memref_slice %arg3[%add3A, %dma_start3A, %dma_start3A_5] : memref<32x80x128xi32, #tpu.memory_space<hbm>> -> memref<1x8x128xi32, #tpu.memory_space<hbm>>
    %dma_start3A_7 = tpu.memref_squeeze %dma_start3A_6 : memref<1x8x128xi32, #tpu.memory_space<hbm>> -> memref<8x128xi32, #tpu.memory_space<hbm>>
    %dma_start3A_8 = arith.constant 0 : i32
    %dma_start3A_9 = arith.constant 0 : i32
    %dma_start3A_10 = tpu.memref_slice %arg3[%add3A, %dma_start3A_8, %dma_start3A_9] : memref<32x80x128xi32, #tpu.memory_space<hbm>> -> memref<1x8x128xi32, #tpu.memory_space<hbm>>
    %dma_start3A_11 = tpu.memref_squeeze %dma_start3A_10 : memref<1x8x128xi32, #tpu.memory_space<hbm>> -> memref<8x128xi32, #tpu.memory_space<hbm>>
    tpu.enqueue_dma source(%dma_start3A_11 : memref<8x128xi32, #tpu.memory_space<hbm>>) target(%arg7 : memref<8x128xi32, #tpu.memory_space<vmem>>) target_semaphore(%arg14 : memref<!tpu.dma_semaphore, #tpu.memory_space<semaphore_mem>>)
    %dma_start3A_12 = arith.constant 0 : i32
    %dma_start3A_13 = arith.constant 0 : i32
    %dma_start3A_14 = tpu.memref_slice %arg4[%add3A, %dma_start3A_12, %dma_start3A_13] : memref<32x80x128xi32, #tpu.memory_space<hbm>> -> memref<1x8x128xi32, #tpu.memory_space<hbm>>
    %dma_start3A_15 = tpu.memref_squeeze %dma_start3A_14 : memref<1x8x128xi32, #tpu.memory_space<hbm>> -> memref<8x128xi32, #tpu.memory_space<hbm>>
    %dma_start3A_16 = arith.constant 0 : i32
    %dma_start3A_17 = arith.constant 0 : i32
    %dma_start3A_18 = tpu.memref_slice %arg4[%add3A, %dma_start3A_16, %dma_start3A_17] : memref<32x80x128xi32, #tpu.memory_space<hbm>> -> memref<1x8x128xi32, #tpu.memory_space<hbm>>
    %dma_start3A_19 = tpu.memref_squeeze %dma_start3A_18 : memref<1x8x128xi32, #tpu.memory_space<hbm>> -> memref<8x128xi32, #tpu.memory_space<hbm>>
    tpu.enqueue_dma source(%dma_start3A_19 : memref<8x128xi32, #tpu.memory_space<hbm>>) target(%arg8 : memref<8x128xi32, #tpu.memory_space<vmem>>) target_semaphore(%arg14 : memref<!tpu.dma_semaphore, #tpu.memory_space<semaphore_mem>>)
    %barrier3A = arith.constant 0 : index
    tpu.barrier barrier_id(%barrier3A)
    %scan3A_20 = arith.constant 0 : i32
    %scan3A_21 = arith.constant 5 : i32
    %scan3A_22 = arith.addi %scan3A_20, %scan3A_21 : i32
    %scan3A_23 = arith.constant 1 : i32
    scf.for %scan3A_28 = %scan3A_20 to %scan3A_22 step %scan3A_23  : i32 {
      %mul3A_29 = arith.constant 2 : i32
      %mul3A_30 = arith.muli %scan3A_28, %mul3A_29 : i32
      %add3A_31 = arith.constant 0 : i32
      %add3A_32 = arith.addi %add3A_31, %mul3A_30 : i32
      %add3A_33 = arith.constant 1 : i32
      %add3A_34 = arith.addi %add3A_32, %add3A_33 : i32
      %mul3A_35 = arith.constant 8 : i32
      %mul3A_36 = arith.muli %add3A_34, %mul3A_35 : i32
      %dma_start3A_37 = arith.constant 0 : i32
      %dma_start3A_38 = tpu.memref_slice %arg3[%add3A, %mul3A_36, %dma_start3A_37] : memref<32x80x128xi32, #tpu.memory_space<hbm>> -> memref<1x8x128xi32, #tpu.memory_space<hbm>>
      %dma_start3A_39 = tpu.memref_squeeze %dma_start3A_38 : memref<1x8x128xi32, #tpu.memory_space<hbm>> -> memref<8x128xi32, #tpu.memory_space<hbm>>
      %dma_start3A_40 = arith.constant 0 : i32
      %dma_start3A_41 = tpu.memref_slice %arg3[%add3A, %mul3A_36, %dma_start3A_40] : memref<32x80x128xi32, #tpu.memory_space<hbm>> -> memref<1x8x128xi32, #tpu.memory_space<hbm>>
      %dma_start3A_42 = tpu.memref_squeeze %dma_start3A_41 : memref<1x8x128xi32, #tpu.memory_space<hbm>> -> memref<8x128xi32, #tpu.memory_space<hbm>>
      tpu.enqueue_dma source(%dma_start3A_42 : memref<8x128xi32, #tpu.memory_space<hbm>>) target(%arg9 : memref<8x128xi32, #tpu.memory_space<vmem>>) target_semaphore(%arg15 : memref<!tpu.dma_semaphore, #tpu.memory_space<semaphore_mem>>)
      %add3A_43 = arith.constant 1 : i32
      %add3A_44 = arith.addi %add3A_32, %add3A_43 : i32
      %mul3A_45 = arith.constant 8 : i32
      %mul3A_46 = arith.muli %add3A_44, %mul3A_45 : i32
      %dma_start3A_47 = arith.constant 0 : i32
      %dma_start3A_48 = tpu.memref_slice %arg4[%add3A, %mul3A_46, %dma_start3A_47] : memref<32x80x128xi32, #tpu.memory_space<hbm>> -> memref<1x8x128xi32, #tpu.memory_space<hbm>>
      %dma_start3A_49 = tpu.memref_squeeze %dma_start3A_48 : memref<1x8x128xi32, #tpu.memory_space<hbm>> -> memref<8x128xi32, #tpu.memory_space<hbm>>
      %dma_start3A_50 = arith.constant 0 : i32
      %dma_start3A_51 = tpu.memref_slice %arg4[%add3A, %mul3A_46, %dma_start3A_50] : memref<32x80x128xi32, #tpu.memory_space<hbm>> -> memref<1x8x128xi32, #tpu.memory_space<hbm>>
      %dma_start3A_52 = tpu.memref_squeeze %dma_start3A_51 : memref<1x8x128xi32, #tpu.memory_space<hbm>> -> memref<8x128xi32, #tpu.memory_space<hbm>>
      tpu.enqueue_dma source(%dma_start3A_52 : memref<8x128xi32, #tpu.memory_space<hbm>>) target(%arg10 : memref<8x128xi32, #tpu.memory_space<vmem>>) target_semaphore(%arg15 : memref<!tpu.dma_semaphore, #tpu.memory_space<semaphore_mem>>)
      %mul3A_53 = arith.constant 8 : i32
      %mul3A_54 = arith.muli %add3A_32, %mul3A_53 : i32
      %dma_wait3A = arith.constant 0 : i32
      %dma_wait3A_55 = tpu.memref_slice %arg3[%add3A, %mul3A_54, %dma_wait3A] : memref<32x80x128xi32, #tpu.memory_space<hbm>> -> memref<1x8x128xi32, #tpu.memory_space<hbm>>
      %dma_wait3A_56 = tpu.memref_squeeze %dma_wait3A_55 : memref<1x8x128xi32, #tpu.memory_space<hbm>> -> memref<8x128xi32, #tpu.memory_space<hbm>>
      %dma_wait3A_57 = arith.constant 0 : i32
      %dma_wait3A_58 = tpu.memref_slice %arg3[%add3A, %mul3A_54, %dma_wait3A_57] : memref<32x80x128xi32, #tpu.memory_space<hbm>> -> memref<1x8x128xi32, #tpu.memory_space<hbm>>
      %dma_wait3A_59 = tpu.memref_squeeze %dma_wait3A_58 : memref<1x8x128xi32, #tpu.memory_space<hbm>> -> memref<8x128xi32, #tpu.memory_space<hbm>>
      tpu.wait_dma2 semaphore(%arg14 : memref<!tpu.dma_semaphore, #tpu.memory_space<semaphore_mem>>) src(%dma_wait3A_59 : memref<8x128xi32, #tpu.memory_space<hbm>>) dst(%arg7 : memref<8x128xi32, #tpu.memory_space<vmem>>)
      %mul3A_60 = arith.constant 8 : i32
      %mul3A_61 = arith.muli %add3A_32, %mul3A_60 : i32
      %dma_wait3A_62 = arith.constant 0 : i32
      %dma_wait3A_63 = tpu.memref_slice %arg4[%add3A, %mul3A_61, %dma_wait3A_62] : memref<32x80x128xi32, #tpu.memory_space<hbm>> -> memref<1x8x128xi32, #tpu.memory_space<hbm>>
      %dma_wait3A_64 = tpu.memref_squeeze %dma_wait3A_63 : memref<1x8x128xi32, #tpu.memory_space<hbm>> -> memref<8x128xi32, #tpu.memory_space<hbm>>
      %dma_wait3A_65 = arith.constant 0 : i32
      %dma_wait3A_66 = tpu.memref_slice %arg4[%add3A, %mul3A_61, %dma_wait3A_65] : memref<32x80x128xi32, #tpu.memory_space<hbm>> -> memref<1x8x128xi32, #tpu.memory_space<hbm>>
      %dma_wait3A_67 = tpu.memref_squeeze %dma_wait3A_66 : memref<1x8x128xi32, #tpu.memory_space<hbm>> -> memref<8x128xi32, #tpu.memory_space<hbm>>
      tpu.wait_dma2 semaphore(%arg14 : memref<!tpu.dma_semaphore, #tpu.memory_space<semaphore_mem>>) src(%dma_wait3A_67 : memref<8x128xi32, #tpu.memory_space<hbm>>) dst(%arg8 : memref<8x128xi32, #tpu.memory_space<vmem>>)
      %dma_start3A_68 = arith.constant 0 : i32
      %dma_start3A_69 = arith.constant 0 : i32
      %dma_start3A_70 = tpu.memref_slice %arg7[%dma_start3A_68, %dma_start3A_69] : memref<8x128xi32, #tpu.memory_space<vmem>> -> memref<1x128xi32, #tpu.memory_space<vmem>>
      %dma_start3A_71 = tpu.memref_squeeze %dma_start3A_70 : memref<1x128xi32, #tpu.memory_space<vmem>> -> memref<128xi32, #tpu.memory_space<vmem>>
      %dma_start3A_72 = arith.constant 0 : i32
      %dma_start3A_73 = arith.constant 0 : i32
      %dma_start3A_74 = tpu.memref_slice %arg2[%dma_start3A_72, %dma_start3A_73] : memref<10240x128xf32, #tpu.memory_space<hbm>> -> memref<10240x128xf32, #tpu.memory_space<hbm>>
      tpu.enqueue_indirect_dma source(%dma_start3A_74 : memref<10240x128xf32, #tpu.memory_space<hbm>>) target(%arg11 : memref<128x128xf32, #tpu.memory_space<vmem>>) offsets(%dma_start3A_71 : memref<128xi32, #tpu.memory_space<vmem>>) semaphore(%arg16 : memref<!tpu.dma_semaphore, #tpu.memory_space<semaphore_mem>>)
      %scan3A_75 = arith.constant 0 : i32
      %scan3A_76 = arith.constant 4 : i32
      %scan3A_77 = arith.addi %scan3A_75, %scan3A_76 : i32
      %scan3A_78 = arith.constant 1 : i32
      scf.for %scan3A_116 = %scan3A_75 to %scan3A_77 step %scan3A_78  : i32 {
        %mul3A_117 = arith.constant 2 : i32
        %mul3A_118 = arith.muli %scan3A_116, %mul3A_117 : i32
        %add3A_119 = arith.constant 0 : i32
        %add3A_120 = arith.addi %add3A_119, %mul3A_118 : i32
        %add3A_121 = arith.constant 1 : i32
        %add3A_122 = arith.addi %add3A_120, %add3A_121 : i32
        %dma_start3A_123 = arith.constant 0 : i32
        %dma_start3A_124 = tpu.memref_slice %arg7[%add3A_122, %dma_start3A_123] : memref<8x128xi32, #tpu.memory_space<vmem>> -> memref<1x128xi32, #tpu.memory_space<vmem>>
        %dma_start3A_125 = tpu.memref_squeeze %dma_start3A_124 : memref<1x128xi32, #tpu.memory_space<vmem>> -> memref<128xi32, #tpu.memory_space<vmem>>
        %dma_start3A_126 = arith.constant 0 : i32
        %dma_start3A_127 = arith.constant 0 : i32
        %dma_start3A_128 = tpu.memref_slice %arg2[%dma_start3A_126, %dma_start3A_127] : memref<10240x128xf32, #tpu.memory_space<hbm>> -> memref<10240x128xf32, #tpu.memory_space<hbm>>
        tpu.enqueue_indirect_dma source(%dma_start3A_128 : memref<10240x128xf32, #tpu.memory_space<hbm>>) target(%arg12 : memref<128x128xf32, #tpu.memory_space<vmem>>) offsets(%dma_start3A_125 : memref<128xi32, #tpu.memory_space<vmem>>) semaphore(%arg17 : memref<!tpu.dma_semaphore, #tpu.memory_space<semaphore_mem>>)
        %dma_wait3A_129 = arith.constant 0 : i32
        %dma_wait3A_130 = tpu.memref_slice %arg7[%add3A_120, %dma_wait3A_129] : memref<8x128xi32, #tpu.memory_space<vmem>> -> memref<1x128xi32, #tpu.memory_space<vmem>>
        %dma_wait3A_131 = tpu.memref_squeeze %dma_wait3A_130 : memref<1x128xi32, #tpu.memory_space<vmem>> -> memref<128xi32, #tpu.memory_space<vmem>>
        %dma_wait3A_132 = arith.constant 0 : i32
        %dma_wait3A_133 = arith.constant 0 : i32
        %dma_wait3A_134 = tpu.memref_slice %arg2[%dma_wait3A_132, %dma_wait3A_133] : memref<10240x128xf32, #tpu.memory_space<hbm>> -> memref<10240x128xf32, #tpu.memory_space<hbm>>
        tpu.wait_indirect_dma semaphore(%arg16 : memref<!tpu.dma_semaphore, #tpu.memory_space<semaphore_mem>>) src(%dma_wait3A_134 : memref<10240x128xf32, #tpu.memory_space<hbm>>) dst(%arg11 : memref<128x128xf32, #tpu.memory_space<vmem>>)
        "tpu.region"() ({
          %run_scoped3A = tpu.sem_alloc : memref<!tpu.dma_semaphore, #tpu.memory_space<semaphore_mem>>
          %dma_start3A_152 = arith.constant 0 : i32
          %dma_start3A_153 = tpu.memref_slice %arg8[%add3A_120, %dma_start3A_152] : memref<8x128xi32, #tpu.memory_space<vmem>> -> memref<1x128xi32, #tpu.memory_space<vmem>>
          %dma_start3A_154 = tpu.memref_squeeze %dma_start3A_153 : memref<1x128xi32, #tpu.memory_space<vmem>> -> memref<128xi32, #tpu.memory_space<vmem>>
          %dma_start3A_155 = arith.constant 0 : i32
          %dma_start3A_156 = arith.constant 0 : i32
          %dma_start3A_157 = tpu.memref_slice %arg18[%dma_start3A_155, %dma_start3A_156] : memref<10240x128xf32, #tpu.memory_space<vmem_shared>> -> memref<10240x128xf32, #tpu.memory_space<vmem_shared>>
          tpu.enqueue_indirect_dma source(%arg11 : memref<128x128xf32, #tpu.memory_space<vmem>>) target(%dma_start3A_157 : memref<10240x128xf32, #tpu.memory_space<vmem_shared>>) offsets(%dma_start3A_154 : memref<128xi32, #tpu.memory_space<vmem>>) semaphore(%run_scoped3A : memref<!tpu.dma_semaphore, #tpu.memory_space<semaphore_mem>>) {add = true}
          %dma_wait3A_158 = arith.constant 0 : i32
          %dma_wait3A_159 = tpu.memref_slice %arg8[%add3A_120, %dma_wait3A_158] : memref<8x128xi32, #tpu.memory_space<vmem>> -> memref<1x128xi32, #tpu.memory_space<vmem>>
          %dma_wait3A_160 = tpu.memref_squeeze %dma_wait3A_159 : memref<1x128xi32, #tpu.memory_space<vmem>> -> memref<128xi32, #tpu.memory_space<vmem>>
          %dma_wait3A_161 = arith.constant 0 : i32
          %dma_wait3A_162 = arith.constant 0 : i32
          %dma_wait3A_163 = tpu.memref_slice %arg18[%dma_wait3A_161, %dma_wait3A_162] : memref<10240x128xf32, #tpu.memory_space<vmem_shared>> -> memref<10240x128xf32, #tpu.memory_space<vmem_shared>>
          tpu.wait_indirect_dma semaphore(%run_scoped3A : memref<!tpu.dma_semaphore, #tpu.memory_space<semaphore_mem>>) src(%arg11 : memref<128x128xf32, #tpu.memory_space<vmem>>) dst(%dma_wait3A_163 : memref<10240x128xf32, #tpu.memory_space<vmem_shared>>)
          tpu.yield
        }) : () -> ()
        %add3A_135 = arith.constant 2 : i32
        %add3A_136 = arith.addi %add3A_120, %add3A_135 : i32
        %lt3A_137 = arith.constant 8 : i32
        %lt3A_138 = arith.cmpi slt, %add3A_136, %lt3A_137 : i32
        %convert_element_type3A_139 = arith.extui %lt3A_138 : i1 to i32
        %cond3A_140 = arith.constant 0 : i32
        %cond3A_141 = arith.cmpi ne, %convert_element_type3A_139, %cond3A_140 : i32
        scf.if %cond3A_141 {
          %add3A_152 = arith.constant 2 : i32
          %add3A_153 = arith.addi %add3A_120, %add3A_152 : i32
          %dma_start3A_154 = arith.constant 0 : i32
          %dma_start3A_155 = tpu.memref_slice %arg7[%add3A_153, %dma_start3A_154] : memref<8x128xi32, #tpu.memory_space<vmem>> -> memref<1x128xi32, #tpu.memory_space<vmem>>
          %dma_start3A_156 = tpu.memref_squeeze %dma_start3A_155 : memref<1x128xi32, #tpu.memory_space<vmem>> -> memref<128xi32, #tpu.memory_space<vmem>>
          %dma_start3A_157 = arith.constant 0 : i32
          %dma_start3A_158 = arith.constant 0 : i32
          %dma_start3A_159 = tpu.memref_slice %arg2[%dma_start3A_157, %dma_start3A_158] : memref<10240x128xf32, #tpu.memory_space<hbm>> -> memref<10240x128xf32, #tpu.memory_space<hbm>>
          tpu.enqueue_indirect_dma source(%dma_start3A_159 : memref<10240x128xf32, #tpu.memory_space<hbm>>) target(%arg11 : memref<128x128xf32, #tpu.memory_space<vmem>>) offsets(%dma_start3A_156 : memref<128xi32, #tpu.memory_space<vmem>>) semaphore(%arg16 : memref<!tpu.dma_semaphore, #tpu.memory_space<semaphore_mem>>)
        } else {
        }
        %add3A_142 = arith.constant 1 : i32
        %add3A_143 = arith.addi %add3A_120, %add3A_142 : i32
        %dma_wait3A_144 = arith.constant 0 : i32
        %dma_wait3A_145 = tpu.memref_slice %arg7[%add3A_143, %dma_wait3A_144] : memref<8x128xi32, #tpu.memory_space<vmem>> -> memref<1x128xi32, #tpu.memory_space<vmem>>
        %dma_wait3A_146 = tpu.memref_squeeze %dma_wait3A_145 : memref<1x128xi32, #tpu.memory_space<vmem>> -> memref<128xi32, #tpu.memory_space<vmem>>
        %dma_wait3A_147 = arith.constant 0 : i32
        %dma_wait3A_148 = arith.constant 0 : i32
        %dma_wait3A_149 = tpu.memref_slice %arg2[%dma_wait3A_147, %dma_wait3A_148] : memref<10240x128xf32, #tpu.memory_space<hbm>> -> memref<10240x128xf32, #tpu.memory_space<hbm>>
        tpu.wait_indirect_dma semaphore(%arg17 : memref<!tpu.dma_semaphore, #tpu.memory_space<semaphore_mem>>) src(%dma_wait3A_149 : memref<10240x128xf32, #tpu.memory_space<hbm>>) dst(%arg12 : memref<128x128xf32, #tpu.memory_space<vmem>>)
        %add3A_150 = arith.constant 1 : i32
        %add3A_151 = arith.addi %add3A_120, %add3A_150 : i32
        "tpu.region"() ({
          %run_scoped3A = tpu.sem_alloc : memref<!tpu.dma_semaphore, #tpu.memory_space<semaphore_mem>>
          %dma_start3A_152 = arith.constant 0 : i32
          %dma_start3A_153 = tpu.memref_slice %arg8[%add3A_151, %dma_start3A_152] : memref<8x128xi32, #tpu.memory_space<vmem>> -> memref<1x128xi32, #tpu.memory_space<vmem>>
          %dma_start3A_154 = tpu.memref_squeeze %dma_start3A_153 : memref<1x128xi32, #tpu.memory_space<vmem>> -> memref<128xi32, #tpu.memory_space<vmem>>
          %dma_start3A_155 = arith.constant 0 : i32
          %dma_start3A_156 = arith.constant 0 : i32
          %dma_start3A_157 = tpu.memref_slice %arg18[%dma_start3A_155, %dma_start3A_156] : memref<10240x128xf32, #tpu.memory_space<vmem_shared>> -> memref<10240x128xf32, #tpu.memory_space<vmem_shared>>
          tpu.enqueue_indirect_dma source(%arg12 : memref<128x128xf32, #tpu.memory_space<vmem>>) target(%dma_start3A_157 : memref<10240x128xf32, #tpu.memory_space<vmem_shared>>) offsets(%dma_start3A_154 : memref<128xi32, #tpu.memory_space<vmem>>) semaphore(%run_scoped3A : memref<!tpu.dma_semaphore, #tpu.memory_space<semaphore_mem>>) {add = true}
          %dma_wait3A_158 = arith.constant 0 : i32
          %dma_wait3A_159 = tpu.memref_slice %arg8[%add3A_151, %dma_wait3A_158] : memref<8x128xi32, #tpu.memory_space<vmem>> -> memref<1x128xi32, #tpu.memory_space<vmem>>
          %dma_wait3A_160 = tpu.memref_squeeze %dma_wait3A_159 : memref<1x128xi32, #tpu.memory_space<vmem>> -> memref<128xi32, #tpu.memory_space<vmem>>
          %dma_wait3A_161 = arith.constant 0 : i32
          %dma_wait3A_162 = arith.constant 0 : i32
          %dma_wait3A_163 = tpu.memref_slice %arg18[%dma_wait3A_161, %dma_wait3A_162] : memref<10240x128xf32, #tpu.memory_space<vmem_shared>> -> memref<10240x128xf32, #tpu.memory_space<vmem_shared>>
          tpu.wait_indirect_dma semaphore(%run_scoped3A : memref<!tpu.dma_semaphore, #tpu.memory_space<semaphore_mem>>) src(%arg12 : memref<128x128xf32, #tpu.memory_space<vmem>>) dst(%dma_wait3A_163 : memref<10240x128xf32, #tpu.memory_space<vmem_shared>>)
          tpu.yield
        }) : () -> ()
      }
      %scan3A_79 = arith.constant 4 : i32
      %add3A_80 = arith.constant 2 : i32
      %add3A_81 = arith.addi %add3A_32, %add3A_80 : i32
      %lt3A = arith.constant 10 : i32
      %lt3A_82 = arith.cmpi slt, %add3A_81, %lt3A : i32
      %convert_element_type3A = arith.extui %lt3A_82 : i1 to i32
      %cond3A = arith.constant 0 : i32
      %cond3A_83 = arith.cmpi ne, %convert_element_type3A, %cond3A : i32
      scf.if %cond3A_83 {
        %add3A_116 = arith.constant 2 : i32
        %add3A_117 = arith.addi %add3A_32, %add3A_116 : i32
        %mul3A_118 = arith.constant 8 : i32
        %mul3A_119 = arith.muli %add3A_117, %mul3A_118 : i32
        %dma_start3A_120 = arith.constant 0 : i32
        %dma_start3A_121 = tpu.memref_slice %arg3[%add3A, %mul3A_119, %dma_start3A_120] : memref<32x80x128xi32, #tpu.memory_space<hbm>> -> memref<1x8x128xi32, #tpu.memory_space<hbm>>
        %dma_start3A_122 = tpu.memref_squeeze %dma_start3A_121 : memref<1x8x128xi32, #tpu.memory_space<hbm>> -> memref<8x128xi32, #tpu.memory_space<hbm>>
        %dma_start3A_123 = arith.constant 0 : i32
        %dma_start3A_124 = tpu.memref_slice %arg3[%add3A, %mul3A_119, %dma_start3A_123] : memref<32x80x128xi32, #tpu.memory_space<hbm>> -> memref<1x8x128xi32, #tpu.memory_space<hbm>>
        %dma_start3A_125 = tpu.memref_squeeze %dma_start3A_124 : memref<1x8x128xi32, #tpu.memory_space<hbm>> -> memref<8x128xi32, #tpu.memory_space<hbm>>
        tpu.enqueue_dma source(%dma_start3A_125 : memref<8x128xi32, #tpu.memory_space<hbm>>) target(%arg7 : memref<8x128xi32, #tpu.memory_space<vmem>>) target_semaphore(%arg14 : memref<!tpu.dma_semaphore, #tpu.memory_space<semaphore_mem>>)
        %add3A_126 = arith.constant 2 : i32
        %add3A_127 = arith.addi %add3A_32, %add3A_126 : i32
        %mul3A_128 = arith.constant 8 : i32
        %mul3A_129 = arith.muli %add3A_127, %mul3A_128 : i32
        %dma_start3A_130 = arith.constant 0 : i32
        %dma_start3A_131 = tpu.memref_slice %arg4[%add3A, %mul3A_129, %dma_start3A_130] : memref<32x80x128xi32, #tpu.memory_space<hbm>> -> memref<1x8x128xi32, #tpu.memory_space<hbm>>
        %dma_start3A_132 = tpu.memref_squeeze %dma_start3A_131 : memref<1x8x128xi32, #tpu.memory_space<hbm>> -> memref<8x128xi32, #tpu.memory_space<hbm>>
        %dma_start3A_133 = arith.constant 0 : i32
        %dma_start3A_134 = tpu.memref_slice %arg4[%add3A, %mul3A_129, %dma_start3A_133] : memref<32x80x128xi32, #tpu.memory_space<hbm>> -> memref<1x8x128xi32, #tpu.memory_space<hbm>>
        %dma_start3A_135 = tpu.memref_squeeze %dma_start3A_134 : memref<1x8x128xi32, #tpu.memory_space<hbm>> -> memref<8x128xi32, #tpu.memory_space<hbm>>
        tpu.enqueue_dma source(%dma_start3A_135 : memref<8x128xi32, #tpu.memory_space<hbm>>) target(%arg8 : memref<8x128xi32, #tpu.memory_space<vmem>>) target_semaphore(%arg14 : memref<!tpu.dma_semaphore, #tpu.memory_space<semaphore_mem>>)
      } else {
      }
      %add3A_84 = arith.constant 1 : i32
      %add3A_85 = arith.addi %add3A_32, %add3A_84 : i32
      %mul3A_86 = arith.constant 8 : i32
      %mul3A_87 = arith.muli %add3A_85, %mul3A_86 : i32
      %dma_wait3A_88 = arith.constant 0 : i32
      %dma_wait3A_89 = tpu.memref_slice %arg3[%add3A, %mul3A_87, %dma_wait3A_88] : memref<32x80x128xi32, #tpu.memory_space<hbm>> -> memref<1x8x128xi32, #tpu.memory_space<hbm>>
      %dma_wait3A_90 = tpu.memref_squeeze %dma_wait3A_89 : memref<1x8x128xi32, #tpu.memory_space<hbm>> -> memref<8x128xi32, #tpu.memory_space<hbm>>
      %dma_wait3A_91 = arith.constant 0 : i32
      %dma_wait3A_92 = tpu.memref_slice %arg3[%add3A, %mul3A_87, %dma_wait3A_91] : memref<32x80x128xi32, #tpu.memory_space<hbm>> -> memref<1x8x128xi32, #tpu.memory_space<hbm>>
      %dma_wait3A_93 = tpu.memref_squeeze %dma_wait3A_92 : memref<1x8x128xi32, #tpu.memory_space<hbm>> -> memref<8x128xi32, #tpu.memory_space<hbm>>
      tpu.wait_dma2 semaphore(%arg15 : memref<!tpu.dma_semaphore, #tpu.memory_space<semaphore_mem>>) src(%dma_wait3A_93 : memref<8x128xi32, #tpu.memory_space<hbm>>) dst(%arg9 : memref<8x128xi32, #tpu.memory_space<vmem>>)
      %add3A_94 = arith.constant 1 : i32
      %add3A_95 = arith.addi %add3A_32, %add3A_94 : i32
      %mul3A_96 = arith.constant 8 : i32
      %mul3A_97 = arith.muli %add3A_95, %mul3A_96 : i32
      %dma_wait3A_98 = arith.constant 0 : i32
      %dma_wait3A_99 = tpu.memref_slice %arg4[%add3A, %mul3A_97, %dma_wait3A_98] : memref<32x80x128xi32, #tpu.memory_space<hbm>> -> memref<1x8x128xi32, #tpu.memory_space<hbm>>
      %dma_wait3A_100 = tpu.memref_squeeze %dma_wait3A_99 : memref<1x8x128xi32, #tpu.memory_space<hbm>> -> memref<8x128xi32, #tpu.memory_space<hbm>>
      %dma_wait3A_101 = arith.constant 0 : i32
      %dma_wait3A_102 = tpu.memref_slice %arg4[%add3A, %mul3A_97, %dma_wait3A_101] : memref<32x80x128xi32, #tpu.memory_space<hbm>> -> memref<1x8x128xi32, #tpu.memory_space<hbm>>
      %dma_wait3A_103 = tpu.memref_squeeze %dma_wait3A_102 : memref<1x8x128xi32, #tpu.memory_space<hbm>> -> memref<8x128xi32, #tpu.memory_space<hbm>>
      tpu.wait_dma2 semaphore(%arg15 : memref<!tpu.dma_semaphore, #tpu.memory_space<semaphore_mem>>) src(%dma_wait3A_103 : memref<8x128xi32, #tpu.memory_space<hbm>>) dst(%arg10 : memref<8x128xi32, #tpu.memory_space<vmem>>)
      %dma_start3A_104 = arith.constant 0 : i32
      %dma_start3A_105 = arith.constant 0 : i32
      %dma_start3A_106 = tpu.memref_slice %arg9[%dma_start3A_104, %dma_start3A_105] : memref<8x128xi32, #tpu.memory_space<vmem>> -> memref<1x128xi32, #tpu.memory_space<vmem>>
      %dma_start3A_107 = tpu.memref_squeeze %dma_start3A_106 : memref<1x128xi32, #tpu.memory_space<vmem>> -> memref<128xi32, #tpu.memory_space<vmem>>
      %dma_start3A_108 = arith.constant 0 : i32
      %dma_start3A_109 = arith.constant 0 : i32
      %dma_start3A_110 = tpu.memref_slice %arg2[%dma_start3A_108, %dma_start3A_109] : memref<10240x128xf32, #tpu.memory_space<hbm>> -> memref<10240x128xf32, #tpu.memory_space<hbm>>
      tpu.enqueue_indirect_dma source(%dma_start3A_110 : memref<10240x128xf32, #tpu.memory_space<hbm>>) target(%arg11 : memref<128x128xf32, #tpu.memory_space<vmem>>) offsets(%dma_start3A_107 : memref<128xi32, #tpu.memory_space<vmem>>) semaphore(%arg16 : memref<!tpu.dma_semaphore, #tpu.memory_space<semaphore_mem>>)
      %scan3A_111 = arith.constant 0 : i32
      %scan3A_112 = arith.constant 4 : i32
      %scan3A_113 = arith.addi %scan3A_111, %scan3A_112 : i32
      %scan3A_114 = arith.constant 1 : i32
      scf.for %scan3A_116 = %scan3A_111 to %scan3A_113 step %scan3A_114  : i32 {
        %mul3A_117 = arith.constant 2 : i32
        %mul3A_118 = arith.muli %scan3A_116, %mul3A_117 : i32
        %add3A_119 = arith.constant 0 : i32
        %add3A_120 = arith.addi %add3A_119, %mul3A_118 : i32
        %add3A_121 = arith.constant 1 : i32
        %add3A_122 = arith.addi %add3A_120, %add3A_121 : i32
        %dma_start3A_123 = arith.constant 0 : i32
        %dma_start3A_124 = tpu.memref_slice %arg9[%add3A_122, %dma_start3A_123] : memref<8x128xi32, #tpu.memory_space<vmem>> -> memref<1x128xi32, #tpu.memory_space<vmem>>
        %dma_start3A_125 = tpu.memref_squeeze %dma_start3A_124 : memref<1x128xi32, #tpu.memory_space<vmem>> -> memref<128xi32, #tpu.memory_space<vmem>>
        %dma_start3A_126 = arith.constant 0 : i32
        %dma_start3A_127 = arith.constant 0 : i32
        %dma_start3A_128 = tpu.memref_slice %arg2[%dma_start3A_126, %dma_start3A_127] : memref<10240x128xf32, #tpu.memory_space<hbm>> -> memref<10240x128xf32, #tpu.memory_space<hbm>>
        tpu.enqueue_indirect_dma source(%dma_start3A_128 : memref<10240x128xf32, #tpu.memory_space<hbm>>) target(%arg12 : memref<128x128xf32, #tpu.memory_space<vmem>>) offsets(%dma_start3A_125 : memref<128xi32, #tpu.memory_space<vmem>>) semaphore(%arg17 : memref<!tpu.dma_semaphore, #tpu.memory_space<semaphore_mem>>)
        %dma_wait3A_129 = arith.constant 0 : i32
        %dma_wait3A_130 = tpu.memref_slice %arg9[%add3A_120, %dma_wait3A_129] : memref<8x128xi32, #tpu.memory_space<vmem>> -> memref<1x128xi32, #tpu.memory_space<vmem>>
        %dma_wait3A_131 = tpu.memref_squeeze %dma_wait3A_130 : memref<1x128xi32, #tpu.memory_space<vmem>> -> memref<128xi32, #tpu.memory_space<vmem>>
        %dma_wait3A_132 = arith.constant 0 : i32
        %dma_wait3A_133 = arith.constant 0 : i32
        %dma_wait3A_134 = tpu.memref_slice %arg2[%dma_wait3A_132, %dma_wait3A_133] : memref<10240x128xf32, #tpu.memory_space<hbm>> -> memref<10240x128xf32, #tpu.memory_space<hbm>>
        tpu.wait_indirect_dma semaphore(%arg16 : memref<!tpu.dma_semaphore, #tpu.memory_space<semaphore_mem>>) src(%dma_wait3A_134 : memref<10240x128xf32, #tpu.memory_space<hbm>>) dst(%arg11 : memref<128x128xf32, #tpu.memory_space<vmem>>)
        "tpu.region"() ({
          %run_scoped3A = tpu.sem_alloc : memref<!tpu.dma_semaphore, #tpu.memory_space<semaphore_mem>>
          %dma_start3A_152 = arith.constant 0 : i32
          %dma_start3A_153 = tpu.memref_slice %arg10[%add3A_120, %dma_start3A_152] : memref<8x128xi32, #tpu.memory_space<vmem>> -> memref<1x128xi32, #tpu.memory_space<vmem>>
          %dma_start3A_154 = tpu.memref_squeeze %dma_start3A_153 : memref<1x128xi32, #tpu.memory_space<vmem>> -> memref<128xi32, #tpu.memory_space<vmem>>
          %dma_start3A_155 = arith.constant 0 : i32
          %dma_start3A_156 = arith.constant 0 : i32
          %dma_start3A_157 = tpu.memref_slice %arg18[%dma_start3A_155, %dma_start3A_156] : memref<10240x128xf32, #tpu.memory_space<vmem_shared>> -> memref<10240x128xf32, #tpu.memory_space<vmem_shared>>
          tpu.enqueue_indirect_dma source(%arg11 : memref<128x128xf32, #tpu.memory_space<vmem>>) target(%dma_start3A_157 : memref<10240x128xf32, #tpu.memory_space<vmem_shared>>) offsets(%dma_start3A_154 : memref<128xi32, #tpu.memory_space<vmem>>) semaphore(%run_scoped3A : memref<!tpu.dma_semaphore, #tpu.memory_space<semaphore_mem>>) {add = true}
          %dma_wait3A_158 = arith.constant 0 : i32
          %dma_wait3A_159 = tpu.memref_slice %arg10[%add3A_120, %dma_wait3A_158] : memref<8x128xi32, #tpu.memory_space<vmem>> -> memref<1x128xi32, #tpu.memory_space<vmem>>
          %dma_wait3A_160 = tpu.memref_squeeze %dma_wait3A_159 : memref<1x128xi32, #tpu.memory_space<vmem>> -> memref<128xi32, #tpu.memory_space<vmem>>
          %dma_wait3A_161 = arith.constant 0 : i32
          %dma_wait3A_162 = arith.constant 0 : i32
          %dma_wait3A_163 = tpu.memref_slice %arg18[%dma_wait3A_161, %dma_wait3A_162] : memref<10240x128xf32, #tpu.memory_space<vmem_shared>> -> memref<10240x128xf32, #tpu.memory_space<vmem_shared>>
          tpu.wait_indirect_dma semaphore(%run_scoped3A : memref<!tpu.dma_semaphore, #tpu.memory_space<semaphore_mem>>) src(%arg11 : memref<128x128xf32, #tpu.memory_space<vmem>>) dst(%dma_wait3A_163 : memref<10240x128xf32, #tpu.memory_space<vmem_shared>>)
          tpu.yield
        }) : () -> ()
        %add3A_135 = arith.constant 2 : i32
        %add3A_136 = arith.addi %add3A_120, %add3A_135 : i32
        %lt3A_137 = arith.constant 8 : i32
        %lt3A_138 = arith.cmpi slt, %add3A_136, %lt3A_137 : i32
        %convert_element_type3A_139 = arith.extui %lt3A_138 : i1 to i32
        %cond3A_140 = arith.constant 0 : i32
        %cond3A_141 = arith.cmpi ne, %convert_element_type3A_139, %cond3A_140 : i32
        scf.if %cond3A_141 {
          %add3A_152 = arith.constant 2 : i32
          %add3A_153 = arith.addi %add3A_120, %add3A_152 : i32
          %dma_start3A_154 = arith.constant 0 : i32
          %dma_start3A_155 = tpu.memref_slice %arg9[%add3A_153, %dma_start3A_154] : memref<8x128xi32, #tpu.memory_space<vmem>> -> memref<1x128xi32, #tpu.memory_space<vmem>>
          %dma_start3A_156 = tpu.memref_squeeze %dma_start3A_155 : memref<1x128xi32, #tpu.memory_space<vmem>> -> memref<128xi32, #tpu.memory_space<vmem>>
          %dma_start3A_157 = arith.constant 0 : i32
          %dma_start3A_158 = arith.constant 0 : i32
          %dma_start3A_159 = tpu.memref_slice %arg2[%dma_start3A_157, %dma_start3A_158] : memref<10240x128xf32, #tpu.memory_space<hbm>> -> memref<10240x128xf32, #tpu.memory_space<hbm>>
          tpu.enqueue_indirect_dma source(%dma_start3A_159 : memref<10240x128xf32, #tpu.memory_space<hbm>>) target(%arg11 : memref<128x128xf32, #tpu.memory_space<vmem>>) offsets(%dma_start3A_156 : memref<128xi32, #tpu.memory_space<vmem>>) semaphore(%arg16 : memref<!tpu.dma_semaphore, #tpu.memory_space<semaphore_mem>>)
        } else {
        }
        %add3A_142 = arith.constant 1 : i32
        %add3A_143 = arith.addi %add3A_120, %add3A_142 : i32
        %dma_wait3A_144 = arith.constant 0 : i32
        %dma_wait3A_145 = tpu.memref_slice %arg9[%add3A_143, %dma_wait3A_144] : memref<8x128xi32, #tpu.memory_space<vmem>> -> memref<1x128xi32, #tpu.memory_space<vmem>>
        %dma_wait3A_146 = tpu.memref_squeeze %dma_wait3A_145 : memref<1x128xi32, #tpu.memory_space<vmem>> -> memref<128xi32, #tpu.memory_space<vmem>>
        %dma_wait3A_147 = arith.constant 0 : i32
        %dma_wait3A_148 = arith.constant 0 : i32
        %dma_wait3A_149 = tpu.memref_slice %arg2[%dma_wait3A_147, %dma_wait3A_148] : memref<10240x128xf32, #tpu.memory_space<hbm>> -> memref<10240x128xf32, #tpu.memory_space<hbm>>
        tpu.wait_indirect_dma semaphore(%arg17 : memref<!tpu.dma_semaphore, #tpu.memory_space<semaphore_mem>>) src(%dma_wait3A_149 : memref<10240x128xf32, #tpu.memory_space<hbm>>) dst(%arg12 : memref<128x128xf32, #tpu.memory_space<vmem>>)
        %add3A_150 = arith.constant 1 : i32
        %add3A_151 = arith.addi %add3A_120, %add3A_150 : i32
        "tpu.region"() ({
          %run_scoped3A = tpu.sem_alloc : memref<!tpu.dma_semaphore, #tpu.memory_space<semaphore_mem>>
          %dma_start3A_152 = arith.constant 0 : i32
          %dma_start3A_153 = tpu.memref_slice %arg10[%add3A_151, %dma_start3A_152] : memref<8x128xi32, #tpu.memory_space<vmem>> -> memref<1x128xi32, #tpu.memory_space<vmem>>
          %dma_start3A_154 = tpu.memref_squeeze %dma_start3A_153 : memref<1x128xi32, #tpu.memory_space<vmem>> -> memref<128xi32, #tpu.memory_space<vmem>>
          %dma_start3A_155 = arith.constant 0 : i32
          %dma_start3A_156 = arith.constant 0 : i32
          %dma_start3A_157 = tpu.memref_slice %arg18[%dma_start3A_155, %dma_start3A_156] : memref<10240x128xf32, #tpu.memory_space<vmem_shared>> -> memref<10240x128xf32, #tpu.memory_space<vmem_shared>>
          tpu.enqueue_indirect_dma source(%arg12 : memref<128x128xf32, #tpu.memory_space<vmem>>) target(%dma_start3A_157 : memref<10240x128xf32, #tpu.memory_space<vmem_shared>>) offsets(%dma_start3A_154 : memref<128xi32, #tpu.memory_space<vmem>>) semaphore(%run_scoped3A : memref<!tpu.dma_semaphore, #tpu.memory_space<semaphore_mem>>) {add = true}
          %dma_wait3A_158 = arith.constant 0 : i32
          %dma_wait3A_159 = tpu.memref_slice %arg10[%add3A_151, %dma_wait3A_158] : memref<8x128xi32, #tpu.memory_space<vmem>> -> memref<1x128xi32, #tpu.memory_space<vmem>>
          %dma_wait3A_160 = tpu.memref_squeeze %dma_wait3A_159 : memref<1x128xi32, #tpu.memory_space<vmem>> -> memref<128xi32, #tpu.memory_space<vmem>>
          %dma_wait3A_161 = arith.constant 0 : i32
          %dma_wait3A_162 = arith.constant 0 : i32
          %dma_wait3A_163 = tpu.memref_slice %arg18[%dma_wait3A_161, %dma_wait3A_162] : memref<10240x128xf32, #tpu.memory_space<vmem_shared>> -> memref<10240x128xf32, #tpu.memory_space<vmem_shared>>
          tpu.wait_indirect_dma semaphore(%run_scoped3A : memref<!tpu.dma_semaphore, #tpu.memory_space<semaphore_mem>>) src(%arg12 : memref<128x128xf32, #tpu.memory_space<vmem>>) dst(%dma_wait3A_163 : memref<10240x128xf32, #tpu.memory_space<vmem_shared>>)
          tpu.yield
        }) : () -> ()
      }
      %scan3A_115 = arith.constant 4 : i32
    }
    %scan3A_24 = arith.constant 5 : i32
    %barrier3A_25 = arith.constant 0 : index
    tpu.barrier barrier_id(%barrier3A_25)
    %mul3A_26 = arith.constant 640 : i32
    %mul3A_27 = arith.muli %arg1, %mul3A_26 : i32
    "tpu.region"() ({
      %run_scoped3A = tpu.sem_alloc : memref<!tpu.dma_semaphore, #tpu.memory_space<semaphore_mem>>
      %dma_start3A_28 = arith.constant 0 : i32
      %dma_start3A_29 = tpu.memref_slice %arg6[%arg0, %mul3A_27, %dma_start3A_28] : memref<2x10240x128xf32, #tpu.memory_space<hbm>> -> memref<1x640x128xf32, #tpu.memory_space<hbm>>
      %dma_start3A_30 = tpu.memref_squeeze %dma_start3A_29 : memref<1x640x128xf32, #tpu.memory_space<hbm>> -> memref<640x128xf32, #tpu.memory_space<hbm>>
      %dma_start3A_31 = arith.constant 0 : i32
      %dma_start3A_32 = tpu.memref_slice %arg18[%mul3A_27, %dma_start3A_31] : memref<10240x128xf32, #tpu.memory_space<vmem_shared>> -> memref<640x128xf32, #tpu.memory_space<vmem_shared>>
      tpu.enqueue_dma source(%dma_start3A_32 : memref<640x128xf32, #tpu.memory_space<vmem_shared>>) target(%dma_start3A_30 : memref<640x128xf32, #tpu.memory_space<hbm>>) target_semaphore(%run_scoped3A : memref<!tpu.dma_semaphore, #tpu.memory_space<semaphore_mem>>)
      %dma_wait3A = arith.constant 0 : i32
      %dma_wait3A_33 = tpu.memref_slice %arg6[%arg0, %mul3A_27, %dma_wait3A] : memref<2x10240x128xf32, #tpu.memory_space<hbm>> -> memref<1x640x128xf32, #tpu.memory_space<hbm>>
      %dma_wait3A_34 = tpu.memref_squeeze %dma_wait3A_33 : memref<1x640x128xf32, #tpu.memory_space<hbm>> -> memref<640x128xf32, #tpu.memory_space<hbm>>
      %dma_wait3A_35 = arith.constant 0 : i32
      %dma_wait3A_36 = tpu.memref_slice %arg18[%mul3A_27, %dma_wait3A_35] : memref<10240x128xf32, #tpu.memory_space<vmem_shared>> -> memref<640x128xf32, #tpu.memory_space<vmem_shared>>
      tpu.wait_dma2 semaphore(%run_scoped3A : memref<!tpu.dma_semaphore, #tpu.memory_space<semaphore_mem>>) src(%dma_wait3A_36 : memref<640x128xf32, #tpu.memory_space<vmem_shared>>) dst(%dma_wait3A_34 : memref<640x128xf32, #tpu.memory_space<hbm>>)
      tpu.yield
    }) : () -> ()
    return
  }
}

module attributes {stable_mosaic.version = 14 : i64} {
  func.func @_lin1_kern(%arg0: i32, %arg1: memref<2048x128xf32, #tpu.memory_space<vmem>>, %arg2: memref<128x128xf32, #tpu.memory_space<vmem>>, %arg3: memref<2x2048x128xf32, #tpu.memory_space<vmem>>, %arg4: memref<2048x128xf32, #tpu.memory_space<vmem>>, %arg5: memref<2048x1xf32, #tpu.memory_space<vmem>>) attributes {dimension_semantics = [#tpu.dimension_semantics<arbitrary>], iteration_bounds = array<i64: 5>, scalar_prefetch = 0 : i64, scratch_operands = 0 : i64, tpu.core_type = #tpu.core_type<tc>, window_params = [{transform_indices = @transform_0, window_bounds = array<i64: 2048, 128>}, {pipeline_mode = #tpu.pipeline_mode<synchronous>, transform_indices = @transform_1, window_bounds = array<i64: 128, 128>}, {transform_indices = @transform_2, window_bounds = array<i64: 2, 2048, 128>}, {transform_indices = @transform_3, window_bounds = array<i64: 2048, 128>}, {transform_indices = @transform_4, window_bounds = array<i64: 2048, 1>}]} {
    %get3A = arith.constant 0 : index
    %get3A_0 = arith.constant 0 : index
    %get3A_1 = arith.constant 0 : index
    %get3A_2 = vector.load %arg3[%get3A, %get3A_0, %get3A_1] : memref<2x2048x128xf32, #tpu.memory_space<vmem>>, vector<1x2048x1xf32>
    %get3A_3 = vector.shape_cast %get3A_2 : vector<1x2048x1xf32> to vector<2048xf32>
    %get3A_4 = arith.constant 1 : index
    %get3A_5 = arith.constant 0 : index
    %get3A_6 = arith.constant 0 : index
    %get3A_7 = vector.load %arg3[%get3A_4, %get3A_5, %get3A_6] : memref<2x2048x128xf32, #tpu.memory_space<vmem>>, vector<1x2048x1xf32>
    %get3A_8 = vector.shape_cast %get3A_7 : vector<1x2048x1xf32> to vector<2048xf32>
    %add3A = arith.addf %get3A_3, %get3A_8 : vector<2048xf32>
    %add3A_9 = arith.constant 1.000000e+00 : f32
    %add3A_10 = vector.broadcast %add3A_9 : f32 to vector<2048xf32>
    %add3A_11 = arith.addf %add3A, %add3A_10 : vector<2048xf32>
    %rsqrt3A = math.rsqrt %add3A_11 : vector<2048xf32>
    %get3A_12 = arith.constant 0 : index
    %get3A_13 = arith.constant 0 : index
    %get3A_14 = vector.load %arg1[%get3A_12, %get3A_13] : memref<2048x128xf32, #tpu.memory_space<vmem>>, vector<2048x128xf32>
    %get3A_15 = arith.constant 0 : index
    %get3A_16 = arith.constant 0 : index
    %get3A_17 = vector.load %arg2[%get3A_15, %get3A_16] : memref<128x128xf32, #tpu.memory_space<vmem>>, vector<128x128xf32>
    %dot_general3A = arith.constant dense<0.000000e+00> : vector<2048x128xf32>
    %dot_general3A_18 = tpu.matmul %get3A_14, %get3A_17, %dot_general3A {dimension_numbers = #tpu.dot_dimension_numbers<[1], [0], [0], [1], [0, 0, 1, 1], [], []>, transpose_lhs_hint = false} : vector<2048x128xf32>, vector<128x128xf32>, vector<2048x128xf32> -> vector<2048x128xf32>
    %broadcast_in_dim3A = vector.shape_cast %rsqrt3A : vector<2048xf32> to vector<2048x1xf32>
    %mul3A = vector.broadcast %broadcast_in_dim3A : vector<2048x1xf32> to vector<2048x128xf32>
    %mul3A_19 = arith.mulf %dot_general3A_18, %mul3A : vector<2048x128xf32>
    %swap3A = arith.constant 0 : index
    %swap3A_20 = arith.constant 0 : index
    %swap3A_21 = vector.load %arg4[%swap3A, %swap3A_20] : memref<2048x128xf32, #tpu.memory_space<vmem>>, vector<2048x128xf32>
    tpu.vector_store %arg4[%swap3A, %swap3A_20], %mul3A_19 {strides = array<i32>} : memref<2048x128xf32, #tpu.memory_space<vmem>>, vector<2048x128xf32>,
    %broadcast_in_dim3A_22 = vector.shape_cast %rsqrt3A : vector<2048xf32> to vector<2048x1xf32>
    %swap3A_23 = arith.constant 0 : index
    %swap3A_24 = arith.constant 0 : index
    %swap3A_25 = vector.load %arg5[%swap3A_23, %swap3A_24] : memref<2048x1xf32, #tpu.memory_space<vmem>>, vector<2048x1xf32>
    tpu.vector_store %arg5[%swap3A_23, %swap3A_24], %broadcast_in_dim3A_22 {strides = array<i32>} : memref<2048x1xf32, #tpu.memory_space<vmem>>, vector<2048x1xf32>,
    return
  }
  func.func @transform_0(%arg0: i32) -> (i32, i32) {
    %c0_i32 = arith.constant 0 : i32
    %c0_i32_0 = arith.constant 0 : i32
    return %arg0, %c0_i32 : i32, i32
  }
  func.func @transform_1(%arg0: i32) -> (i32, i32) {
    %c0_i32 = arith.constant 0 : i32
    %c0_i32_0 = arith.constant 0 : i32
    %c0_i32_1 = arith.constant 0 : i32
    return %c0_i32, %c0_i32_0 : i32, i32
  }
  func.func @transform_2(%arg0: i32) -> (i32, i32, i32) {
    %c0_i32 = arith.constant 0 : i32
    %c0_i32_0 = arith.constant 0 : i32
    %c0_i32_1 = arith.constant 0 : i32
    return %c0_i32, %arg0, %c0_i32_0 : i32, i32, i32
  }
  func.func @transform_3(%arg0: i32) -> (i32, i32) {
    %c0_i32 = arith.constant 0 : i32
    %c0_i32_0 = arith.constant 0 : i32
    return %arg0, %c0_i32 : i32, i32
  }
  func.func @transform_4(%arg0: i32) -> (i32, i32) {
    %c0_i32 = arith.constant 0 : i32
    %c0_i32_0 = arith.constant 0 : i32
    return %arg0, %c0_i32 : i32, i32
  }
}

module attributes {stable_mosaic.version = 14 : i64} {
  func.func @_layer2_kern(%arg0: i32, %arg1: memref<2x2048x128xf32, #tpu.memory_space<vmem>>, %arg2: memref<2048x128xf32, #tpu.memory_space<vmem>>, %arg3: memref<2048x1xf32, #tpu.memory_space<vmem>>, %arg4: memref<1x128xf32, #tpu.memory_space<vmem>>, %arg5: memref<128x128xf32, #tpu.memory_space<vmem>>, %arg6: memref<2048x128xf32, #tpu.memory_space<vmem>>) attributes {dimension_semantics = [#tpu.dimension_semantics<arbitrary>], iteration_bounds = array<i64: 5>, scalar_prefetch = 0 : i64, scratch_operands = 0 : i64, tpu.core_type = #tpu.core_type<tc>, window_params = [{transform_indices = @transform_0, window_bounds = array<i64: 2, 2048, 128>}, {transform_indices = @transform_1, window_bounds = array<i64: 2048, 128>}, {transform_indices = @transform_2, window_bounds = array<i64: 2048, 1>}, {pipeline_mode = #tpu.pipeline_mode<synchronous>, transform_indices = @transform_3, window_bounds = array<i64: 1, 128>}, {pipeline_mode = #tpu.pipeline_mode<synchronous>, transform_indices = @transform_4, window_bounds = array<i64: 128, 128>}, {transform_indices = @transform_5, window_bounds = array<i64: 2048, 128>}]} {
    %get3A = arith.constant 0 : index
    %get3A_0 = arith.constant 0 : index
    %get3A_1 = arith.constant 0 : index
    %get3A_2 = vector.load %arg1[%get3A, %get3A_0, %get3A_1] : memref<2x2048x128xf32, #tpu.memory_space<vmem>>, vector<1x2048x128xf32>
    %get3A_3 = vector.shape_cast %get3A_2 : vector<1x2048x128xf32> to vector<2048x128xf32>
    %get3A_4 = arith.constant 1 : index
    %get3A_5 = arith.constant 0 : index
    %get3A_6 = arith.constant 0 : index
    %get3A_7 = vector.load %arg1[%get3A_4, %get3A_5, %get3A_6] : memref<2x2048x128xf32, #tpu.memory_space<vmem>>, vector<1x2048x128xf32>
    %get3A_8 = vector.shape_cast %get3A_7 : vector<1x2048x128xf32> to vector<2048x128xf32>
    %add3A = arith.addf %get3A_3, %get3A_8 : vector<2048x128xf32>
    %get3A_9 = arith.constant 0 : index
    %get3A_10 = arith.constant 0 : index
    %get3A_11 = vector.load %arg2[%get3A_9, %get3A_10] : memref<2048x128xf32, #tpu.memory_space<vmem>>, vector<2048x128xf32>
    %add3A_12 = arith.addf %add3A, %get3A_11 : vector<2048x128xf32>
    %get3A_13 = arith.constant 0 : index
    %get3A_14 = arith.constant 0 : index
    %get3A_15 = vector.load %arg3[%get3A_13, %get3A_14] : memref<2048x1xf32, #tpu.memory_space<vmem>>, vector<2048x1xf32>
    %mul3A = vector.broadcast %get3A_15 : vector<2048x1xf32> to vector<2048x128xf32>
    %mul3A_16 = arith.mulf %add3A_12, %mul3A : vector<2048x128xf32>
    %get3A_17 = arith.constant 0 : index
    %get3A_18 = arith.constant 0 : index
    %get3A_19 = vector.load %arg4[%get3A_17, %get3A_18] : memref<1x128xf32, #tpu.memory_space<vmem>>, vector<1x128xf32>
    %add3A_20 = vector.broadcast %get3A_19 : vector<1x128xf32> to vector<2048x128xf32>
    %add3A_21 = arith.addf %mul3A_16, %add3A_20 : vector<2048x128xf32>
    %max3A = arith.constant 0.000000e+00 : f32
    %max3A_22 = vector.broadcast %max3A : f32 to vector<2048x128xf32>
    %max3A_23 = arith.maximumf %add3A_21, %max3A_22 : vector<2048x128xf32>
    %get3A_24 = arith.constant 0 : index
    %get3A_25 = arith.constant 0 : index
    %get3A_26 = vector.load %arg5[%get3A_24, %get3A_25] : memref<128x128xf32, #tpu.memory_space<vmem>>, vector<128x128xf32>
    %dot_general3A = arith.constant dense<0.000000e+00> : vector<2048x128xf32>
    %dot_general3A_27 = tpu.matmul %max3A_23, %get3A_26, %dot_general3A {dimension_numbers = #tpu.dot_dimension_numbers<[1], [0], [0], [1], [0, 0, 1, 1], [], []>, transpose_lhs_hint = false} : vector<2048x128xf32>, vector<128x128xf32>, vector<2048x128xf32> -> vector<2048x128xf32>
    %get3A_28 = arith.constant 0 : index
    %get3A_29 = arith.constant 0 : index
    %get3A_30 = vector.load %arg3[%get3A_28, %get3A_29] : memref<2048x1xf32, #tpu.memory_space<vmem>>, vector<2048x1xf32>
    %mul3A_31 = vector.broadcast %get3A_30 : vector<2048x1xf32> to vector<2048x128xf32>
    %mul3A_32 = arith.mulf %dot_general3A_27, %mul3A_31 : vector<2048x128xf32>
    %swap3A = arith.constant 0 : index
    %swap3A_33 = arith.constant 0 : index
    %swap3A_34 = vector.load %arg6[%swap3A, %swap3A_33] : memref<2048x128xf32, #tpu.memory_space<vmem>>, vector<2048x128xf32>
    tpu.vector_store %arg6[%swap3A, %swap3A_33], %mul3A_32 {strides = array<i32>} : memref<2048x128xf32, #tpu.memory_space<vmem>>, vector<2048x128xf32>,
    return
  }
  func.func @transform_0(%arg0: i32) -> (i32, i32, i32) {
    %c0_i32 = arith.constant 0 : i32
    %c0_i32_0 = arith.constant 0 : i32
    %c0_i32_1 = arith.constant 0 : i32
    return %c0_i32, %arg0, %c0_i32_0 : i32, i32, i32
  }
  func.func @transform_1(%arg0: i32) -> (i32, i32) {
    %c0_i32 = arith.constant 0 : i32
    %c0_i32_0 = arith.constant 0 : i32
    return %arg0, %c0_i32 : i32, i32
  }
  func.func @transform_2(%arg0: i32) -> (i32, i32) {
    %c0_i32 = arith.constant 0 : i32
    %c0_i32_0 = arith.constant 0 : i32
    return %arg0, %c0_i32 : i32, i32
  }
  func.func @transform_3(%arg0: i32) -> (i32, i32) {
    %c0_i32 = arith.constant 0 : i32
    %c0_i32_0 = arith.constant 0 : i32
    %c0_i32_1 = arith.constant 0 : i32
    return %c0_i32, %c0_i32_0 : i32, i32
  }
  func.func @transform_4(%arg0: i32) -> (i32, i32) {
    %c0_i32 = arith.constant 0 : i32
    %c0_i32_0 = arith.constant 0 : i32
    %c0_i32_1 = arith.constant 0 : i32
    return %c0_i32, %c0_i32_0 : i32, i32
  }
  func.func @transform_5(%arg0: i32) -> (i32, i32) {
    %c0_i32 = arith.constant 0 : i32
    %c0_i32_0 = arith.constant 0 : i32
    return %arg0, %c0_i32 : i32, i32
  }
}

module attributes {stable_mosaic.version = 14 : i64} {
  func.func @_final_kern(%arg0: i32, %arg1: memref<2x2048x128xf32, #tpu.memory_space<vmem>>, %arg2: memref<2048x128xf32, #tpu.memory_space<vmem>>, %arg3: memref<2048x1xf32, #tpu.memory_space<vmem>>, %arg4: memref<1x128xf32, #tpu.memory_space<vmem>>, %arg5: memref<1x1x2048xi32, #tpu.memory_space<vmem>>, %arg6: memref<128x16xf32, #tpu.memory_space<vmem>>, %arg7: memref<1x16xf32, #tpu.memory_space<vmem>>, %arg8: memref<128x16xf32, #tpu.memory_space<vmem>>, %arg9: memref<128x128xf32, #tpu.memory_space<vmem>>, %arg10: memref<128x1xf32, #tpu.memory_space<vmem>>) attributes {dimension_semantics = [#tpu.dimension_semantics<arbitrary>], iteration_bounds = array<i64: 5>, scalar_prefetch = 0 : i64, scratch_operands = 2 : i64, tpu.core_type = #tpu.core_type<tc>, window_params = [{transform_indices = @transform_0, window_bounds = array<i64: 2, 2048, 128>}, {transform_indices = @transform_1, window_bounds = array<i64: 2048, 128>}, {transform_indices = @transform_2, window_bounds = array<i64: 2048, 1>}, {pipeline_mode = #tpu.pipeline_mode<synchronous>, transform_indices = @transform_3, window_bounds = array<i64: 1, 128>}, {transform_indices = @transform_4, window_bounds = array<i64: 1, 1, 2048>}, {pipeline_mode = #tpu.pipeline_mode<synchronous>, transform_indices = @transform_5, window_bounds = array<i64: 128, 16>}, {pipeline_mode = #tpu.pipeline_mode<synchronous>, transform_indices = @transform_6, window_bounds = array<i64: 1, 16>}, {pipeline_mode = #tpu.pipeline_mode<synchronous>, transform_indices = @transform_7, window_bounds = array<i64: 128, 16>}]} {
    %eq3A = arith.constant 0 : i32
    %eq3A_0 = arith.cmpi eq, %arg0, %eq3A : i32
    %convert_element_type3A = arith.extui %eq3A_0 : i1 to i32
    %cond3A = arith.constant 0 : i32
    %cond3A_1 = arith.cmpi ne, %convert_element_type3A, %cond3A : i32
    scf.if %cond3A_1 {
      %broadcast_in_dim3A_57 = arith.constant 0.000000e+00 : f32
      %broadcast_in_dim3A_58 = vector.broadcast %broadcast_in_dim3A_57 : f32 to vector<128x128xf32>
      %swap3A_59 = arith.constant 0 : index
      %swap3A_60 = arith.constant 0 : index
      %swap3A_61 = vector.load %arg9[%swap3A_59, %swap3A_60] : memref<128x128xf32, #tpu.memory_space<vmem>>, vector<128x128xf32>
      tpu.vector_store %arg9[%swap3A_59, %swap3A_60], %broadcast_in_dim3A_58 {strides = array<i32>} : memref<128x128xf32, #tpu.memory_space<vmem>>, vector<128x128xf32>,
      %broadcast_in_dim3A_62 = arith.constant 0.000000e+00 : f32
      %broadcast_in_dim3A_63 = vector.broadcast %broadcast_in_dim3A_62 : f32 to vector<128x1xf32>
      %swap3A_64 = arith.constant 0 : index
      %swap3A_65 = arith.constant 0 : index
      %swap3A_66 = vector.load %arg10[%swap3A_64, %swap3A_65] : memref<128x1xf32, #tpu.memory_space<vmem>>, vector<128x1xf32>
      tpu.vector_store %arg10[%swap3A_64, %swap3A_65], %broadcast_in_dim3A_63 {strides = array<i32>} : memref<128x1xf32, #tpu.memory_space<vmem>>, vector<128x1xf32>,
    } else {
    }
    %get3A = arith.constant 0 : index
    %get3A_2 = arith.constant 0 : index
    %get3A_3 = arith.constant 0 : index
    %get3A_4 = vector.load %arg1[%get3A, %get3A_2, %get3A_3] : memref<2x2048x128xf32, #tpu.memory_space<vmem>>, vector<1x2048x128xf32>
    %get3A_5 = vector.shape_cast %get3A_4 : vector<1x2048x128xf32> to vector<2048x128xf32>
    %get3A_6 = arith.constant 1 : index
    %get3A_7 = arith.constant 0 : index
    %get3A_8 = arith.constant 0 : index
    %get3A_9 = vector.load %arg1[%get3A_6, %get3A_7, %get3A_8] : memref<2x2048x128xf32, #tpu.memory_space<vmem>>, vector<1x2048x128xf32>
    %get3A_10 = vector.shape_cast %get3A_9 : vector<1x2048x128xf32> to vector<2048x128xf32>
    %add3A = arith.addf %get3A_5, %get3A_10 : vector<2048x128xf32>
    %get3A_11 = arith.constant 0 : index
    %get3A_12 = arith.constant 0 : index
    %get3A_13 = vector.load %arg2[%get3A_11, %get3A_12] : memref<2048x128xf32, #tpu.memory_space<vmem>>, vector<2048x128xf32>
    %add3A_14 = arith.addf %add3A, %get3A_13 : vector<2048x128xf32>
    %get3A_15 = arith.constant 0 : index
    %get3A_16 = arith.constant 0 : index
    %get3A_17 = vector.load %arg3[%get3A_15, %get3A_16] : memref<2048x1xf32, #tpu.memory_space<vmem>>, vector<2048x1xf32>
    %mul3A = vector.broadcast %get3A_17 : vector<2048x1xf32> to vector<2048x128xf32>
    %mul3A_18 = arith.mulf %add3A_14, %mul3A : vector<2048x128xf32>
    %get3A_19 = arith.constant 0 : index
    %get3A_20 = arith.constant 0 : index
    %get3A_21 = vector.load %arg4[%get3A_19, %get3A_20] : memref<1x128xf32, #tpu.memory_space<vmem>>, vector<1x128xf32>
    %add3A_22 = vector.broadcast %get3A_21 : vector<1x128xf32> to vector<2048x128xf32>
    %add3A_23 = arith.addf %mul3A_18, %add3A_22 : vector<2048x128xf32>
    %max3A = arith.constant 0.000000e+00 : f32
    %max3A_24 = vector.broadcast %max3A : f32 to vector<2048x128xf32>
    %max3A_25 = arith.maximumf %add3A_23, %max3A_24 : vector<2048x128xf32>
    %get3A_26 = arith.constant 0 : index
    %get3A_27 = arith.constant 0 : index
    %get3A_28 = arith.constant 0 : index
    %get3A_29 = vector.load %arg5[%get3A_26, %get3A_27, %get3A_28] : memref<1x1x2048xi32, #tpu.memory_space<vmem>>, vector<1x1x2048xi32>
    %get3A_30 = vector.shape_cast %get3A_29 : vector<1x1x2048xi32> to vector<1x2048xi32>
    %iota3A = tpu.iota {dimensions = array<i32: 0>} : vector<128x2048xi32>
    %eq3A_31 = vector.broadcast %get3A_30 : vector<1x2048xi32> to vector<128x2048xi32>
    %eq3A_32 = arith.cmpi eq, %iota3A, %eq3A_31 : vector<128x2048xi32>
    %convert_element_type3A_33 = arith.extui %eq3A_32 : vector<128x2048xi1> to vector<128x2048xi32>
    %convert_element_type3A_34 = arith.sitofp %convert_element_type3A_33 : vector<128x2048xi32> to vector<128x2048xf32>
    %get3A_35 = arith.constant 0 : index
    %get3A_36 = arith.constant 0 : index
    %get3A_37 = vector.load %arg9[%get3A_35, %get3A_36] : memref<128x128xf32, #tpu.memory_space<vmem>>, vector<128x128xf32>
    %dot_general3A = arith.constant dense<0.000000e+00> : vector<128x128xf32>
    %dot_general3A_38 = tpu.matmul %convert_element_type3A_34, %max3A_25, %dot_general3A {dimension_numbers = #tpu.dot_dimension_numbers<[1], [0], [0], [1], [0, 0, 1, 1], [], []>, transpose_lhs_hint = false} : vector<128x2048xf32>, vector<2048x128xf32>, vector<128x128xf32> -> vector<128x128xf32>
    %add3A_39 = arith.addf %get3A_37, %dot_general3A_38 : vector<128x128xf32>
    %swap3A = arith.constant 0 : index
    %swap3A_40 = arith.constant 0 : index
    %swap3A_41 = vector.load %arg9[%swap3A, %swap3A_40] : memref<128x128xf32, #tpu.memory_space<vmem>>, vector<128x128xf32>
    tpu.vector_store %arg9[%swap3A, %swap3A_40], %add3A_39 {strides = array<i32>} : memref<128x128xf32, #tpu.memory_space<vmem>>, vector<128x128xf32>,
    %get3A_42 = arith.constant 0 : index
    %get3A_43 = arith.constant 0 : index
    %get3A_44 = vector.load %arg10[%get3A_42, %get3A_43] : memref<128x1xf32, #tpu.memory_space<vmem>>, vector<128x1xf32>
    %broadcast_in_dim3A = arith.constant 1.000000e+00 : f32
    %broadcast_in_dim3A_45 = vector.broadcast %broadcast_in_dim3A : f32 to vector<2048x1xf32>
    %dot_general3A_46 = arith.constant dense<0.000000e+00> : vector<128x1xf32>
    %dot_general3A_47 = tpu.matmul %convert_element_type3A_34, %broadcast_in_dim3A_45, %dot_general3A_46 {dimension_numbers = #tpu.dot_dimension_numbers<[1], [0], [0], [1], [0, 0, 1, 1], [], []>, transpose_lhs_hint = false} : vector<128x2048xf32>, vector<2048x1xf32>, vector<128x1xf32> -> vector<128x1xf32>
    %add3A_48 = arith.addf %get3A_44, %dot_general3A_47 : vector<128x1xf32>
    %swap3A_49 = arith.constant 0 : index
    %swap3A_50 = arith.constant 0 : index
    %swap3A_51 = vector.load %arg10[%swap3A_49, %swap3A_50] : memref<128x1xf32, #tpu.memory_space<vmem>>, vector<128x1xf32>
    tpu.vector_store %arg10[%swap3A_49, %swap3A_50], %add3A_48 {strides = array<i32>} : memref<128x1xf32, #tpu.memory_space<vmem>>, vector<128x1xf32>,
    %eq3A_52 = arith.constant 4 : i32
    %eq3A_53 = arith.cmpi eq, %arg0, %eq3A_52 : i32
    %convert_element_type3A_54 = arith.extui %eq3A_53 : i1 to i32
    %cond3A_55 = arith.constant 0 : i32
    %cond3A_56 = arith.cmpi ne, %convert_element_type3A_54, %cond3A_55 : i32
    scf.if %cond3A_56 {
      %get3A_57 = arith.constant 0 : index
      %get3A_58 = arith.constant 0 : index
      %get3A_59 = vector.load %arg9[%get3A_57, %get3A_58] : memref<128x128xf32, #tpu.memory_space<vmem>>, vector<128x128xf32>
      %get3A_60 = arith.constant 0 : index
      %get3A_61 = arith.constant 0 : index
      %get3A_62 = vector.load %arg10[%get3A_60, %get3A_61] : memref<128x1xf32, #tpu.memory_space<vmem>>, vector<128x1xf32>
      %max3A_63 = arith.constant 1.000000e+00 : f32
      %max3A_64 = vector.broadcast %max3A_63 : f32 to vector<128x1xf32>
      %max3A_65 = arith.maximumf %get3A_62, %max3A_64 : vector<128x1xf32>
      %div3A = vector.broadcast %max3A_65 : vector<128x1xf32> to vector<128x128xf32>
      %div3A_66 = arith.divf %get3A_59, %div3A : vector<128x128xf32>
      %get3A_67 = arith.constant 0 : index
      %get3A_68 = arith.constant 0 : index
      %get3A_69 = vector.load %arg6[%get3A_67, %get3A_68] : memref<128x16xf32, #tpu.memory_space<vmem>>, vector<128x16xf32>
      %dot_general3A_70 = arith.constant dense<0.000000e+00> : vector<128x16xf32>
      %dot_general3A_71 = tpu.matmul %div3A_66, %get3A_69, %dot_general3A_70 {dimension_numbers = #tpu.dot_dimension_numbers<[1], [0], [0], [1], [0, 0, 1, 1], [], []>, transpose_lhs_hint = false} : vector<128x128xf32>, vector<128x16xf32>, vector<128x16xf32> -> vector<128x16xf32>
      %get3A_72 = arith.constant 0 : index
      %get3A_73 = arith.constant 0 : index
      %get3A_74 = vector.load %arg7[%get3A_72, %get3A_73] : memref<1x16xf32, #tpu.memory_space<vmem>>, vector<1x16xf32>
      %add3A_75 = vector.broadcast %get3A_74 : vector<1x16xf32> to vector<128x16xf32>
      %add3A_76 = arith.addf %dot_general3A_71, %add3A_75 : vector<128x16xf32>
      %reduce_max3A = arith.constant dense<0xFF800000> : vector<128xf32>
      %reduce_max3A_77 = vector.multi_reduction <maximumf>, %add3A_76, %reduce_max3A [1] : vector<128x16xf32> to vector<128xf32>
      %broadcast_in_dim3A_78 = vector.shape_cast %reduce_max3A_77 : vector<128xf32> to vector<128x1xf32>
      %sub3A = vector.broadcast %broadcast_in_dim3A_78 : vector<128x1xf32> to vector<128x16xf32>
      %sub3A_79 = arith.subf %add3A_76, %sub3A : vector<128x16xf32>
      %exp3A = math.exp %sub3A_79 : vector<128x16xf32>
      %sub3A_80 = vector.broadcast %broadcast_in_dim3A_78 : vector<128x1xf32> to vector<128x16xf32>
      %sub3A_81 = arith.subf %add3A_76, %sub3A_80 : vector<128x16xf32>
      %reduce_sum3A = arith.constant dense<0.000000e+00> : vector<128xf32>
      %reduce_sum3A_82 = vector.multi_reduction <add>, %exp3A, %reduce_sum3A [1] : vector<128x16xf32> to vector<128xf32>
      %broadcast_in_dim3A_83 = vector.shape_cast %reduce_sum3A_82 : vector<128xf32> to vector<128x1xf32>
      %log3A = math.log %broadcast_in_dim3A_83 : vector<128x1xf32>
      %sub3A_84 = vector.broadcast %log3A : vector<128x1xf32> to vector<128x16xf32>
      %sub3A_85 = arith.subf %sub3A_81, %sub3A_84 : vector<128x16xf32>
      %swap3A_86 = arith.constant 0 : index
      %swap3A_87 = arith.constant 0 : index
      %swap3A_88 = vector.load %arg8[%swap3A_86, %swap3A_87] : memref<128x16xf32, #tpu.memory_space<vmem>>, vector<128x16xf32>
      tpu.vector_store %arg8[%swap3A_86, %swap3A_87], %sub3A_85 {strides = array<i32>} : memref<128x16xf32, #tpu.memory_space<vmem>>, vector<128x16xf32>,
    } else {
    }
    return
  }
  func.func @transform_0(%arg0: i32) -> (i32, i32, i32) {
    %c0_i32 = arith.constant 0 : i32
    %c0_i32_0 = arith.constant 0 : i32
    %c0_i32_1 = arith.constant 0 : i32
    return %c0_i32, %arg0, %c0_i32_0 : i32, i32, i32
  }
  func.func @transform_1(%arg0: i32) -> (i32, i32) {
    %c0_i32 = arith.constant 0 : i32
    %c0_i32_0 = arith.constant 0 : i32
    return %arg0, %c0_i32 : i32, i32
  }
  func.func @transform_2(%arg0: i32) -> (i32, i32) {
    %c0_i32 = arith.constant 0 : i32
    %c0_i32_0 = arith.constant 0 : i32
    return %arg0, %c0_i32 : i32, i32
  }
  func.func @transform_3(%arg0: i32) -> (i32, i32) {
    %c0_i32 = arith.constant 0 : i32
    %c0_i32_0 = arith.constant 0 : i32
    %c0_i32_1 = arith.constant 0 : i32
    return %c0_i32, %c0_i32_0 : i32, i32
  }
  func.func @transform_4(%arg0: i32) -> (i32, i32, i32) {
    %c0_i32 = arith.constant 0 : i32
    %c0_i32_0 = arith.constant 0 : i32
    %c0_i32_1 = arith.constant 0 : i32
    return %arg0, %c0_i32, %c0_i32_0 : i32, i32, i32
  }
  func.func @transform_5(%arg0: i32) -> (i32, i32) {
    %c0_i32 = arith.constant 0 : i32
    %c0_i32_0 = arith.constant 0 : i32
    %c0_i32_1 = arith.constant 0 : i32
    return %c0_i32, %c0_i32_0 : i32, i32
  }
  func.func @transform_6(%arg0: i32) -> (i32, i32) {
    %c0_i32 = arith.constant 0 : i32
    %c0_i32_0 = arith.constant 0 : i32
    %c0_i32_1 = arith.constant 0 : i32
    return %c0_i32, %c0_i32_0 : i32, i32
  }
  func.func @transform_7(%arg0: i32) -> (i32, i32) {
    %c0_i32 = arith.constant 0 : i32
    %c0_i32_0 = arith.constant 0 : i32
    %c0_i32_1 = arith.constant 0 : i32
    return %c0_i32, %c0_i32_0 : i32, i32
  }
}

</mosaic_0001>

<sc_bundles>
// kernel: kernel.11.cloned.1.call-start
scs
__scs_entry_jumppad:
0x0: {  	(pc) =	sbr.rel $0x88, $3  }
0x1: {  	(tag) =	ssettag $0x0;
	lr =	simm.s32 $0x1  }
0x2: {  	[smem:$0x3F98] =	sst lr;
	_ =	strace $0xD0000000  }
0x3: {  	_ = 	snop  }
0x4: {  	_ = 	snop  }
0x5: {  	_ = 	snop  }
0x6: {  	_ = 	snop  }
0x7: {  	_ = 	snop  }
__scs_overlays_trampoline_lowered:
0x8: {  	[smem:$0x3FA7] =	sst s0  }
0x9: {  	[smem:$0x3FA8] =	sst s1  }
0xa: {  	[smem:$0x3FA9] =	sst s2  }
0xb: {  	[smem:$0x3FAA] =	sst s3  }
0xc: {  	[smem:$0x3FAB] =	sst s4  }
0xd: {  	[smem:$0x3FAC] =	sst s5  }
0xe: {  	[smem:$0x3FAD] =	sst s6  }
0xf: {  	[smem:$0x3FAE] =	sst s7  }
0x10: {  	[smem:$0x3FAF] =	sst s8  }
0x11: {  	[smem:$0x3FB0] =	sst s9;
	s0 =	simm.s32 @!p0 $0x0  }
0x12: {  	s1 =	sld [smem:$0x3F96];
	s0 =	simm.s32 @p0 $0x1  }
0x13: {  	[smem:$0x3FB1] =	sst s0;
	s0 =	simm.s32 @!p1 $0x0  }
0x14: {  	s2 =	sld [smem:$0x3F95];
	s0 =	simm.s32 @p1 $0x1  }
0x15: {  	[smem:$0x3FB2] =	sst s0;
	s0 =	simm.s32 @!p2 $0x0  }
0x16: {  	s3 =	sld [smem:$0x3FDB];
	s0 =	simm.s32 @p2 $0x1  }
0x17: {  	s4 =	simm.s32 $0x1BF5;
	[smem:$0x3FB4] =	sst s0  }
0x18: {  	s0 =	sld [smem:$0x3F97];
	_ =	swait.ge [sflag:s4], $0x0  }
0x19: {  	s7 =	sld [smem:$0x3F98]  }
0x1a: {  	s8 =	sadd.s32 $0xFFFFE003, lr  }
0x1b: {  	s9 =	sadd.s32 $0xFFFFFEF7, lr;
	s5 =	simm.s32 $0xFFFFFFFF;
	p2 =	slt.u32 s8, $0xFFFFF086  }
0x1c: {  	p1 =	slt.u32 s9, $0xF7A;
	s5 =	simm.s32 @!p2 $0x0  }
0x1d: {  	s5 =	simm.s32 @p1 $0x1;
	p0 =	seq.s32 s7, s2  }
0x1e: {  	s7 =	smul.u32 @!p0 $0xF7A, s2;
	p2 =	seq.s32 @!p0 s5, $0x0  }
0x1f: {  	s9 =	smul.u32 $0xF7A, s1;
	s8 =	simm.s32 @!p0 $0x1BF5;
	p2 =	por !p2, p0  }
0x20: {  	[sflag:s8] =	ssyncset.s32 @!p0 $0xFFFFF086;
	s6 =	sadd.s32 @!p0 s3, s7;
	s7 =	simm.s32 @!p0 $0x108  }
0x21: {  	s3 =	sadd.s32 s3, s9;
	s6 =	sadd.s32 @!p0 $0x88, s6;
	s7 =	simm.s32 @p2 $0x1082  }
0x22: {  	[simem:s7], [sflag:s8] =	dma.local @!p0 [hbm:s6], $0xF7A  }
0x23: {  	s9 =	sor.u32 $0xD0000000, s2;
	s6 =	simm.s32 $0x108;
	_ =	swait.ge @!p0 [sflag:s8], $0x0  }
0x24: {  	s3 =	sadd.s32 $0x88, s3;
	s6 =	simm.s32 @!p1 $0x1082;
	[sflag:s4] =	ssyncset.s32 $0xFFFFF086  }
0x25: {  	[simem:s6], [sflag:s4] =	dma.local [hbm:s3], $0xF7A  }
0x26: {  	[smem:$0x3F98] =	sst s1;
	(tag) =	ssettag s2;
	_ =	strace s9  }
0x27: {  	s1 =	sld [smem:$0x3FA8]  }
0x28: {  	s2 =	sld [smem:$0x3FA9]  }
0x29: {  	s4 =	sld [smem:$0x3FAB]  }
0x2a: {  	p0 =	seq.s32 s5, $0x0;
	s5 =	sld [smem:$0x3FAC]  }
0x2b: {  	s6 =	sld [smem:$0x3FAD]  }
0x2c: {  	s7 =	sld [smem:$0x3FAE]  }
0x2d: {  	s3 =	simm.s32 $0x108;
	s8 =	sld [smem:$0x3FAF]  }
0x2e: {  	s3 =	simm.s32 @!p0 $0x1082;
	s9 =	sld [smem:$0x3FB0]  }
0x2f: {  	lr =	sadd.s32 s0, s3;
	s0 =	sld [smem:$0x3FA7]  }
0x30: {  	s3 =	sld [smem:$0x3FAA]  }
0x31: {  	[smem:$0x3FB3] =	sst s10  }
0x32: {  	s10 =	sld [smem:$0x3FB1];
	_ =	sdelay $0x3  }
0x33: {  	p0 =	seq.s32 s10, $0x1;
	s10 =	sld [smem:$0x3FB3];
	_ =	sdelay $0x3  }
0x34: {  	[smem:$0x3FB3] =	sst s10  }
0x35: {  	s10 =	sld [smem:$0x3FB2];
	_ =	sdelay $0x3  }
0x36: {  	p1 =	seq.s32 s10, $0x1;
	s10 =	sld [smem:$0x3FB3];
	_ =	sdelay $0x3  }
0x37: {  	[smem:$0x3FB3] =	sst s10  }
0x38: {  	s10 =	sld [smem:$0x3FB4]  }
0x39: {  	_ = 	snop;
	(pc) =	sbr.ind lr, $3  }
0x3a: {  	_ = 	snop  }
0x3b: {  	_ = 	snop  }
0x3c: {  	p2 =	seq.s32 s10, $0x1;
	s10 =	sld [smem:$0x3FB3]  }
0x3d: {  	_ =	shalt  }
0x3e: {  	_ =	shalt  }
0x3f: {  	_ =	shalt  }
0x40: {  	_ =	shalt  }
0x41: {  	_ =	shalt  }
0x42: {  	_ =	shalt  }
0x43: {  	_ =	shalt  }
0x44: {  	_ =	shalt  }
0x45: {  	_ =	shalt  }
0x46: {  	_ =	shalt  }
0x47: {  	_ =	shalt  }
0x48: {  	_ =	shalt  }
0x49: {  	_ =	shalt  }
0x4a: {  	_ =	shalt  }
0x4b: {  	_ =	shalt  }
0x4c: {  	_ =	shalt  }
0x4d: {  	_ =	shalt  }
0x4e: {  	_ =	shalt  }
0x4f: {  	_ =	shalt  }
0x50: {  	_ =	shalt  }
0x51: {  	_ =	shalt  }
0x52: {  	_ =	shalt  }
0x53: {  	_ =	shalt  }
0x54: {  	_ =	shalt  }
0x55: {  	_ =	shalt  }
0x56: {  	_ =	shalt  }
0x57: {  	_ =	shalt  }
0x58: {  	_ =	shalt  }
0x59: {  	_ =	shalt  }
0x5a: {  	_ =	shalt  }
0x5b: {  	_ =	shalt  }
0x5c: {  	_ =	shalt  }
0x5d: {  	_ =	shalt  }
0x5e: {  	_ =	shalt  }
0x5f: {  	_ =	shalt  }
0x60: {  	_ =	shalt  }
0x61: {  	_ =	shalt  }
0x62: {  	_ =	shalt  }
0x63: {  	_ =	shalt  }
0x64: {  	_ =	shalt  }
0x65: {  	_ =	shalt  }
0x66: {  	_ =	shalt  }
0x67: {  	_ =	shalt  }
0x68: {  	_ =	shalt  }
0x69: {  	_ =	shalt  }
0x6a: {  	_ =	shalt  }
0x6b: {  	_ =	shalt  }
0x6c: {  	_ =	shalt  }
0x6d: {  	_ =	shalt  }
0x6e: {  	_ =	shalt  }
0x6f: {  	_ =	shalt  }
0x70: {  	_ =	shalt  }
0x71: {  	_ =	shalt  }
0x72: {  	_ =	shalt  }
0x73: {  	_ =	shalt  }
0x74: {  	_ =	shalt  }
0x75: {  	_ =	shalt  }
0x76: {  	_ =	shalt  }
0x77: {  	_ =	shalt  }
0x78: {  	_ =	shalt  }
0x79: {  	_ =	shalt  }
0x7a: {  	_ =	shalt  }
0x7b: {  	_ =	shalt  }
0x7c: {  	_ =	shalt  }
0x7d: {  	_ =	shalt  }
0x7e: {  	_ =	shalt  }
0x7f: {  	_ =	shalt  }
0x80: {  	_ =	shalt  }
0x81: {  	_ =	shalt  }
0x82: {  	_ =	shalt  }
0x83: {  	_ =	shalt  }
0x84: {  	_ =	shalt  }
0x85: {  	_ =	shalt  }
0x86: {  	_ =	shalt  }
0x87: {  	_ =	shalt  }
.Lfunc_end0:
.L_simem_size_0:
called_computation.1_lowered:
.L_overlay_start_0:
0x88: {  	s2 =	sld [smem:$0x3FD9]  }
0x89: {  	s3 =	sld [smem:$0x3FFE];
	_ =	sdelay $0x1  }
0x8a: {  	s1 =	srdreg.scid  }
0x8b: {  	s0 =	sand.u32 $0x1, s1  }
0x8c: {  	s16 =	sshll.u32 s0, $0xA;
	s2 =	sadd.s32 s3, s2  }
0x8d: {  	s2 =	sadd.s32 s2, s16  }
0x8e: {  	[smem:$0x3FBF] =	sst s2  }
0x8f: {  	_ = 	snop  }
0x90: {  	(tm) =	ssettm $0x1  }
0x91: {  	s17 =	sld [smem:$0x3FFB];
	_ =	sdelay $0x3  }
0x92: {  	_ =	strace s17  }
0x93: {  	s2 =	sld [smem:$0x3FFC];
	_ =	sdelay $0x3  }
0x94: {  	_ =	strace s2  }
0x95: {  	s2 =	sld [smem:$0x3FFD];
	_ =	sdelay $0x3  }
0x96: {  	_ =	strace s2  }
0x97: {  	_ =	strace $0x8FFFFFFF  }
0x98: {  	s18 =	sld [smem:$0x3FDB];
	_ =	sdelay $0x1  }
0x99: {  	s19 =	simm.s32 $_scs_section_size  }
0x9a: {  	s4 =	simm.s32 $_size__tile_overlayer_lowered;
	s5 =	simm.s32 $_tile_overlayer_lowered  }
0x9b: {  	s22 =	simm.s32 $0x1BFF;
	s21 =	sshll.u32 s5, $0x1;
	s2 =	sadd.s32 s19, s18  }
0x9c: {  	s6 =	simm.s32 $0x0;
	s20 =	sshll.u32 s4, $0x1;
	s4 =	sadd.s32 s21, s2  }
0x9d: {  	[timem:s6], [sflag:s22] =	dma.local [hbm:s4], s20  }
0x9e: {  	_ =	swait.ge [sflag:s22], s20  }
0x9f: {  	s3 =	ssub.s32 $0x0, s20;
	[sflag:s22] =	ssyncset.done $0x0  }
0xa0: {  	[sflag:s22] =	ssyncadd.s32 s3;
	_ =	sdelay $0x1  }
0xa1: {  	s23 =	simm.s32 $0x1B8B  }
0xa2: {  	_ =	swait.ge [sflag:s23], $0x1  }
0xa3: {  	[sflag:s23] =	ssyncset.done $0x0  }
0xa4: {  	s25 =	simm.s32 $0x1B8E;
	s24 =	sld [smem:$0x3FFE];
	[sflag:s23] =	ssyncadd.s32 $0xFFFFFFFF  }
0xa5: {  	s26 =	simm.s32 $execute0_lowered;
	[smem:$0x3FD2] =	sst s25  }
0xa6: {  	s4 =	sshll.u32 s26, $0x1;
	_ =	strace $0x80000049;
	[dreg:$0x1] =	wrdreg $0xFFFFFFFF  }
0xa7: {  	s28 =	simm.s32 $_size_execute0_lowered;
	s2 =	sadd.s32 s2, s4;
	[dreg:$0x0] =	wrdreg $0x0  }
0xa8: {  	s4 =	sshll.u32 s28, $0x1;
	[dreg:$0x2] =	wrdreg s2  }
0xa9: {  	[dreg:$0x3] =	wrdreg s4  }
0xaa: {  	[dreg:$0x4] =	wrdreg $0xC0  }
0xab: {  	_ =	task [dreg:s6], $0x5FFFF  }
0xac: {  	[dreg:$0x1] =	wrdreg $0xFFFFFFFF  }
0xad: {  	[dreg:$0x0] =	wrdreg $0x60  }
0xae: {  	[dreg:$0x2] =	wrdreg s24  }
0xaf: {  	[dreg:$0x3] =	wrdreg $0xB0000  }
0xb0: {  	[dreg:$0x4] =	wrdreg $0x9  }
0xb1: {  	_ =	task.clear_ibuf [dreg:s6], $0x5FFFF;
	_ =	strace $0x90000049  }
0xb2: {  	s29 =	simm.s32 $0x9;
	_ =	strace $0x8000004B  }
0xb3: {  	_ =	swait.ge [sflag:s29], $0x1  }
0xb4: {  	[sflag:s29] =	ssyncadd.s32 $0xFFFFFFFF  }
0xb5: {  	_ =	strace $0x9000004B  }
0xb6: {  	_ =	sfence  }
0xb7: {  	s30 =	sld [smem:$0x0];
	_ =	sdelay $0x2  }
0xb8: {  	s31 =	sshll.u32 s1, $0xD;
	s1 =	sshrl.u32 s1, $0x2  }
0xb9: {  	s3 =	sand.u32 $0x4000, s31;
	s1 =	sadd.s32 s1, s30  }
0xba: {  	s0 =	sor.u32 s3, s0;
	s1 =	sshll.u32 s1, $0x11  }
0xbb: {  	s0 =	sor.u32 s1, s0  }
0xbc: {  	s0 =	sadd.s32 $0x8F2B, s0  }
0xbd: {  	[sflag:s0] =	ssyncadd.remote.s32 $0x1  }
0xbe: {  	_ =	sfence.sel $0xFFFF  }
0xbf: {  	[dreg:$0x0] =	wrdreg $0xFFFFFFFF;
	(pc) =	sbr.abs _section_cstart, $3  }
0xc0: {  	[dreg:$0x1] =	wrdreg $0xFFFFFFFF  }
0xc1: {  	_ =	task.clear_ibuf [dreg:s6], $0x2FFFF;
	_ =	strace $0x9FFFFFFF  }
0xc2: {  	(tm) =	ssettm $0x7FFFFFFF  }
0xc3: {  	_ =	shalt  }
tec
execute0_lowered:
.L_overlay_start_1:
0x0: {  	(tag) =	ssettag $0x1  }
0x1: {  	s2 =	rddreg [dreg:$0x0]  }
0x2: {  	s1 =	rddreg [dreg:$0x1];
	s3 =	simm.s32 $0x0  }
0x3: {  	[smem:$0x7FF] =	sst s3;
	s22 =	sadd.s32 $0x16E00, s2  }
0x4: {  	s13 =	simm.s32 $0x480;
	_ =	strace $0x8000004A;
	[dreg:$0x1b] =	wrdreg s22  }
0x5: {  	s14 =	simm.s32 $0x180;
	[dreg:$0x6] =	wrdreg s13  }
0x6: {  	s15 =	simm.s32 $0x500;
	[dreg:$0x7] =	wrdreg s14  }
0x7: {  	s0 =	srdreg.scid;
	s16 =	simm.s32 $0x200;
	[dreg:$0x8] =	wrdreg s15  }
0x8: {  	s12 =	stileid.u32;
	s17 =	simm.s32 $0x580;
	[dreg:$0x9] =	wrdreg s16  }
0x9: {  	s18 =	simm.s32 $0x280;
	s20 =	simm.s32 $0x600;
	[dreg:$0xa] =	wrdreg s17  }
0xa: {  	s21 =	simm.s32 $0x300;
	s9 =	smul.u32 $0x2800, s12;
	[dreg:$0xb] =	wrdreg s18  }
0xb: {  	s7 =	sand.u32 $0x1, s0;
	s10 =	smul.u32 $0x14000, s12;
	[dreg:$0xc] =	wrdreg s20  }
0xc: {  	s5 =	sadd.s32 $0x2E00, s2;
	[dreg:$0xd] =	wrdreg s21;
	s22 =	simm.s32 $0x680  }
0xd: {  	s6 =	sadd.s32 $0xCE00, s2;
	s14 =	simm.s32 $0x900;
	[dreg:$0xe] =	wrdreg s22  }
0xe: {  	s8 =	smul.u32 $0x140000, s7;
	s16 =	simm.s32 $0xC80;
	[dreg:$0x13] =	wrdreg s14  }
0xf: {  	s0 =	smul.u32 $0x28000, s7;
	s18 =	simm.s32 $0x980;
	[dreg:$0x14] =	wrdreg s16  }
0x10: {  	s24 =	ssub.s32 $0x2, s7;
	s20 =	simm.s32 $0xD00;
	[dreg:$0x15] =	wrdreg s18  }
0x11: {  	s7 =	sshll.u32 s7, $0x4;
	s25 =	sshrl.u32 s24, $0x1;
	[dreg:$0x16] =	wrdreg s20  }
0x12: {  	s22 =	simm.s32 $0xA00;
	s0 =	sadd.s32 s9, s0;
	s8 =	sadd.s32 s10, s8  }
0x13: {  	s10 =	ssub.s32 s24, s25;
	s24 =	simm.s32 $0x380;
	[dreg:$0x17] =	wrdreg s22  }
0x14: {  	s23 =	sor.u32 $0x400, s0;
	[dreg:$0xf] =	wrdreg s24;
	s24 =	simm.s32 $0xD80  }
0x15: {  	s9 =	sshrl.u32 s23, $0x3;
	s23 =	smax.u32 s10, $0x1;
	[dreg:$0x18] =	wrdreg s24  }
0x16: {  	s7 =	sor.u32 s12, s7;
	s10 =	simm.s32 $0x780;
	[dreg:$0x1f] =	wrdreg s23  }
0x17: {  	s7 =	smul.u32 $0x2800, s7;
	s11 =	sadd.s32 s9, s6;
	[dreg:$0x11] =	wrdreg s10  }
0x18: {  	s4 =	sadd.s32 $0x17200, s2;
	s26 =	sadd.s32 s9, s5;
	[dreg:$0x3] =	wrdreg s11  }
0x19: {  	s7 =	sshrl.u32 s7, $0x3;
	s9 =	simm.s32 $0x100;
	[dreg:$0x4] =	wrdreg s26  }
0x1a: {  	s8 =	sshrl.u32 s8, $0x3;
	s19 =	sadd.s32 s5, s7;
	[dreg:$0x5] =	wrdreg s9  }
0x1b: {  	s2 =	sadd.s32 s8, s2;
	s7 =	sadd.s32 s6, s7;
	[dreg:$0x1c] =	wrdreg s19  }
0x1c: {  	s2 =	sadd.s32 $0x3F200, s2;
	s11 =	smul.u32 $0x50000, s12;
	[dreg:$0x1d] =	wrdreg s7  }
0x1d: {  	s28 =	simm.s32 $0xC00;
	[dreg:$0x1e] =	wrdreg s2;
	s26 =	simm.s32 $0x700  }
0x1e: {  	s12 =	simm.s32 $0x880;
	[dreg:$0x10] =	wrdreg s26;
	s9 =	sshrl.u32 s11, $0x2  }
0x1f: {  	[dreg:$0x12] =	wrdreg s12;
	s26 =	simm.s32 $0xE00;
	s8 =	sadd.s32 s9, s1  }
0x20: {  	s29 =	simm.s32 $0x1;
	[dreg:$0x1a] =	wrdreg s26;
	s25 =	sadd.s32 $0x2000, s8  }
0x21: {  	s30 =	simm.s32 $0x80;
	s9 =	sadd.s32 $0x4000, s8;
	[smem:$0x7F5] =	sst s25  }
0x22: {  	s31 =	simm.s32 $0x1000;
	s11 =	sadd.s32 $0x6000, s8;
	[smem:$0x7F6] =	sst s9  }
0x23: {  	s14 =	simm.s32 $0xF80;
	s13 =	sadd.s32 $0x8000, s8;
	[smem:$0x7F7] =	sst s11  }
0x24: {  	s24 =	simm.s32 $0x5;
	s15 =	sadd.s32 $0xA000, s8;
	[smem:$0x7F8] =	sst s13  }
0x25: {  	s10 =	simm.s32 $0xB00;
	s17 =	sadd.s32 $0xC000, s8;
	[smem:$0x7F9] =	sst s15  }
0x26: {  	s2 =	simm.s32 $0x3;
	s19 =	sadd.s32 $0xE000, s8;
	[smem:$0x7FA] =	sst s17  }
0x27: {  	s7 =	simm.s32 $0x4;
	s21 =	sadd.s32 $0x10000, s8;
	[smem:$0x7FB] =	sst s19  }
0x28: {  	s12 =	simm.s32 $0xB80;
	s23 =	sadd.s32 $0x12000, s8;
	[smem:$0x7FC] =	sst s21  }
0x29: {  	s26 =	simm.s32 $0x800;
	[smem:$0x7FD] =	sst s23;
	s17 =	sadd.s32 $0x800, s0  }
0x2a: {  	s25 =	simm.s32 $0xA80;
	s23 =	simm.s32 $0x9000;
	s0 =	simm.s32 $0x5000  }
0x2b: {  	s9 =	simm.s32 $0x2;
	s11 =	simm.s32 $0xE80;
	s13 =	simm.s32 $0xF00  }
0x2c: {  	s15 =	simm.s32 $0x0;
	[dreg:$0x19] =	wrdreg s25;
	s25 =	simm.s32 $0x400  }
.LBB2_1:
0x2d: {  	s16 =	rddreg [dreg:$0x1b]  }
0x2e: {  	[tilespmem:s23], [sflag:$0x5] =	stream.linear.gather [hbm4b:s16+s3], $0x2000, $0x38;
	[tilespmem:$0x1F000] =	vst v63  }
0x2f: {  	_ =	swait.ge [sflag:s24], $0x2000  }
0x30: {  	[sflag:s24] =	ssyncset.done $0x0  }
0x31: {  	[sflag:s24] =	ssyncadd.s32 $0xFFFFE000  }
0x32: {  	[spmem:s8] =	stream.linear.scatter [tilespmem:s23], [sflag:$0x5], $0x2000, $0x38;
	[tilespmem:$0x1F000] =	vst v63  }
0x33: {  	_ =	swait.ge [sflag:s24], $0x2000  }
0x34: {  	s18 =	sld [smem:$0x7F5]  }
0x35: {  	[sflag:s24] =	ssyncset.done $0x0  }
0x36: {  	[sflag:s24] =	ssyncadd.s32 $0xFFFFE000  }
0x37: {  	[spmem:s18] =	stream.linear.scatter [tilespmem:s23], [sflag:$0x5], $0x2000, $0x38;
	[tilespmem:$0x1F000] =	vst v63  }
0x38: {  	_ =	swait.ge [sflag:s24], $0x2000  }
0x39: {  	s19 =	sld [smem:$0x7F6]  }
0x3a: {  	[sflag:s24] =	ssyncset.done $0x0  }
0x3b: {  	[sflag:s24] =	ssyncadd.s32 $0xFFFFE000  }
0x3c: {  	[spmem:s19] =	stream.linear.scatter [tilespmem:s23], [sflag:$0x5], $0x2000, $0x38;
	[tilespmem:$0x1F000] =	vst v63  }
0x3d: {  	_ =	swait.ge [sflag:s24], $0x2000  }
0x3e: {  	s20 =	sld [smem:$0x7F7]  }
0x3f: {  	[sflag:s24] =	ssyncset.done $0x0  }
0x40: {  	[sflag:s24] =	ssyncadd.s32 $0xFFFFE000  }
0x41: {  	[spmem:s20] =	stream.linear.scatter [tilespmem:s23], [sflag:$0x5], $0x2000, $0x38;
	[tilespmem:$0x1F000] =	vst v63  }
0x42: {  	_ =	swait.ge [sflag:s24], $0x2000  }
0x43: {  	s21 =	sld [smem:$0x7F8]  }
0x44: {  	[sflag:s24] =	ssyncset.done $0x0  }
0x45: {  	[sflag:s24] =	ssyncadd.s32 $0xFFFFE000  }
0x46: {  	[spmem:s21] =	stream.linear.scatter [tilespmem:s23], [sflag:$0x5], $0x2000, $0x38;
	[tilespmem:$0x1F000] =	vst v63  }
0x47: {  	_ =	swait.ge [sflag:s24], $0x2000  }
0x48: {  	s22 =	sld [smem:$0x7F9]  }
0x49: {  	[sflag:s24] =	ssyncset.done $0x0  }
0x4a: {  	[sflag:s24] =	ssyncadd.s32 $0xFFFFE000  }
0x4b: {  	[spmem:s22] =	stream.linear.scatter [tilespmem:s23], [sflag:$0x5], $0x2000, $0x38;
	[tilespmem:$0x1F000] =	vst v63  }
0x4c: {  	_ =	swait.ge [sflag:s24], $0x2000  }
0x4d: {  	s18 =	sld [smem:$0x7FA]  }
0x4e: {  	[sflag:s24] =	ssyncset.done $0x0  }
0x4f: {  	[sflag:s24] =	ssyncadd.s32 $0xFFFFE000  }
0x50: {  	[spmem:s18] =	stream.linear.scatter [tilespmem:s23], [sflag:$0x5], $0x2000, $0x38;
	[tilespmem:$0x1F000] =	vst v63  }
0x51: {  	_ =	swait.ge [sflag:s24], $0x2000  }
0x52: {  	s19 =	sld [smem:$0x7FB]  }
0x53: {  	[sflag:s24] =	ssyncset.done $0x0  }
0x54: {  	[sflag:s24] =	ssyncadd.s32 $0xFFFFE000  }
0x55: {  	[spmem:s19] =	stream.linear.scatter [tilespmem:s23], [sflag:$0x5], $0x2000, $0x38;
	[tilespmem:$0x1F000] =	vst v63  }
0x56: {  	_ =	swait.ge [sflag:s24], $0x2000  }
0x57: {  	s20 =	sld [smem:$0x7FC]  }
0x58: {  	[sflag:s24] =	ssyncset.done $0x0  }
0x59: {  	[sflag:s24] =	ssyncadd.s32 $0xFFFFE000  }
0x5a: {  	[spmem:s20] =	stream.linear.scatter [tilespmem:s23], [sflag:$0x5], $0x2000, $0x38;
	[tilespmem:$0x1F000] =	vst v63  }
0x5b: {  	_ =	swait.ge [sflag:s24], $0x2000  }
0x5c: {  	s21 =	sld [smem:$0x7FD]  }
0x5d: {  	[sflag:s24] =	ssyncset.done $0x0  }
0x5e: {  	[sflag:s24] =	ssyncadd.s32 $0xFFFFE000  }
0x5f: {  	[spmem:s21] =	stream.linear.scatter [tilespmem:s23], [sflag:$0x5], $0x2000, $0x38;
	[tilespmem:$0x1F000] =	vst v63  }
0x60: {  	_ =	swait.ge [sflag:s24], $0x2000  }
0x61: {  	[sflag:s24] =	ssyncset.done $0x0  }
0x62: {  	s22 =	rddreg [dreg:$0x1c];
	[sflag:s24] =	ssyncadd.s32 $0xFFFFE000  }
0x63: {  	[tilespmem:s3], [sflag:$0x1] =	stream.linear.gather [hbm4b:s22+s3], $0x400, $0x38;
	[tilespmem:$0x1F000] =	vst v63  }
0x64: {  	s18 =	rddreg [dreg:$0x1d]  }
0x65: {  	[tilespmem:s25], [sflag:$0x1] =	stream.linear.gather [hbm4b:s18+s3], $0x400, $0x38;
	[tilespmem:$0x1F000] =	vst v63  }
0x66: {  	[bflag:$0x0] =	sbarrier.arrive $0xFFFF  }
0x67: {  	s19 =	rddreg [dreg:$0x4]  }
0x68: {  	s18 =	rddreg [dreg:$0x3];
	s16 =	sadd.s32 $0x0, s19  }
0x69: {  	[tilespmem:s26], [sflag:$0x2] =	stream.linear.gather [hbm4b:s16+s3], $0x400, $0x38;
	[tilespmem:$0x1F000] =	vst v63  }
0x6a: {  	s20 =	sadd.s32 $0x0, s18  }
0x6b: {  	[tilespmem:s28], [sflag:$0x2] =	stream.linear.gather [hbm4b:s20+s3], $0x400, $0x38;
	[tilespmem:$0x1F000] =	vst v63  }
0x6c: {  	_ =	swait.ge [sflag:s29], $0x400  }
0x6d: {  	[sflag:s29] =	ssyncset.done $0x0  }
0x6e: {  	[sflag:s29] =	ssyncadd.s32 $0xFFFFFC00  }
0x6f: {  	_ =	swait.ge [sflag:s29], $0x400  }
0x70: {  	[sflag:s29] =	ssyncset.done $0x0  }
0x71: {  	[sflag:s29] =	ssyncadd.s32 $0xFFFFFC00  }
0x72: {  	[tilespmem:s31], [sflag:$0x3] =	stream.indirect.gather [hbm4b:s4+s30], $0x80, s3, s30, $0xb8;
	[tilespmem:$0x1F000] =	vst v63  }
0x73: {  	_ = 	snop  }
0x74: {  	[tilespmem:s0], [sflag:$0x4] =	stream.indirect.gather [hbm4b:s4+s30], $0x80, s30, s30, $0xb8;
	[tilespmem:$0x1F000] =	vst v63  }
0x75: {  	_ =	swait.ge [sflag:s2], $0x4000  }
0x76: {  	[sflag:s2] =	ssyncset.done $0x0  }
0x77: {  	[sflag:s2] =	ssyncadd.s32 $0xFFFFC000  }
0x78: {  	[spmem:s1] =	stream.indirect.scatter.add.f32 [tilespmem:s31], [sflag:$0x5], $0x80, s25, s30, $0xb8;
	[tilespmem:$0x1F000] =	vst v63  }
0x79: {  	_ =	swait.ge [sflag:s24], $0x4000  }
0x7a: {  	[sflag:s24] =	ssyncset.done $0x0  }
0x7b: {  	s21 =	rddreg [dreg:$0x5];
	[sflag:s24] =	ssyncadd.s32 $0xFFFFC000  }
0x7c: {  	[tilespmem:s31], [sflag:$0x3] =	stream.indirect.gather [hbm4b:s4+s30], $0x80, s21, s30, $0xb8;
	[tilespmem:$0x1F000] =	vst v63  }
0x7d: {  	_ =	swait.ge [sflag:s7], $0x4000  }
0x7e: {  	[sflag:s7] =	ssyncset.done $0x0  }
0x7f: {  	s22 =	rddreg [dreg:$0x6];
	[sflag:s7] =	ssyncadd.s32 $0xFFFFC000  }
0x80: {  	[spmem:s1] =	stream.indirect.scatter.add.f32 [tilespmem:s0], [sflag:$0x5], $0x80, s22, s30, $0xb8;
	[tilespmem:$0x1F000] =	vst v63  }
0x81: {  	_ =	swait.ge [sflag:s24], $0x4000  }
0x82: {  	[sflag:s24] =	ssyncset.done $0x0  }
0x83: {  	s18 =	rddreg [dreg:$0x7];
	[sflag:s24] =	ssyncadd.s32 $0xFFFFC000  }
0x84: {  	[tilespmem:s0], [sflag:$0x4] =	stream.indirect.gather [hbm4b:s4+s30], $0x80, s18, s30, $0xb8;
	[tilespmem:$0x1F000] =	vst v63  }
0x85: {  	_ =	swait.ge [sflag:s2], $0x4000  }
0x86: {  	[sflag:s2] =	ssyncset.done $0x0  }
0x87: {  	s19 =	rddreg [dreg:$0x8];
	[sflag:s2] =	ssyncadd.s32 $0xFFFFC000  }
0x88: {  	[spmem:s1] =	stream.indirect.scatter.add.f32 [tilespmem:s31], [sflag:$0x5], $0x80, s19, s30, $0xb8;
	[tilespmem:$0x1F000] =	vst v63  }
0x89: {  	_ =	swait.ge [sflag:s24], $0x4000  }
0x8a: {  	[sflag:s24] =	ssyncset.done $0x0  }
0x8b: {  	s20 =	rddreg [dreg:$0x9];
	[sflag:s24] =	ssyncadd.s32 $0xFFFFC000  }
0x8c: {  	[tilespmem:s31], [sflag:$0x3] =	stream.indirect.gather [hbm4b:s4+s30], $0x80, s20, s30, $0xb8;
	[tilespmem:$0x1F000] =	vst v63  }
0x8d: {  	_ =	swait.ge [sflag:s7], $0x4000  }
0x8e: {  	[sflag:s7] =	ssyncset.done $0x0  }
0x8f: {  	s21 =	rddreg [dreg:$0xa];
	[sflag:s7] =	ssyncadd.s32 $0xFFFFC000  }
0x90: {  	[spmem:s1] =	stream.indirect.scatter.add.f32 [tilespmem:s0], [sflag:$0x5], $0x80, s21, s30, $0xb8;
	[tilespmem:$0x1F000] =	vst v63  }
0x91: {  	_ =	swait.ge [sflag:s24], $0x4000  }
0x92: {  	[sflag:s24] =	ssyncset.done $0x0  }
0x93: {  	s22 =	rddreg [dreg:$0xb];
	[sflag:s24] =	ssyncadd.s32 $0xFFFFC000  }
0x94: {  	[tilespmem:s0], [sflag:$0x4] =	stream.indirect.gather [hbm4b:s4+s30], $0x80, s22, s30, $0xb8;
	[tilespmem:$0x1F000] =	vst v63  }
0x95: {  	_ =	swait.ge [sflag:s2], $0x4000  }
0x96: {  	[sflag:s2] =	ssyncset.done $0x0  }
0x97: {  	s18 =	rddreg [dreg:$0xc];
	[sflag:s2] =	ssyncadd.s32 $0xFFFFC000  }
0x98: {  	[spmem:s1] =	stream.indirect.scatter.add.f32 [tilespmem:s31], [sflag:$0x5], $0x80, s18, s30, $0xb8;
	[tilespmem:$0x1F000] =	vst v63  }
0x99: {  	_ =	swait.ge [sflag:s24], $0x4000  }
0x9a: {  	[sflag:s24] =	ssyncset.done $0x0  }
0x9b: {  	s19 =	rddreg [dreg:$0xd];
	[sflag:s24] =	ssyncadd.s32 $0xFFFFC000  }
0x9c: {  	[tilespmem:s31], [sflag:$0x3] =	stream.indirect.gather [hbm4b:s4+s30], $0x80, s19, s30, $0xb8;
	[tilespmem:$0x1F000] =	vst v63  }
0x9d: {  	_ =	swait.ge [sflag:s7], $0x4000  }
0x9e: {  	[sflag:s7] =	ssyncset.done $0x0  }
0x9f: {  	s20 =	rddreg [dreg:$0xe];
	[sflag:s7] =	ssyncadd.s32 $0xFFFFC000  }
0xa0: {  	[spmem:s1] =	stream.indirect.scatter.add.f32 [tilespmem:s0], [sflag:$0x5], $0x80, s20, s30, $0xb8;
	[tilespmem:$0x1F000] =	vst v63  }
0xa1: {  	_ =	swait.ge [sflag:s24], $0x4000  }
0xa2: {  	[sflag:s24] =	ssyncset.done $0x0  }
0xa3: {  	s21 =	rddreg [dreg:$0xf];
	[sflag:s24] =	ssyncadd.s32 $0xFFFFC000  }
0xa4: {  	[tilespmem:s0], [sflag:$0x4] =	stream.indirect.gather [hbm4b:s4+s30], $0x80, s21, s30, $0xb8;
	[tilespmem:$0x1F000] =	vst v63  }
0xa5: {  	_ =	swait.ge [sflag:s2], $0x4000  }
0xa6: {  	[sflag:s2] =	ssyncset.done $0x0  }
0xa7: {  	s22 =	rddreg [dreg:$0x10];
	[sflag:s2] =	ssyncadd.s32 $0xFFFFC000  }
0xa8: {  	[spmem:s1] =	stream.indirect.scatter.add.f32 [tilespmem:s31], [sflag:$0x5], $0x80, s22, s30, $0xb8;
	[tilespmem:$0x1F000] =	vst v63  }
0xa9: {  	_ =	swait.ge [sflag:s24], $0x4000  }
0xaa: {  	[sflag:s24] =	ssyncset.done $0x0  }
0xab: {  	[sflag:s24] =	ssyncadd.s32 $0xFFFFC000  }
0xac: {  	_ =	swait.ge [sflag:s7], $0x4000  }
0xad: {  	[sflag:s7] =	ssyncset.done $0x0  }
0xae: {  	s18 =	rddreg [dreg:$0x11];
	[sflag:s7] =	ssyncadd.s32 $0xFFFFC000  }
0xaf: {  	[spmem:s1] =	stream.indirect.scatter.add.f32 [tilespmem:s0], [sflag:$0x5], $0x80, s18, s30, $0xb8;
	[tilespmem:$0x1F000] =	vst v63  }
0xb0: {  	p0 =	por $0x0, $0x0;
	_ =	swait.ge [sflag:s24], $0x4000  }
0xb1: {  	s16 =	sshrl.u32 @!p0 s17, $0x3;
	[sflag:s24] =	ssyncset.done $0x0  }
0xb2: {  	s19 =	simm.s32 @!p0 $0x0;
	s18 =	sadd.s32 @!p0 s5, s16;
	[sflag:s24] =	ssyncadd.s32 $0xFFFFC000  }
0xb3: {  	[tilespmem:s19], [sflag:$0x1] =	stream.linear.gather @!p0 [hbm4b:s18+s19], $0x400, $0x38;
	[tilespmem:$0x1F000] =	vst v63  }
0xb4: {  	s16 =	sadd.s32 @!p0 s6, s16;
	s18 =	simm.s32 @!p0 $0x400  }
0xb5: {  	[tilespmem:s18], [sflag:$0x1] =	stream.linear.gather @!p0 [hbm4b:s16+s19], $0x400, $0x38;
	[tilespmem:$0x1F000] =	vst v63  }
0xb6: {  	_ =	swait.ge [sflag:s9], $0x400  }
0xb7: {  	[sflag:s9] =	ssyncset.done $0x0  }
0xb8: {  	[sflag:s9] =	ssyncadd.s32 $0xFFFFFC00  }
0xb9: {  	_ =	swait.ge [sflag:s9], $0x400  }
0xba: {  	[sflag:s9] =	ssyncset.done $0x0  }
0xbb: {  	[sflag:s9] =	ssyncadd.s32 $0xFFFFFC00  }
0xbc: {  	[tilespmem:s31], [sflag:$0x3] =	stream.indirect.gather [hbm4b:s4+s30], $0x80, s26, s30, $0xb8;
	[tilespmem:$0x1F000] =	vst v63  }
0xbd: {  	s19 =	rddreg [dreg:$0x12]  }
0xbe: {  	[tilespmem:s0], [sflag:$0x4] =	stream.indirect.gather [hbm4b:s4+s30], $0x80, s19, s30, $0xb8;
	[tilespmem:$0x1F000] =	vst v63  }
0xbf: {  	_ =	swait.ge [sflag:s2], $0x4000  }
0xc0: {  	[sflag:s2] =	ssyncset.done $0x0  }
0xc1: {  	[sflag:s2] =	ssyncadd.s32 $0xFFFFC000  }
0xc2: {  	[spmem:s1] =	stream.indirect.scatter.add.f32 [tilespmem:s31], [sflag:$0x5], $0x80, s28, s30, $0xb8;
	[tilespmem:$0x1F000] =	vst v63  }
0xc3: {  	_ =	swait.ge [sflag:s24], $0x4000  }
0xc4: {  	[sflag:s24] =	ssyncset.done $0x0  }
0xc5: {  	s20 =	rddreg [dreg:$0x13];
	[sflag:s24] =	ssyncadd.s32 $0xFFFFC000  }
0xc6: {  	[tilespmem:s31], [sflag:$0x3] =	stream.indirect.gather [hbm4b:s4+s30], $0x80, s20, s30, $0xb8;
	[tilespmem:$0x1F000] =	vst v63  }
0xc7: {  	_ =	swait.ge [sflag:s7], $0x4000  }
0xc8: {  	[sflag:s7] =	ssyncset.done $0x0  }
0xc9: {  	s21 =	rddreg [dreg:$0x14];
	[sflag:s7] =	ssyncadd.s32 $0xFFFFC000  }
0xca: {  	[spmem:s1] =	stream.indirect.scatter.add.f32 [tilespmem:s0], [sflag:$0x5], $0x80, s21, s30, $0xb8;
	[tilespmem:$0x1F000] =	vst v63  }
0xcb: {  	_ =	swait.ge [sflag:s24], $0x4000  }
0xcc: {  	[sflag:s24] =	ssyncset.done $0x0  }
0xcd: {  	s22 =	rddreg [dreg:$0x15];
	[sflag:s24] =	ssyncadd.s32 $0xFFFFC000  }
0xce: {  	[tilespmem:s0], [sflag:$0x4] =	stream.indirect.gather [hbm4b:s4+s30], $0x80, s22, s30, $0xb8;
	[tilespmem:$0x1F000] =	vst v63  }
0xcf: {  	_ =	swait.ge [sflag:s2], $0x4000  }
0xd0: {  	[sflag:s2] =	ssyncset.done $0x0  }
0xd1: {  	s18 =	rddreg [dreg:$0x16];
	[sflag:s2] =	ssyncadd.s32 $0xFFFFC000  }
0xd2: {  	[spmem:s1] =	stream.indirect.scatter.add.f32 [tilespmem:s31], [sflag:$0x5], $0x80, s18, s30, $0xb8;
	[tilespmem:$0x1F000] =	vst v63  }
0xd3: {  	_ =	swait.ge [sflag:s24], $0x4000  }
0xd4: {  	[sflag:s24] =	ssyncset.done $0x0  }
0xd5: {  	s19 =	rddreg [dreg:$0x17];
	[sflag:s24] =	ssyncadd.s32 $0xFFFFC000  }
0xd6: {  	[tilespmem:s31], [sflag:$0x3] =	stream.indirect.gather [hbm4b:s4+s30], $0x80, s19, s30, $0xb8;
	[tilespmem:$0x1F000] =	vst v63  }
0xd7: {  	_ =	swait.ge [sflag:s7], $0x4000  }
0xd8: {  	[sflag:s7] =	ssyncset.done $0x0  }
0xd9: {  	s20 =	rddreg [dreg:$0x18];
	[sflag:s7] =	ssyncadd.s32 $0xFFFFC000  }
0xda: {  	[spmem:s1] =	stream.indirect.scatter.add.f32 [tilespmem:s0], [sflag:$0x5], $0x80, s20, s30, $0xb8;
	[tilespmem:$0x1F000] =	vst v63  }
0xdb: {  	_ =	swait.ge [sflag:s24], $0x4000  }
0xdc: {  	[sflag:s24] =	ssyncset.done $0x0  }
0xdd: {  	s21 =	rddreg [dreg:$0x19];
	[sflag:s24] =	ssyncadd.s32 $0xFFFFC000  }
0xde: {  	[tilespmem:s0], [sflag:$0x4] =	stream.indirect.gather [hbm4b:s4+s30], $0x80, s21, s30, $0xb8;
	[tilespmem:$0x1F000] =	vst v63  }
0xdf: {  	_ =	swait.ge [sflag:s2], $0x4000  }
0xe0: {  	[sflag:s2] =	ssyncset.done $0x0  }
0xe1: {  	s22 =	rddreg [dreg:$0x1a];
	[sflag:s2] =	ssyncadd.s32 $0xFFFFC000  }
0xe2: {  	[spmem:s1] =	stream.indirect.scatter.add.f32 [tilespmem:s31], [sflag:$0x5], $0x80, s22, s30, $0xb8;
	[tilespmem:$0x1F000] =	vst v63  }
0xe3: {  	_ =	swait.ge [sflag:s24], $0x4000  }
0xe4: {  	[sflag:s24] =	ssyncset.done $0x0  }
0xe5: {  	[sflag:s24] =	ssyncadd.s32 $0xFFFFC000  }
0xe6: {  	[tilespmem:s31], [sflag:$0x3] =	stream.indirect.gather [hbm4b:s4+s30], $0x80, s10, s30, $0xb8;
	[tilespmem:$0x1F000] =	vst v63  }
0xe7: {  	_ =	swait.ge [sflag:s7], $0x4000  }
0xe8: {  	[sflag:s7] =	ssyncset.done $0x0  }
0xe9: {  	[sflag:s7] =	ssyncadd.s32 $0xFFFFC000  }
0xea: {  	[spmem:s1] =	stream.indirect.scatter.add.f32 [tilespmem:s0], [sflag:$0x5], $0x80, s11, s30, $0xb8;
	[tilespmem:$0x1F000] =	vst v63  }
0xeb: {  	_ =	swait.ge [sflag:s24], $0x4000  }
0xec: {  	[sflag:s24] =	ssyncset.done $0x0  }
0xed: {  	[sflag:s24] =	ssyncadd.s32 $0xFFFFC000  }
0xee: {  	[tilespmem:s0], [sflag:$0x4] =	stream.indirect.gather [hbm4b:s4+s30], $0x80, s12, s30, $0xb8;
	[tilespmem:$0x1F000] =	vst v63  }
0xef: {  	_ =	swait.ge [sflag:s2], $0x4000  }
0xf0: {  	[sflag:s2] =	ssyncset.done $0x0  }
0xf1: {  	[sflag:s2] =	ssyncadd.s32 $0xFFFFC000  }
0xf2: {  	[spmem:s1] =	stream.indirect.scatter.add.f32 [tilespmem:s31], [sflag:$0x5], $0x80, s13, s30, $0xb8;
	[tilespmem:$0x1F000] =	vst v63  }
0xf3: {  	_ =	swait.ge [sflag:s24], $0x4000  }
0xf4: {  	[sflag:s24] =	ssyncset.done $0x0  }
0xf5: {  	[sflag:s24] =	ssyncadd.s32 $0xFFFFC000  }
0xf6: {  	_ =	swait.ge [sflag:s7], $0x4000  }
0xf7: {  	[sflag:s7] =	ssyncset.done $0x0  }
0xf8: {  	[sflag:s7] =	ssyncadd.s32 $0xFFFFC000  }
0xf9: {  	[spmem:s1] =	stream.indirect.scatter.add.f32 [tilespmem:s0], [sflag:$0x5], $0x80, s14, s30, $0xb8;
	[tilespmem:$0x1F000] =	vst v63  }
0xfa: {  	s16 =	simm.s32 $0x100;
	s18 =	simm.s32 $0x200;
	_ =	swait.ge [sflag:s24], $0x4000  }
0xfb: {  	s22 =	smov.u32 s17;
	s20 =	rddreg [dreg:$0x4];
	[sflag:s24] =	ssyncset.done $0x0  }
.LBB2_2:
0xfc: {  	[sflag:s24] =	ssyncadd.s32 $0xFFFFC000;
	s21 =	rddreg [dreg:$0x3];
	s20 =	sadd.s32 s16, s20  }
0xfd: {  	[tilespmem:s26], [sflag:$0x2] =	stream.linear.gather [hbm4b:s20+s3], $0x400, $0x38;
	[tilespmem:$0x1F000] =	vst v63  }
0xfe: {  	s21 =	sadd.s32 s16, s21  }
0xff: {  	[tilespmem:s28], [sflag:$0x2] =	stream.linear.gather [hbm4b:s21+s3], $0x400, $0x38;
	[tilespmem:$0x1F000] =	vst v63  }
0x100: {  	_ =	swait.ge [sflag:s29], $0x400  }
0x101: {  	[sflag:s29] =	ssyncset.done $0x0  }
0x102: {  	[sflag:s29] =	ssyncadd.s32 $0xFFFFFC00  }
0x103: {  	_ =	swait.ge [sflag:s29], $0x400  }
0x104: {  	[sflag:s29] =	ssyncset.done $0x0  }
0x105: {  	[sflag:s29] =	ssyncadd.s32 $0xFFFFFC00  }
0x106: {  	[tilespmem:s31], [sflag:$0x3] =	stream.indirect.gather [hbm4b:s4+s30], $0x80, s3, s30, $0xb8;
	[tilespmem:$0x1F000] =	vst v63  }
0x107: {  	_ = 	snop  }
0x108: {  	[tilespmem:s0], [sflag:$0x4] =	stream.indirect.gather [hbm4b:s4+s30], $0x80, s30, s30, $0xb8;
	[tilespmem:$0x1F000] =	vst v63  }
0x109: {  	_ =	swait.ge [sflag:s2], $0x4000  }
0x10a: {  	[sflag:s2] =	ssyncset.done $0x0  }
0x10b: {  	[sflag:s2] =	ssyncadd.s32 $0xFFFFC000  }
0x10c: {  	[spmem:s1] =	stream.indirect.scatter.add.f32 [tilespmem:s31], [sflag:$0x5], $0x80, s25, s30, $0xb8;
	[tilespmem:$0x1F000] =	vst v63  }
0x10d: {  	_ =	swait.ge [sflag:s24], $0x4000  }
0x10e: {  	[sflag:s24] =	ssyncset.done $0x0  }
0x10f: {  	s21 =	rddreg [dreg:$0x5];
	[sflag:s24] =	ssyncadd.s32 $0xFFFFC000  }
0x110: {  	[tilespmem:s31], [sflag:$0x3] =	stream.indirect.gather [hbm4b:s4+s30], $0x80, s21, s30, $0xb8;
	[tilespmem:$0x1F000] =	vst v63  }
0x111: {  	_ =	swait.ge [sflag:s7], $0x4000  }
0x112: {  	[sflag:s7] =	ssyncset.done $0x0  }
0x113: {  	s21 =	rddreg [dreg:$0x6];
	[sflag:s7] =	ssyncadd.s32 $0xFFFFC000  }
0x114: {  	[spmem:s1] =	stream.indirect.scatter.add.f32 [tilespmem:s0], [sflag:$0x5], $0x80, s21, s30, $0xb8;
	[tilespmem:$0x1F000] =	vst v63  }
0x115: {  	_ =	swait.ge [sflag:s24], $0x4000  }
0x116: {  	[sflag:s24] =	ssyncset.done $0x0  }
0x117: {  	s21 =	rddreg [dreg:$0x7];
	[sflag:s24] =	ssyncadd.s32 $0xFFFFC000  }
0x118: {  	[tilespmem:s0], [sflag:$0x4] =	stream.indirect.gather [hbm4b:s4+s30], $0x80, s21, s30, $0xb8;
	[tilespmem:$0x1F000] =	vst v63  }
0x119: {  	_ =	swait.ge [sflag:s2], $0x4000  }
0x11a: {  	[sflag:s2] =	ssyncset.done $0x0  }
0x11b: {  	s21 =	rddreg [dreg:$0x8];
	[sflag:s2] =	ssyncadd.s32 $0xFFFFC000  }
0x11c: {  	[spmem:s1] =	stream.indirect.scatter.add.f32 [tilespmem:s31], [sflag:$0x5], $0x80, s21, s30, $0xb8;
	[tilespmem:$0x1F000] =	vst v63  }
0x11d: {  	_ =	swait.ge [sflag:s24], $0x4000  }
0x11e: {  	[sflag:s24] =	ssyncset.done $0x0  }
0x11f: {  	s21 =	rddreg [dreg:$0x9];
	[sflag:s24] =	ssyncadd.s32 $0xFFFFC000  }
0x120: {  	[tilespmem:s31], [sflag:$0x3] =	stream.indirect.gather [hbm4b:s4+s30], $0x80, s21, s30, $0xb8;
	[tilespmem:$0x1F000] =	vst v63  }
0x121: {  	_ =	swait.ge [sflag:s7], $0x4000  }
0x122: {  	[sflag:s7] =	ssyncset.done $0x0  }
0x123: {  	s21 =	rddreg [dreg:$0xa];
	[sflag:s7] =	ssyncadd.s32 $0xFFFFC000  }
0x124: {  	[spmem:s1] =	stream.indirect.scatter.add.f32 [tilespmem:s0], [sflag:$0x5], $0x80, s21, s30, $0xb8;
	[tilespmem:$0x1F000] =	vst v63  }
0x125: {  	_ =	swait.ge [sflag:s24], $0x4000  }
0x126: {  	[sflag:s24] =	ssyncset.done $0x0  }
0x127: {  	s21 =	rddreg [dreg:$0xb];
	[sflag:s24] =	ssyncadd.s32 $0xFFFFC000  }
0x128: {  	[tilespmem:s0], [sflag:$0x4] =	stream.indirect.gather [hbm4b:s4+s30], $0x80, s21, s30, $0xb8;
	[tilespmem:$0x1F000] =	vst v63  }
0x129: {  	_ =	swait.ge [sflag:s2], $0x4000  }
0x12a: {  	[sflag:s2] =	ssyncset.done $0x0  }
0x12b: {  	s21 =	rddreg [dreg:$0xc];
	[sflag:s2] =	ssyncadd.s32 $0xFFFFC000  }
0x12c: {  	[spmem:s1] =	stream.indirect.scatter.add.f32 [tilespmem:s31], [sflag:$0x5], $0x80, s21, s30, $0xb8;
	[tilespmem:$0x1F000] =	vst v63  }
0x12d: {  	_ =	swait.ge [sflag:s24], $0x4000  }
0x12e: {  	[sflag:s24] =	ssyncset.done $0x0  }
0x12f: {  	s21 =	rddreg [dreg:$0xd];
	[sflag:s24] =	ssyncadd.s32 $0xFFFFC000  }
0x130: {  	[tilespmem:s31], [sflag:$0x3] =	stream.indirect.gather [hbm4b:s4+s30], $0x80, s21, s30, $0xb8;
	[tilespmem:$0x1F000] =	vst v63  }
0x131: {  	_ =	swait.ge [sflag:s7], $0x4000  }
0x132: {  	[sflag:s7] =	ssyncset.done $0x0  }
0x133: {  	s21 =	rddreg [dreg:$0xe];
	[sflag:s7] =	ssyncadd.s32 $0xFFFFC000  }
0x134: {  	[spmem:s1] =	stream.indirect.scatter.add.f32 [tilespmem:s0], [sflag:$0x5], $0x80, s21, s30, $0xb8;
	[tilespmem:$0x1F000] =	vst v63  }
0x135: {  	_ =	swait.ge [sflag:s24], $0x4000  }
0x136: {  	[sflag:s24] =	ssyncset.done $0x0  }
0x137: {  	s21 =	rddreg [dreg:$0xf];
	[sflag:s24] =	ssyncadd.s32 $0xFFFFC000  }
0x138: {  	[tilespmem:s0], [sflag:$0x4] =	stream.indirect.gather [hbm4b:s4+s30], $0x80, s21, s30, $0xb8;
	[tilespmem:$0x1F000] =	vst v63  }
0x139: {  	_ =	swait.ge [sflag:s2], $0x4000  }
0x13a: {  	[sflag:s2] =	ssyncset.done $0x0  }
0x13b: {  	s21 =	rddreg [dreg:$0x10];
	[sflag:s2] =	ssyncadd.s32 $0xFFFFC000  }
0x13c: {  	[spmem:s1] =	stream.indirect.scatter.add.f32 [tilespmem:s31], [sflag:$0x5], $0x80, s21, s30, $0xb8;
	[tilespmem:$0x1F000] =	vst v63  }
0x13d: {  	_ =	swait.ge [sflag:s24], $0x4000  }
0x13e: {  	[sflag:s24] =	ssyncset.done $0x0  }
0x13f: {  	[sflag:s24] =	ssyncadd.s32 $0xFFFFC000  }
0x140: {  	_ =	swait.ge [sflag:s7], $0x4000  }
0x141: {  	[sflag:s7] =	ssyncset.done $0x0  }
0x142: {  	s22 =	sadd.s32 $0x800, s22;
	s21 =	rddreg [dreg:$0x11];
	[sflag:s7] =	ssyncadd.s32 $0xFFFFC000  }
0x143: {  	[spmem:s1] =	stream.indirect.scatter.add.f32 [tilespmem:s0], [sflag:$0x5], $0x80, s21, s30, $0xb8;
	[tilespmem:$0x1F000] =	vst v63  }
0x144: {  	s19 =	smov.u32 s18;
	p1 =	seq.s32 s16, $0x400;
	_ =	swait.ge [sflag:s24], $0x4000  }
0x145: {  	s16 =	smov.u32 s19;
	s19 =	sshrl.u32 @!p1 s22, $0x3;
	[sflag:s24] =	ssyncset.done $0x0  }
0x146: {  	s20 =	sadd.s32 @!p1 s5, s19;
	s21 =	simm.s32 @!p1 $0x0;
	[sflag:s24] =	ssyncadd.s32 $0xFFFFC000  }
0x147: {  	[tilespmem:s21], [sflag:$0x1] =	stream.linear.gather @!p1 [hbm4b:s20+s21], $0x400, $0x38;
	[tilespmem:$0x1F000] =	vst v63  }
0x148: {  	s19 =	sadd.s32 @!p1 s6, s19;
	s20 =	simm.s32 @!p1 $0x400  }
0x149: {  	[tilespmem:s20], [sflag:$0x1] =	stream.linear.gather @!p1 [hbm4b:s19+s21], $0x400, $0x38;
	[tilespmem:$0x1F000] =	vst v63  }
0x14a: {  	_ =	swait.ge [sflag:s9], $0x400  }
0x14b: {  	[sflag:s9] =	ssyncset.done $0x0  }
0x14c: {  	[sflag:s9] =	ssyncadd.s32 $0xFFFFFC00  }
0x14d: {  	_ =	swait.ge [sflag:s9], $0x400  }
0x14e: {  	[sflag:s9] =	ssyncset.done $0x0  }
0x14f: {  	[sflag:s9] =	ssyncadd.s32 $0xFFFFFC00  }
0x150: {  	[tilespmem:s31], [sflag:$0x3] =	stream.indirect.gather [hbm4b:s4+s30], $0x80, s26, s30, $0xb8;
	[tilespmem:$0x1F000] =	vst v63  }
0x151: {  	s21 =	rddreg [dreg:$0x12]  }
0x152: {  	[tilespmem:s0], [sflag:$0x4] =	stream.indirect.gather [hbm4b:s4+s30], $0x80, s21, s30, $0xb8;
	[tilespmem:$0x1F000] =	vst v63  }
0x153: {  	_ =	swait.ge [sflag:s2], $0x4000  }
0x154: {  	[sflag:s2] =	ssyncset.done $0x0  }
0x155: {  	[sflag:s2] =	ssyncadd.s32 $0xFFFFC000  }
0x156: {  	[spmem:s1] =	stream.indirect.scatter.add.f32 [tilespmem:s31], [sflag:$0x5], $0x80, s28, s30, $0xb8;
	[tilespmem:$0x1F000] =	vst v63  }
0x157: {  	_ =	swait.ge [sflag:s24], $0x4000  }
0x158: {  	[sflag:s24] =	ssyncset.done $0x0  }
0x159: {  	s20 =	rddreg [dreg:$0x13];
	[sflag:s24] =	ssyncadd.s32 $0xFFFFC000  }
0x15a: {  	[tilespmem:s31], [sflag:$0x3] =	stream.indirect.gather [hbm4b:s4+s30], $0x80, s20, s30, $0xb8;
	[tilespmem:$0x1F000] =	vst v63  }
0x15b: {  	_ =	swait.ge [sflag:s7], $0x4000  }
0x15c: {  	[sflag:s7] =	ssyncset.done $0x0  }
0x15d: {  	s21 =	rddreg [dreg:$0x14];
	[sflag:s7] =	ssyncadd.s32 $0xFFFFC000  }
0x15e: {  	[spmem:s1] =	stream.indirect.scatter.add.f32 [tilespmem:s0], [sflag:$0x5], $0x80, s21, s30, $0xb8;
	[tilespmem:$0x1F000] =	vst v63  }
0x15f: {  	_ =	swait.ge [sflag:s24], $0x4000  }
0x160: {  	[sflag:s24] =	ssyncset.done $0x0  }
0x161: {  	s20 =	rddreg [dreg:$0x15];
	[sflag:s24] =	ssyncadd.s32 $0xFFFFC000  }
0x162: {  	[tilespmem:s0], [sflag:$0x4] =	stream.indirect.gather [hbm4b:s4+s30], $0x80, s20, s30, $0xb8;
	[tilespmem:$0x1F000] =	vst v63  }
0x163: {  	_ =	swait.ge [sflag:s2], $0x4000  }
0x164: {  	[sflag:s2] =	ssyncset.done $0x0  }
0x165: {  	s21 =	rddreg [dreg:$0x16];
	[sflag:s2] =	ssyncadd.s32 $0xFFFFC000  }
0x166: {  	[spmem:s1] =	stream.indirect.scatter.add.f32 [tilespmem:s31], [sflag:$0x5], $0x80, s21, s30, $0xb8;
	[tilespmem:$0x1F000] =	vst v63  }
0x167: {  	_ =	swait.ge [sflag:s24], $0x4000  }
0x168: {  	[sflag:s24] =	ssyncset.done $0x0  }
0x169: {  	s20 =	rddreg [dreg:$0x17];
	[sflag:s24] =	ssyncadd.s32 $0xFFFFC000  }
0x16a: {  	[tilespmem:s31], [sflag:$0x3] =	stream.indirect.gather [hbm4b:s4+s30], $0x80, s20, s30, $0xb8;
	[tilespmem:$0x1F000] =	vst v63  }
0x16b: {  	_ =	swait.ge [sflag:s7], $0x4000  }
0x16c: {  	[sflag:s7] =	ssyncset.done $0x0  }
0x16d: {  	s21 =	rddreg [dreg:$0x18];
	[sflag:s7] =	ssyncadd.s32 $0xFFFFC000  }
0x16e: {  	[spmem:s1] =	stream.indirect.scatter.add.f32 [tilespmem:s0], [sflag:$0x5], $0x80, s21, s30, $0xb8;
	[tilespmem:$0x1F000] =	vst v63  }
0x16f: {  	_ =	swait.ge [sflag:s24], $0x4000  }
0x170: {  	[sflag:s24] =	ssyncset.done $0x0  }
0x171: {  	s20 =	rddreg [dreg:$0x19];
	[sflag:s24] =	ssyncadd.s32 $0xFFFFC000  }
0x172: {  	[tilespmem:s0], [sflag:$0x4] =	stream.indirect.gather [hbm4b:s4+s30], $0x80, s20, s30, $0xb8;
	[tilespmem:$0x1F000] =	vst v63  }
0x173: {  	_ =	swait.ge [sflag:s2], $0x4000  }
0x174: {  	[sflag:s2] =	ssyncset.done $0x0  }
0x175: {  	s21 =	rddreg [dreg:$0x1a];
	[sflag:s2] =	ssyncadd.s32 $0xFFFFC000  }
0x176: {  	[spmem:s1] =	stream.indirect.scatter.add.f32 [tilespmem:s31], [sflag:$0x5], $0x80, s21, s30, $0xb8;
	[tilespmem:$0x1F000] =	vst v63  }
0x177: {  	_ =	swait.ge [sflag:s24], $0x4000  }
0x178: {  	[sflag:s24] =	ssyncset.done $0x0  }
0x179: {  	[sflag:s24] =	ssyncadd.s32 $0xFFFFC000  }
0x17a: {  	[tilespmem:s31], [sflag:$0x3] =	stream.indirect.gather [hbm4b:s4+s30], $0x80, s10, s30, $0xb8;
	[tilespmem:$0x1F000] =	vst v63  }
0x17b: {  	_ =	swait.ge [sflag:s7], $0x4000  }
0x17c: {  	[sflag:s7] =	ssyncset.done $0x0  }
0x17d: {  	[sflag:s7] =	ssyncadd.s32 $0xFFFFC000  }
0x17e: {  	[spmem:s1] =	stream.indirect.scatter.add.f32 [tilespmem:s0], [sflag:$0x5], $0x80, s11, s30, $0xb8;
	[tilespmem:$0x1F000] =	vst v63  }
0x17f: {  	_ =	swait.ge [sflag:s24], $0x4000  }
0x180: {  	[sflag:s24] =	ssyncset.done $0x0  }
0x181: {  	[sflag:s24] =	ssyncadd.s32 $0xFFFFC000  }
0x182: {  	[tilespmem:s0], [sflag:$0x4] =	stream.indirect.gather [hbm4b:s4+s30], $0x80, s12, s30, $0xb8;
	[tilespmem:$0x1F000] =	vst v63  }
0x183: {  	_ =	swait.ge [sflag:s2], $0x4000  }
0x184: {  	[sflag:s2] =	ssyncset.done $0x0  }
0x185: {  	[sflag:s2] =	ssyncadd.s32 $0xFFFFC000  }
0x186: {  	[spmem:s1] =	stream.indirect.scatter.add.f32 [tilespmem:s31], [sflag:$0x5], $0x80, s13, s30, $0xb8;
	[tilespmem:$0x1F000] =	vst v63  }
0x187: {  	_ =	swait.ge [sflag:s24], $0x4000  }
0x188: {  	[sflag:s24] =	ssyncset.done $0x0  }
0x189: {  	s18 =	sadd.s32 $0x100, s18;
	[sflag:s24] =	ssyncadd.s32 $0xFFFFC000  }
0x18a: {  	p0 =	sne.s32 s18, $0x500;
	_ =	swait.ge [sflag:s7], $0x4000  }
.Ltmp0:
0x18b: {  	[sflag:s7] =	ssyncset.done $0x0;
	(pc) =	sbr.rel @p0 .LBB2_2-.Ltmp0, $4  }
0x18c: {  	[sflag:s7] =	ssyncadd.s32 $0xFFFFC000  }
0x18d: {  	[spmem:s1] =	stream.indirect.scatter.add.f32 [tilespmem:s0], [sflag:$0x5], $0x80, s14, s30, $0xb8;
	[tilespmem:$0x1F000] =	vst v63  }
0x18e: {  	_ =	swait.ge [sflag:s24], $0x4000  }
0x18f: {  	s20 =	rddreg [dreg:$0x4];
	[sflag:s24] =	ssyncset.done $0x0  }
0x190: {  	s18 =	rddreg [dreg:$0x3];
	[sflag:s24] =	ssyncadd.s32 $0xFFFFC000;
	s19 =	sadd.s32 s16, s20  }
0x191: {  	[tilespmem:s26], [sflag:$0x2] =	stream.linear.gather [hbm4b:s19+s3], $0x400, $0x38;
	[tilespmem:$0x1F000] =	vst v63  }
0x192: {  	s18 =	sadd.s32 s16, s18  }
0x193: {  	[tilespmem:s28], [sflag:$0x2] =	stream.linear.gather [hbm4b:s18+s3], $0x400, $0x38;
	[tilespmem:$0x1F000] =	vst v63  }
0x194: {  	_ =	swait.ge [sflag:s29], $0x400  }
0x195: {  	[sflag:s29] =	ssyncset.done $0x0  }
0x196: {  	[sflag:s29] =	ssyncadd.s32 $0xFFFFFC00  }
0x197: {  	_ =	swait.ge [sflag:s29], $0x400  }
0x198: {  	[sflag:s29] =	ssyncset.done $0x0  }
0x199: {  	[sflag:s29] =	ssyncadd.s32 $0xFFFFFC00  }
0x19a: {  	[tilespmem:s31], [sflag:$0x3] =	stream.indirect.gather [hbm4b:s4+s30], $0x80, s3, s30, $0xb8;
	[tilespmem:$0x1F000] =	vst v63  }
0x19b: {  	_ = 	snop  }
0x19c: {  	[tilespmem:s0], [sflag:$0x4] =	stream.indirect.gather [hbm4b:s4+s30], $0x80, s30, s30, $0xb8;
	[tilespmem:$0x1F000] =	vst v63  }
0x19d: {  	_ =	swait.ge [sflag:s2], $0x4000  }
0x19e: {  	[sflag:s2] =	ssyncset.done $0x0  }
0x19f: {  	[sflag:s2] =	ssyncadd.s32 $0xFFFFC000  }
0x1a0: {  	[spmem:s1] =	stream.indirect.scatter.add.f32 [tilespmem:s31], [sflag:$0x5], $0x80, s25, s30, $0xb8;
	[tilespmem:$0x1F000] =	vst v63  }
0x1a1: {  	_ =	swait.ge [sflag:s24], $0x4000  }
0x1a2: {  	[sflag:s24] =	ssyncset.done $0x0  }
0x1a3: {  	s19 =	rddreg [dreg:$0x5];
	[sflag:s24] =	ssyncadd.s32 $0xFFFFC000  }
0x1a4: {  	[tilespmem:s31], [sflag:$0x3] =	stream.indirect.gather [hbm4b:s4+s30], $0x80, s19, s30, $0xb8;
	[tilespmem:$0x1F000] =	vst v63  }
0x1a5: {  	_ =	swait.ge [sflag:s7], $0x4000  }
0x1a6: {  	[sflag:s7] =	ssyncset.done $0x0  }
0x1a7: {  	s20 =	rddreg [dreg:$0x6];
	[sflag:s7] =	ssyncadd.s32 $0xFFFFC000  }
0x1a8: {  	[spmem:s1] =	stream.indirect.scatter.add.f32 [tilespmem:s0], [sflag:$0x5], $0x80, s20, s30, $0xb8;
	[tilespmem:$0x1F000] =	vst v63  }
0x1a9: {  	_ =	swait.ge [sflag:s24], $0x4000  }
0x1aa: {  	[sflag:s24] =	ssyncset.done $0x0  }
0x1ab: {  	s21 =	rddreg [dreg:$0x7];
	[sflag:s24] =	ssyncadd.s32 $0xFFFFC000  }
0x1ac: {  	[tilespmem:s0], [sflag:$0x4] =	stream.indirect.gather [hbm4b:s4+s30], $0x80, s21, s30, $0xb8;
	[tilespmem:$0x1F000] =	vst v63  }
0x1ad: {  	_ =	swait.ge [sflag:s2], $0x4000  }
0x1ae: {  	[sflag:s2] =	ssyncset.done $0x0  }
0x1af: {  	s19 =	rddreg [dreg:$0x8];
	[sflag:s2] =	ssyncadd.s32 $0xFFFFC000  }
0x1b0: {  	[spmem:s1] =	stream.indirect.scatter.add.f32 [tilespmem:s31], [sflag:$0x5], $0x80, s19, s30, $0xb8;
	[tilespmem:$0x1F000] =	vst v63  }
0x1b1: {  	_ =	swait.ge [sflag:s24], $0x4000  }
0x1b2: {  	[sflag:s24] =	ssyncset.done $0x0  }
0x1b3: {  	s20 =	rddreg [dreg:$0x9];
	[sflag:s24] =	ssyncadd.s32 $0xFFFFC000  }
0x1b4: {  	[tilespmem:s31], [sflag:$0x3] =	stream.indirect.gather [hbm4b:s4+s30], $0x80, s20, s30, $0xb8;
	[tilespmem:$0x1F000] =	vst v63  }
0x1b5: {  	_ =	swait.ge [sflag:s7], $0x4000  }
0x1b6: {  	[sflag:s7] =	ssyncset.done $0x0  }
0x1b7: {  	s21 =	rddreg [dreg:$0xa];
	[sflag:s7] =	ssyncadd.s32 $0xFFFFC000  }
0x1b8: {  	[spmem:s1] =	stream.indirect.scatter.add.f32 [tilespmem:s0], [sflag:$0x5], $0x80, s21, s30, $0xb8;
	[tilespmem:$0x1F000] =	vst v63  }
0x1b9: {  	_ =	swait.ge [sflag:s24], $0x4000  }
0x1ba: {  	[sflag:s24] =	ssyncset.done $0x0  }
0x1bb: {  	s19 =	rddreg [dreg:$0xb];
	[sflag:s24] =	ssyncadd.s32 $0xFFFFC000  }
0x1bc: {  	[tilespmem:s0], [sflag:$0x4] =	stream.indirect.gather [hbm4b:s4+s30], $0x80, s19, s30, $0xb8;
	[tilespmem:$0x1F000] =	vst v63  }
0x1bd: {  	_ =	swait.ge [sflag:s2], $0x4000  }
0x1be: {  	[sflag:s2] =	ssyncset.done $0x0  }
0x1bf: {  	s20 =	rddreg [dreg:$0xc];
	[sflag:s2] =	ssyncadd.s32 $0xFFFFC000  }
0x1c0: {  	[spmem:s1] =	stream.indirect.scatter.add.f32 [tilespmem:s31], [sflag:$0x5], $0x80, s20, s30, $0xb8;
	[tilespmem:$0x1F000] =	vst v63  }
0x1c1: {  	_ =	swait.ge [sflag:s24], $0x4000  }
0x1c2: {  	[sflag:s24] =	ssyncset.done $0x0  }
0x1c3: {  	s21 =	rddreg [dreg:$0xd];
	[sflag:s24] =	ssyncadd.s32 $0xFFFFC000  }
0x1c4: {  	[tilespmem:s31], [sflag:$0x3] =	stream.indirect.gather [hbm4b:s4+s30], $0x80, s21, s30, $0xb8;
	[tilespmem:$0x1F000] =	vst v63  }
0x1c5: {  	_ =	swait.ge [sflag:s7], $0x4000  }
0x1c6: {  	[sflag:s7] =	ssyncset.done $0x0  }
0x1c7: {  	s19 =	rddreg [dreg:$0xe];
	[sflag:s7] =	ssyncadd.s32 $0xFFFFC000  }
0x1c8: {  	[spmem:s1] =	stream.indirect.scatter.add.f32 [tilespmem:s0], [sflag:$0x5], $0x80, s19, s30, $0xb8;
	[tilespmem:$0x1F000] =	vst v63  }
0x1c9: {  	_ =	swait.ge [sflag:s24], $0x4000  }
0x1ca: {  	[sflag:s24] =	ssyncset.done $0x0  }
0x1cb: {  	s20 =	rddreg [dreg:$0xf];
	[sflag:s24] =	ssyncadd.s32 $0xFFFFC000  }
0x1cc: {  	[tilespmem:s0], [sflag:$0x4] =	stream.indirect.gather [hbm4b:s4+s30], $0x80, s20, s30, $0xb8;
	[tilespmem:$0x1F000] =	vst v63  }
0x1cd: {  	_ =	swait.ge [sflag:s2], $0x4000  }
0x1ce: {  	[sflag:s2] =	ssyncset.done $0x0  }
0x1cf: {  	s21 =	rddreg [dreg:$0x10];
	[sflag:s2] =	ssyncadd.s32 $0xFFFFC000  }
0x1d0: {  	[spmem:s1] =	stream.indirect.scatter.add.f32 [tilespmem:s31], [sflag:$0x5], $0x80, s21, s30, $0xb8;
	[tilespmem:$0x1F000] =	vst v63  }
0x1d1: {  	_ =	swait.ge [sflag:s24], $0x4000  }
0x1d2: {  	[sflag:s24] =	ssyncset.done $0x0  }
0x1d3: {  	[sflag:s24] =	ssyncadd.s32 $0xFFFFC000  }
0x1d4: {  	_ =	swait.ge [sflag:s7], $0x4000  }
0x1d5: {  	[sflag:s7] =	ssyncset.done $0x0  }
0x1d6: {  	s19 =	rddreg [dreg:$0x11];
	[sflag:s7] =	ssyncadd.s32 $0xFFFFC000  }
0x1d7: {  	[spmem:s1] =	stream.indirect.scatter.add.f32 [tilespmem:s0], [sflag:$0x5], $0x80, s19, s30, $0xb8;
	[tilespmem:$0x1F000] =	vst v63  }
0x1d8: {  	p0 =	seq.s32 s16, $0x400;
	s18 =	sadd.s32 $0x800, s22;
	_ =	swait.ge [sflag:s24], $0x4000  }
0x1d9: {  	s16 =	sshrl.u32 @!p0 s18, $0x3;
	[sflag:s24] =	ssyncset.done $0x0  }
0x1da: {  	s18 =	sadd.s32 @!p0 s5, s16;
	s19 =	simm.s32 @!p0 $0x0;
	[sflag:s24] =	ssyncadd.s32 $0xFFFFC000  }
0x1db: {  	[tilespmem:s19], [sflag:$0x1] =	stream.linear.gather @!p0 [hbm4b:s18+s19], $0x400, $0x38;
	[tilespmem:$0x1F000] =	vst v63  }
0x1dc: {  	s16 =	sadd.s32 @!p0 s6, s16;
	s18 =	simm.s32 @!p0 $0x400  }
0x1dd: {  	[tilespmem:s18], [sflag:$0x1] =	stream.linear.gather @!p0 [hbm4b:s16+s19], $0x400, $0x38;
	[tilespmem:$0x1F000] =	vst v63  }
0x1de: {  	_ =	swait.ge [sflag:s9], $0x400  }
0x1df: {  	[sflag:s9] =	ssyncset.done $0x0  }
0x1e0: {  	[sflag:s9] =	ssyncadd.s32 $0xFFFFFC00  }
0x1e1: {  	_ =	swait.ge [sflag:s9], $0x400  }
0x1e2: {  	[sflag:s9] =	ssyncset.done $0x0  }
0x1e3: {  	[sflag:s9] =	ssyncadd.s32 $0xFFFFFC00  }
0x1e4: {  	[tilespmem:s31], [sflag:$0x3] =	stream.indirect.gather [hbm4b:s4+s30], $0x80, s26, s30, $0xb8;
	[tilespmem:$0x1F000] =	vst v63  }
0x1e5: {  	s20 =	rddreg [dreg:$0x12]  }
0x1e6: {  	[tilespmem:s0], [sflag:$0x4] =	stream.indirect.gather [hbm4b:s4+s30], $0x80, s20, s30, $0xb8;
	[tilespmem:$0x1F000] =	vst v63  }
0x1e7: {  	_ =	swait.ge [sflag:s2], $0x4000  }
0x1e8: {  	[sflag:s2] =	ssyncset.done $0x0  }
0x1e9: {  	[sflag:s2] =	ssyncadd.s32 $0xFFFFC000  }
0x1ea: {  	[spmem:s1] =	stream.indirect.scatter.add.f32 [tilespmem:s31], [sflag:$0x5], $0x80, s28, s30, $0xb8;
	[tilespmem:$0x1F000] =	vst v63  }
0x1eb: {  	_ =	swait.ge [sflag:s24], $0x4000  }
0x1ec: {  	[sflag:s24] =	ssyncset.done $0x0  }
0x1ed: {  	s21 =	rddreg [dreg:$0x13];
	[sflag:s24] =	ssyncadd.s32 $0xFFFFC000  }
0x1ee: {  	[tilespmem:s31], [sflag:$0x3] =	stream.indirect.gather [hbm4b:s4+s30], $0x80, s21, s30, $0xb8;
	[tilespmem:$0x1F000] =	vst v63  }
0x1ef: {  	_ =	swait.ge [sflag:s7], $0x4000  }
0x1f0: {  	[sflag:s7] =	ssyncset.done $0x0  }
0x1f1: {  	s22 =	rddreg [dreg:$0x14];
	[sflag:s7] =	ssyncadd.s32 $0xFFFFC000  }
0x1f2: {  	[spmem:s1] =	stream.indirect.scatter.add.f32 [tilespmem:s0], [sflag:$0x5], $0x80, s22, s30, $0xb8;
	[tilespmem:$0x1F000] =	vst v63  }
0x1f3: {  	_ =	swait.ge [sflag:s24], $0x4000  }
0x1f4: {  	[sflag:s24] =	ssyncset.done $0x0  }
0x1f5: {  	s18 =	rddreg [dreg:$0x15];
	[sflag:s24] =	ssyncadd.s32 $0xFFFFC000  }
0x1f6: {  	[tilespmem:s0], [sflag:$0x4] =	stream.indirect.gather [hbm4b:s4+s30], $0x80, s18, s30, $0xb8;
	[tilespmem:$0x1F000] =	vst v63  }
0x1f7: {  	_ =	swait.ge [sflag:s2], $0x4000  }
0x1f8: {  	[sflag:s2] =	ssyncset.done $0x0  }
0x1f9: {  	s19 =	rddreg [dreg:$0x16];
	[sflag:s2] =	ssyncadd.s32 $0xFFFFC000  }
0x1fa: {  	[spmem:s1] =	stream.indirect.scatter.add.f32 [tilespmem:s31], [sflag:$0x5], $0x80, s19, s30, $0xb8;
	[tilespmem:$0x1F000] =	vst v63  }
0x1fb: {  	_ =	swait.ge [sflag:s24], $0x4000  }
0x1fc: {  	[sflag:s24] =	ssyncset.done $0x0  }
0x1fd: {  	s20 =	rddreg [dreg:$0x17];
	[sflag:s24] =	ssyncadd.s32 $0xFFFFC000  }
0x1fe: {  	[tilespmem:s31], [sflag:$0x3] =	stream.indirect.gather [hbm4b:s4+s30], $0x80, s20, s30, $0xb8;
	[tilespmem:$0x1F000] =	vst v63  }
0x1ff: {  	_ =	swait.ge [sflag:s7], $0x4000  }
0x200: {  	[sflag:s7] =	ssyncset.done $0x0  }
0x201: {  	s21 =	rddreg [dreg:$0x18];
	[sflag:s7] =	ssyncadd.s32 $0xFFFFC000  }
0x202: {  	[spmem:s1] =	stream.indirect.scatter.add.f32 [tilespmem:s0], [sflag:$0x5], $0x80, s21, s30, $0xb8;
	[tilespmem:$0x1F000] =	vst v63  }
0x203: {  	_ =	swait.ge [sflag:s24], $0x4000  }
0x204: {  	[sflag:s24] =	ssyncset.done $0x0  }
0x205: {  	s22 =	rddreg [dreg:$0x19];
	[sflag:s24] =	ssyncadd.s32 $0xFFFFC000  }
0x206: {  	[tilespmem:s0], [sflag:$0x4] =	stream.indirect.gather [hbm4b:s4+s30], $0x80, s22, s30, $0xb8;
	[tilespmem:$0x1F000] =	vst v63  }
0x207: {  	_ =	swait.ge [sflag:s2], $0x4000  }
0x208: {  	[sflag:s2] =	ssyncset.done $0x0  }
0x209: {  	s18 =	rddreg [dreg:$0x1a];
	[sflag:s2] =	ssyncadd.s32 $0xFFFFC000  }
0x20a: {  	[spmem:s1] =	stream.indirect.scatter.add.f32 [tilespmem:s31], [sflag:$0x5], $0x80, s18, s30, $0xb8;
	[tilespmem:$0x1F000] =	vst v63  }
0x20b: {  	_ =	swait.ge [sflag:s24], $0x4000  }
0x20c: {  	[sflag:s24] =	ssyncset.done $0x0  }
0x20d: {  	[sflag:s24] =	ssyncadd.s32 $0xFFFFC000  }
0x20e: {  	[tilespmem:s31], [sflag:$0x3] =	stream.indirect.gather [hbm4b:s4+s30], $0x80, s10, s30, $0xb8;
	[tilespmem:$0x1F000] =	vst v63  }
0x20f: {  	_ =	swait.ge [sflag:s7], $0x4000  }
0x210: {  	[sflag:s7] =	ssyncset.done $0x0  }
0x211: {  	[sflag:s7] =	ssyncadd.s32 $0xFFFFC000  }
0x212: {  	[spmem:s1] =	stream.indirect.scatter.add.f32 [tilespmem:s0], [sflag:$0x5], $0x80, s11, s30, $0xb8;
	[tilespmem:$0x1F000] =	vst v63  }
0x213: {  	_ =	swait.ge [sflag:s24], $0x4000  }
0x214: {  	[sflag:s24] =	ssyncset.done $0x0  }
0x215: {  	[sflag:s24] =	ssyncadd.s32 $0xFFFFC000  }
0x216: {  	[tilespmem:s0], [sflag:$0x4] =	stream.indirect.gather [hbm4b:s4+s30], $0x80, s12, s30, $0xb8;
	[tilespmem:$0x1F000] =	vst v63  }
0x217: {  	_ =	swait.ge [sflag:s2], $0x4000  }
0x218: {  	[sflag:s2] =	ssyncset.done $0x0  }
0x219: {  	[sflag:s2] =	ssyncadd.s32 $0xFFFFC000  }
0x21a: {  	[spmem:s1] =	stream.indirect.scatter.add.f32 [tilespmem:s31], [sflag:$0x5], $0x80, s13, s30, $0xb8;
	[tilespmem:$0x1F000] =	vst v63  }
0x21b: {  	_ =	swait.ge [sflag:s24], $0x4000  }
0x21c: {  	[sflag:s24] =	ssyncset.done $0x0  }
0x21d: {  	[sflag:s24] =	ssyncadd.s32 $0xFFFFC000  }
0x21e: {  	_ =	swait.ge [sflag:s7], $0x4000  }
0x21f: {  	[sflag:s7] =	ssyncset.done $0x0  }
0x220: {  	[sflag:s7] =	ssyncadd.s32 $0xFFFFC000  }
0x221: {  	[spmem:s1] =	stream.indirect.scatter.add.f32 [tilespmem:s0], [sflag:$0x5], $0x80, s14, s30, $0xb8;
	[tilespmem:$0x1F000] =	vst v63  }
0x222: {  	_ =	swait.ge [sflag:s24], $0x4000  }
0x223: {  	[sflag:s24] =	ssyncset.done $0x0  }
0x224: {  	s19 =	stileid.u32;
	[sflag:s24] =	ssyncadd.s32 $0xFFFFC000  }
0x225: {  	s16 =	sshll.u32 s19, $0x6;
	[bflag:$0x0] =	sbarrier.arrive $0xFFFF  }
0x226: {  	s16 =	sor.u32 $0x1C05, s16;
	s20 =	sshrl.u32 s8, $0x3;
	s21 =	rddreg [dreg:$0x1e]  }
0x227: {  	[hbm:s21], [sflag:s16] =	dma.local [spmem:s20], $0x2800  }
0x228: {  	_ =	swait.ge [sflag:s24], $0x2800  }
0x229: {  	s15 =	sadd.s32 $0x1, s15;
	s22 =	rddreg [dreg:$0x1f]  }
0x22a: {  	p0 =	sne.s32 s15, s22  }
.Ltmp1:
0x22b: {  	_ = 	snop;
	(pc) =	sbr.rel @p0 .LBB2_1-.Ltmp1, $3  }
0x22c: {  	_ =	sdelay $0x1  }
0x22d: {  	[sflag:s24] =	ssyncset.done $0x0  }
0x22e: {  	[sflag:s24] =	ssyncadd.s32 $0xFFFFD800  }
0x22f: {  	_ =	sfence.sel $0x180000  }
0x230: {  	[bflag:$0x0] =	sbarrier.arrive $0xFFFF  }
0x231: {  	_ =	strace $0x9000004A  }
0x232: {  	s0 =	stileid.u32;
	[bflag:$0x2] =	sbarrier.arrive $0xFFFF  }
0x233: {  	p0 =	sne.s32 s0, $0x0;
	s0 =	rddreg [dreg:$0x2]  }
0x234: {  	s0 =	sadd.s32 @!p0 $0x100000, s0  }
0x235: {  	[sflag:s0] =	ssyncadd.tile.s32 @!p0 $0x1;
	_ =	shalt  }
.Lfunc_end2:
_tile_overlayer_lowered:
.L_overlay_start_2:
0x236: {  	(tag) =	ssettag $0x2  }
0x237: {  	s0 =	rddreg [dreg:$0x0];
	s2 =	stileid.u32  }
0x238: {  	s1 =	rddreg [dreg:$0x1];
	p0 =	sne.s32 s2, $0x0  }
0x239: {  	s3 =	rddreg [dreg:$0x2];
	[bflag:$0x3] =	sbarrier.arrive $0xFFFF;
	s2 =	simm.s32 @!p0 $0x1C05  }
0x23a: {  	[timem:s3], [sflag:s2] =	dma.local @!p0 [hbm:s0], s1  }
0x23b: {  	s0 =	simm.s32 @!p0 $0x5  }
0x23c: {  	_ =	swait.ge @!p0 [sflag:s0], s1  }
0x23d: {  	s1 =	ssub.s32 @!p0 $0x0, s1;
	[sflag:s0] =	ssyncset.done @!p0 $0x0  }
0x23e: {  	[sflag:s0] =	ssyncadd.s32 @!p0 s1  }
0x23f: {  	[bflag:$0x3] =	sbarrier.arrive $0xFFFF  }
0x240: {  	_ =	shalt  }

// kernel: kernel.14.cloned.1.call-start
scs
__scs_entry_jumppad:
0x0: {  	(pc) =	sbr.rel $0x88, $3  }
0x1: {  	(tag) =	ssettag $0x0;
	lr =	simm.s32 $0x1  }
0x2: {  	[smem:$0x3F98] =	sst lr;
	_ =	strace $0xD0000000  }
0x3: {  	_ = 	snop  }
0x4: {  	_ = 	snop  }
0x5: {  	_ = 	snop  }
0x6: {  	_ = 	snop  }
0x7: {  	_ = 	snop  }
__scs_overlays_trampoline_lowered:
0x8: {  	[smem:$0x3FA7] =	sst s0  }
0x9: {  	[smem:$0x3FA8] =	sst s1  }
0xa: {  	[smem:$0x3FA9] =	sst s2  }
0xb: {  	[smem:$0x3FAA] =	sst s3  }
0xc: {  	[smem:$0x3FAB] =	sst s4  }
0xd: {  	[smem:$0x3FAC] =	sst s5  }
0xe: {  	[smem:$0x3FAD] =	sst s6  }
0xf: {  	[smem:$0x3FAE] =	sst s7  }
0x10: {  	[smem:$0x3FAF] =	sst s8  }
0x11: {  	[smem:$0x3FB0] =	sst s9;
	s0 =	simm.s32 @!p0 $0x0  }
0x12: {  	s1 =	sld [smem:$0x3F96];
	s0 =	simm.s32 @p0 $0x1  }
0x13: {  	[smem:$0x3FB1] =	sst s0;
	s0 =	simm.s32 @!p1 $0x0  }
0x14: {  	s2 =	sld [smem:$0x3F95];
	s0 =	simm.s32 @p1 $0x1  }
0x15: {  	[smem:$0x3FB2] =	sst s0;
	s0 =	simm.s32 @!p2 $0x0  }
0x16: {  	s3 =	sld [smem:$0x3FDB];
	s0 =	simm.s32 @p2 $0x1  }
0x17: {  	s4 =	simm.s32 $0x1BF5;
	[smem:$0x3FB4] =	sst s0  }
0x18: {  	s0 =	sld [smem:$0x3F97];
	_ =	swait.ge [sflag:s4], $0x0  }
0x19: {  	s7 =	sld [smem:$0x3F98]  }
0x1a: {  	s8 =	sadd.s32 $0xFFFFE003, lr  }
0x1b: {  	s9 =	sadd.s32 $0xFFFFFEF7, lr;
	s5 =	simm.s32 $0xFFFFFFFF;
	p2 =	slt.u32 s8, $0xFFFFF086  }
0x1c: {  	p1 =	slt.u32 s9, $0xF7A;
	s5 =	simm.s32 @!p2 $0x0  }
0x1d: {  	s5 =	simm.s32 @p1 $0x1;
	p0 =	seq.s32 s7, s2  }
0x1e: {  	s7 =	smul.u32 @!p0 $0xF7A, s2;
	p2 =	seq.s32 @!p0 s5, $0x0  }
0x1f: {  	s9 =	smul.u32 $0xF7A, s1;
	s8 =	simm.s32 @!p0 $0x1BF5;
	p2 =	por !p2, p0  }
0x20: {  	[sflag:s8] =	ssyncset.s32 @!p0 $0xFFFFF086;
	s6 =	sadd.s32 @!p0 s3, s7;
	s7 =	simm.s32 @!p0 $0x108  }
0x21: {  	s3 =	sadd.s32 s3, s9;
	s6 =	sadd.s32 @!p0 $0x88, s6;
	s7 =	simm.s32 @p2 $0x1082  }
0x22: {  	[simem:s7], [sflag:s8] =	dma.local @!p0 [hbm:s6], $0xF7A  }
0x23: {  	s9 =	sor.u32 $0xD0000000, s2;
	s6 =	simm.s32 $0x108;
	_ =	swait.ge @!p0 [sflag:s8], $0x0  }
0x24: {  	s3 =	sadd.s32 $0x88, s3;
	s6 =	simm.s32 @!p1 $0x1082;
	[sflag:s4] =	ssyncset.s32 $0xFFFFF086  }
0x25: {  	[simem:s6], [sflag:s4] =	dma.local [hbm:s3], $0xF7A  }
0x26: {  	[smem:$0x3F98] =	sst s1;
	(tag) =	ssettag s2;
	_ =	strace s9  }
0x27: {  	s1 =	sld [smem:$0x3FA8]  }
0x28: {  	s2 =	sld [smem:$0x3FA9]  }
0x29: {  	s4 =	sld [smem:$0x3FAB]  }
0x2a: {  	p0 =	seq.s32 s5, $0x0;
	s5 =	sld [smem:$0x3FAC]  }
0x2b: {  	s6 =	sld [smem:$0x3FAD]  }
0x2c: {  	s7 =	sld [smem:$0x3FAE]  }
0x2d: {  	s3 =	simm.s32 $0x108;
	s8 =	sld [smem:$0x3FAF]  }
0x2e: {  	s3 =	simm.s32 @!p0 $0x1082;
	s9 =	sld [smem:$0x3FB0]  }
0x2f: {  	lr =	sadd.s32 s0, s3;
	s0 =	sld [smem:$0x3FA7]  }
0x30: {  	s3 =	sld [smem:$0x3FAA]  }
0x31: {  	[smem:$0x3FB3] =	sst s10  }
0x32: {  	s10 =	sld [smem:$0x3FB1];
	_ =	sdelay $0x3  }
0x33: {  	p0 =	seq.s32 s10, $0x1;
	s10 =	sld [smem:$0x3FB3];
	_ =	sdelay $0x3  }
0x34: {  	[smem:$0x3FB3] =	sst s10  }
0x35: {  	s10 =	sld [smem:$0x3FB2];
	_ =	sdelay $0x3  }
0x36: {  	p1 =	seq.s32 s10, $0x1;
	s10 =	sld [smem:$0x3FB3];
	_ =	sdelay $0x3  }
0x37: {  	[smem:$0x3FB3] =	sst s10  }
0x38: {  	s10 =	sld [smem:$0x3FB4]  }
0x39: {  	_ = 	snop;
	(pc) =	sbr.ind lr, $3  }
0x3a: {  	_ = 	snop  }
0x3b: {  	_ = 	snop  }
0x3c: {  	p2 =	seq.s32 s10, $0x1;
	s10 =	sld [smem:$0x3FB3]  }
0x3d: {  	_ =	shalt  }
0x3e: {  	_ =	shalt  }
0x3f: {  	_ =	shalt  }
0x40: {  	_ =	shalt  }
0x41: {  	_ =	shalt  }
0x42: {  	_ =	shalt  }
0x43: {  	_ =	shalt  }
0x44: {  	_ =	shalt  }
0x45: {  	_ =	shalt  }
0x46: {  	_ =	shalt  }
0x47: {  	_ =	shalt  }
0x48: {  	_ =	shalt  }
0x49: {  	_ =	shalt  }
0x4a: {  	_ =	shalt  }
0x4b: {  	_ =	shalt  }
0x4c: {  	_ =	shalt  }
0x4d: {  	_ =	shalt  }
0x4e: {  	_ =	shalt  }
0x4f: {  	_ =	shalt  }
0x50: {  	_ =	shalt  }
0x51: {  	_ =	shalt  }
0x52: {  	_ =	shalt  }
0x53: {  	_ =	shalt  }
0x54: {  	_ =	shalt  }
0x55: {  	_ =	shalt  }
0x56: {  	_ =	shalt  }
0x57: {  	_ =	shalt  }
0x58: {  	_ =	shalt  }
0x59: {  	_ =	shalt  }
0x5a: {  	_ =	shalt  }
0x5b: {  	_ =	shalt  }
0x5c: {  	_ =	shalt  }
0x5d: {  	_ =	shalt  }
0x5e: {  	_ =	shalt  }
0x5f: {  	_ =	shalt  }
0x60: {  	_ =	shalt  }
0x61: {  	_ =	shalt  }
0x62: {  	_ =	shalt  }
0x63: {  	_ =	shalt  }
0x64: {  	_ =	shalt  }
0x65: {  	_ =	shalt  }
0x66: {  	_ =	shalt  }
0x67: {  	_ =	shalt  }
0x68: {  	_ =	shalt  }
0x69: {  	_ =	shalt  }
0x6a: {  	_ =	shalt  }
0x6b: {  	_ =	shalt  }
0x6c: {  	_ =	shalt  }
0x6d: {  	_ =	shalt  }
0x6e: {  	_ =	shalt  }
0x6f: {  	_ =	shalt  }
0x70: {  	_ =	shalt  }
0x71: {  	_ =	shalt  }
0x72: {  	_ =	shalt  }
0x73: {  	_ =	shalt  }
0x74: {  	_ =	shalt  }
0x75: {  	_ =	shalt  }
0x76: {  	_ =	shalt  }
0x77: {  	_ =	shalt  }
0x78: {  	_ =	shalt  }
0x79: {  	_ =	shalt  }
0x7a: {  	_ =	shalt  }
0x7b: {  	_ =	shalt  }
0x7c: {  	_ =	shalt  }
0x7d: {  	_ =	shalt  }
0x7e: {  	_ =	shalt  }
0x7f: {  	_ =	shalt  }
0x80: {  	_ =	shalt  }
0x81: {  	_ =	shalt  }
0x82: {  	_ =	shalt  }
0x83: {  	_ =	shalt  }
0x84: {  	_ =	shalt  }
0x85: {  	_ =	shalt  }
0x86: {  	_ =	shalt  }
0x87: {  	_ =	shalt  }
.Lfunc_end0:
.L_simem_size_0:
called_computation.2_lowered:
.L_overlay_start_0:
0x88: {  	s2 =	sld [smem:$0x3FD9]  }
0x89: {  	s3 =	sld [smem:$0x3FFE];
	_ =	sdelay $0x1  }
0x8a: {  	s1 =	srdreg.scid  }
0x8b: {  	s0 =	sand.u32 $0x1, s1  }
0x8c: {  	s16 =	sshll.u32 s0, $0xA;
	s2 =	sadd.s32 s3, s2  }
0x8d: {  	s2 =	sadd.s32 s2, s16  }
0x8e: {  	[smem:$0x3FBF] =	sst s2  }
0x8f: {  	_ = 	snop  }
0x90: {  	(tm) =	ssettm $0x1  }
0x91: {  	s17 =	sld [smem:$0x3FFB];
	_ =	sdelay $0x3  }
0x92: {  	_ =	strace s17  }
0x93: {  	s2 =	sld [smem:$0x3FFC];
	_ =	sdelay $0x3  }
0x94: {  	_ =	strace s2  }
0x95: {  	s2 =	sld [smem:$0x3FFD];
	_ =	sdelay $0x3  }
0x96: {  	_ =	strace s2  }
0x97: {  	_ =	strace $0x8FFFFFFF  }
0x98: {  	s18 =	sld [smem:$0x3FDB];
	_ =	sdelay $0x1  }
0x99: {  	s19 =	simm.s32 $_scs_section_size  }
0x9a: {  	s4 =	simm.s32 $_size__tile_overlayer_lowered;
	s5 =	simm.s32 $_tile_overlayer_lowered  }
0x9b: {  	s22 =	simm.s32 $0x1BFF;
	s21 =	sshll.u32 s5, $0x1;
	s2 =	sadd.s32 s19, s18  }
0x9c: {  	s6 =	simm.s32 $0x0;
	s20 =	sshll.u32 s4, $0x1;
	s4 =	sadd.s32 s21, s2  }
0x9d: {  	[timem:s6], [sflag:s22] =	dma.local [hbm:s4], s20  }
0x9e: {  	_ =	swait.ge [sflag:s22], s20  }
0x9f: {  	s3 =	ssub.s32 $0x0, s20;
	[sflag:s22] =	ssyncset.done $0x0  }
0xa0: {  	[sflag:s22] =	ssyncadd.s32 s3;
	_ =	sdelay $0x1  }
0xa1: {  	s23 =	simm.s32 $0x1B8B  }
0xa2: {  	_ =	swait.ge [sflag:s23], $0x1  }
0xa3: {  	[sflag:s23] =	ssyncset.done $0x0  }
0xa4: {  	s25 =	simm.s32 $0x1B8E;
	s24 =	sld [smem:$0x3FFE];
	[sflag:s23] =	ssyncadd.s32 $0xFFFFFFFF  }
0xa5: {  	s26 =	simm.s32 $execute0_lowered;
	[smem:$0x3FD2] =	sst s25  }
0xa6: {  	s4 =	sshll.u32 s26, $0x1;
	_ =	strace $0x8000004C;
	[dreg:$0x1] =	wrdreg $0xFFFFFFFF  }
0xa7: {  	s28 =	simm.s32 $_size_execute0_lowered;
	s2 =	sadd.s32 s2, s4;
	[dreg:$0x0] =	wrdreg $0x0  }
0xa8: {  	s4 =	sshll.u32 s28, $0x1;
	[dreg:$0x2] =	wrdreg s2  }
0xa9: {  	[dreg:$0x3] =	wrdreg s4  }
0xaa: {  	[dreg:$0x4] =	wrdreg $0xC0  }
0xab: {  	_ =	task [dreg:s6], $0x5FFFF  }
0xac: {  	[dreg:$0x1] =	wrdreg $0xFFFFFFFF  }
0xad: {  	[dreg:$0x0] =	wrdreg $0x60  }
0xae: {  	[dreg:$0x2] =	wrdreg s24  }
0xaf: {  	[dreg:$0x3] =	wrdreg $0xB0000  }
0xb0: {  	[dreg:$0x4] =	wrdreg $0x9  }
0xb1: {  	_ =	task.clear_ibuf [dreg:s6], $0x5FFFF;
	_ =	strace $0x9000004C  }
0xb2: {  	s29 =	simm.s32 $0x9;
	_ =	strace $0x8000004E  }
0xb3: {  	_ =	swait.ge [sflag:s29], $0x1  }
0xb4: {  	[sflag:s29] =	ssyncadd.s32 $0xFFFFFFFF  }
0xb5: {  	_ =	strace $0x9000004E  }
0xb6: {  	_ =	sfence  }
0xb7: {  	s30 =	sld [smem:$0x0];
	_ =	sdelay $0x2  }
0xb8: {  	s31 =	sshll.u32 s1, $0xD;
	s1 =	sshrl.u32 s1, $0x2  }
0xb9: {  	s3 =	sand.u32 $0x4000, s31;
	s1 =	sadd.s32 s1, s30  }
0xba: {  	s0 =	sor.u32 s3, s0;
	s1 =	sshll.u32 s1, $0x11  }
0xbb: {  	s0 =	sor.u32 s1, s0  }
0xbc: {  	s0 =	sadd.s32 $0x8F2B, s0  }
0xbd: {  	[sflag:s0] =	ssyncadd.remote.s32 $0x1  }
0xbe: {  	_ =	sfence.sel $0xFFFF  }
0xbf: {  	[dreg:$0x0] =	wrdreg $0xFFFFFFFF;
	(pc) =	sbr.abs _section_cstart, $3  }
0xc0: {  	[dreg:$0x1] =	wrdreg $0xFFFFFFFF  }
0xc1: {  	_ =	task.clear_ibuf [dreg:s6], $0x2FFFF;
	_ =	strace $0x9FFFFFFF  }
0xc2: {  	(tm) =	ssettm $0x7FFFFFFF  }
0xc3: {  	_ =	shalt  }
tec
execute0_lowered:
.L_overlay_start_1:
0x0: {  	(tag) =	ssettag $0x1  }
0x1: {  	s2 =	rddreg [dreg:$0x0]  }
0x2: {  	s1 =	rddreg [dreg:$0x1];
	s3 =	simm.s32 $0x0  }
0x3: {  	[smem:$0x7FF] =	sst s3;
	s22 =	sadd.s32 $0x16E00, s2  }
0x4: {  	s13 =	simm.s32 $0x480;
	_ =	strace $0x8000004D;
	[dreg:$0x1b] =	wrdreg s22  }
0x5: {  	s14 =	simm.s32 $0x180;
	[dreg:$0x6] =	wrdreg s13  }
0x6: {  	s15 =	simm.s32 $0x500;
	[dreg:$0x7] =	wrdreg s14  }
0x7: {  	s0 =	srdreg.scid;
	s16 =	simm.s32 $0x200;
	[dreg:$0x8] =	wrdreg s15  }
0x8: {  	s12 =	stileid.u32;
	s17 =	simm.s32 $0x580;
	[dreg:$0x9] =	wrdreg s16  }
0x9: {  	s18 =	simm.s32 $0x280;
	s20 =	simm.s32 $0x600;
	[dreg:$0xa] =	wrdreg s17  }
0xa: {  	s21 =	simm.s32 $0x300;
	s9 =	smul.u32 $0x2800, s12;
	[dreg:$0xb] =	wrdreg s18  }
0xb: {  	s7 =	sand.u32 $0x1, s0;
	s10 =	smul.u32 $0x14000, s12;
	[dreg:$0xc] =	wrdreg s20  }
0xc: {  	s5 =	sadd.s32 $0x2E00, s2;
	[dreg:$0xd] =	wrdreg s21;
	s22 =	simm.s32 $0x680  }
0xd: {  	s6 =	sadd.s32 $0xCE00, s2;
	s14 =	simm.s32 $0x900;
	[dreg:$0xe] =	wrdreg s22  }
0xe: {  	s8 =	smul.u32 $0x140000, s7;
	s16 =	simm.s32 $0xC80;
	[dreg:$0x13] =	wrdreg s14  }
0xf: {  	s0 =	smul.u32 $0x28000, s7;
	s18 =	simm.s32 $0x980;
	[dreg:$0x14] =	wrdreg s16  }
0x10: {  	s24 =	ssub.s32 $0x2, s7;
	s20 =	simm.s32 $0xD00;
	[dreg:$0x15] =	wrdreg s18  }
0x11: {  	s7 =	sshll.u32 s7, $0x4;
	s25 =	sshrl.u32 s24, $0x1;
	[dreg:$0x16] =	wrdreg s20  }
0x12: {  	s22 =	simm.s32 $0xA00;
	s0 =	sadd.s32 s9, s0;
	s8 =	sadd.s32 s10, s8  }
0x13: {  	s10 =	ssub.s32 s24, s25;
	s24 =	simm.s32 $0x380;
	[dreg:$0x17] =	wrdreg s22  }
0x14: {  	s23 =	sor.u32 $0x400, s0;
	[dreg:$0xf] =	wrdreg s24;
	s24 =	simm.s32 $0xD80  }
0x15: {  	s9 =	sshrl.u32 s23, $0x3;
	s23 =	smax.u32 s10, $0x1;
	[dreg:$0x18] =	wrdreg s24  }
0x16: {  	s7 =	sor.u32 s12, s7;
	s10 =	simm.s32 $0x780;
	[dreg:$0x1f] =	wrdreg s23  }
0x17: {  	s7 =	smul.u32 $0x2800, s7;
	s11 =	sadd.s32 s9, s6;
	[dreg:$0x11] =	wrdreg s10  }
0x18: {  	s4 =	sadd.s32 $0x17200, s2;
	s26 =	sadd.s32 s9, s5;
	[dreg:$0x3] =	wrdreg s11  }
0x19: {  	s7 =	sshrl.u32 s7, $0x3;
	s9 =	simm.s32 $0x100;
	[dreg:$0x4] =	wrdreg s26  }
0x1a: {  	s8 =	sshrl.u32 s8, $0x3;
	s19 =	sadd.s32 s5, s7;
	[dreg:$0x5] =	wrdreg s9  }
0x1b: {  	s2 =	sadd.s32 s8, s2;
	s7 =	sadd.s32 s6, s7;
	[dreg:$0x1c] =	wrdreg s19  }
0x1c: {  	s2 =	sadd.s32 $0x3F200, s2;
	s11 =	smul.u32 $0x50000, s12;
	[dreg:$0x1d] =	wrdreg s7  }
0x1d: {  	s28 =	simm.s32 $0xC00;
	[dreg:$0x1e] =	wrdreg s2;
	s26 =	simm.s32 $0x700  }
0x1e: {  	s12 =	simm.s32 $0x880;
	[dreg:$0x10] =	wrdreg s26;
	s9 =	sshrl.u32 s11, $0x2  }
0x1f: {  	[dreg:$0x12] =	wrdreg s12;
	s26 =	simm.s32 $0xE00;
	s8 =	sadd.s32 s9, s1  }
0x20: {  	s29 =	simm.s32 $0x1;
	[dreg:$0x1a] =	wrdreg s26;
	s25 =	sadd.s32 $0x2000, s8  }
0x21: {  	s30 =	simm.s32 $0x80;
	s9 =	sadd.s32 $0x4000, s8;
	[smem:$0x7F5] =	sst s25  }
0x22: {  	s31 =	simm.s32 $0x1000;
	s11 =	sadd.s32 $0x6000, s8;
	[smem:$0x7F6] =	sst s9  }
0x23: {  	s14 =	simm.s32 $0xF80;
	s13 =	sadd.s32 $0x8000, s8;
	[smem:$0x7F7] =	sst s11  }
0x24: {  	s24 =	simm.s32 $0x5;
	s15 =	sadd.s32 $0xA000, s8;
	[smem:$0x7F8] =	sst s13  }
0x25: {  	s10 =	simm.s32 $0xB00;
	s17 =	sadd.s32 $0xC000, s8;
	[smem:$0x7F9] =	sst s15  }
0x26: {  	s2 =	simm.s32 $0x3;
	s19 =	sadd.s32 $0xE000, s8;
	[smem:$0x7FA] =	sst s17  }
0x27: {  	s7 =	simm.s32 $0x4;
	s21 =	sadd.s32 $0x10000, s8;
	[smem:$0x7FB] =	sst s19  }
0x28: {  	s12 =	simm.s32 $0xB80;
	s23 =	sadd.s32 $0x12000, s8;
	[smem:$0x7FC] =	sst s21  }
0x29: {  	s26 =	simm.s32 $0x800;
	[smem:$0x7FD] =	sst s23;
	s17 =	sadd.s32 $0x800, s0  }
0x2a: {  	s25 =	simm.s32 $0xA80;
	s23 =	simm.s32 $0x9000;
	s0 =	simm.s32 $0x5000  }
0x2b: {  	s9 =	simm.s32 $0x2;
	s11 =	simm.s32 $0xE80;
	s13 =	simm.s32 $0xF00  }
0x2c: {  	s15 =	simm.s32 $0x0;
	[dreg:$0x19] =	wrdreg s25;
	s25 =	simm.s32 $0x400  }
.LBB2_1:
0x2d: {  	s16 =	rddreg [dreg:$0x1b]  }
0x2e: {  	[tilespmem:s23], [sflag:$0x5] =	stream.linear.gather [hbm4b:s16+s3], $0x2000, $0x38;
	[tilespmem:$0x1F000] =	vst v63  }
0x2f: {  	_ =	swait.ge [sflag:s24], $0x2000  }
0x30: {  	[sflag:s24] =	ssyncset.done $0x0  }
0x31: {  	[sflag:s24] =	ssyncadd.s32 $0xFFFFE000  }
0x32: {  	[spmem:s8] =	stream.linear.scatter [tilespmem:s23], [sflag:$0x5], $0x2000, $0x38;
	[tilespmem:$0x1F000] =	vst v63  }
0x33: {  	_ =	swait.ge [sflag:s24], $0x2000  }
0x34: {  	s18 =	sld [smem:$0x7F5]  }
0x35: {  	[sflag:s24] =	ssyncset.done $0x0  }
0x36: {  	[sflag:s24] =	ssyncadd.s32 $0xFFFFE000  }
0x37: {  	[spmem:s18] =	stream.linear.scatter [tilespmem:s23], [sflag:$0x5], $0x2000, $0x38;
	[tilespmem:$0x1F000] =	vst v63  }
0x38: {  	_ =	swait.ge [sflag:s24], $0x2000  }
0x39: {  	s19 =	sld [smem:$0x7F6]  }
0x3a: {  	[sflag:s24] =	ssyncset.done $0x0  }
0x3b: {  	[sflag:s24] =	ssyncadd.s32 $0xFFFFE000  }
0x3c: {  	[spmem:s19] =	stream.linear.scatter [tilespmem:s23], [sflag:$0x5], $0x2000, $0x38;
	[tilespmem:$0x1F000] =	vst v63  }
0x3d: {  	_ =	swait.ge [sflag:s24], $0x2000  }
0x3e: {  	s20 =	sld [smem:$0x7F7]  }
0x3f: {  	[sflag:s24] =	ssyncset.done $0x0  }
0x40: {  	[sflag:s24] =	ssyncadd.s32 $0xFFFFE000  }
0x41: {  	[spmem:s20] =	stream.linear.scatter [tilespmem:s23], [sflag:$0x5], $0x2000, $0x38;
	[tilespmem:$0x1F000] =	vst v63  }
0x42: {  	_ =	swait.ge [sflag:s24], $0x2000  }
0x43: {  	s21 =	sld [smem:$0x7F8]  }
0x44: {  	[sflag:s24] =	ssyncset.done $0x0  }
0x45: {  	[sflag:s24] =	ssyncadd.s32 $0xFFFFE000  }
0x46: {  	[spmem:s21] =	stream.linear.scatter [tilespmem:s23], [sflag:$0x5], $0x2000, $0x38;
	[tilespmem:$0x1F000] =	vst v63  }
0x47: {  	_ =	swait.ge [sflag:s24], $0x2000  }
0x48: {  	s22 =	sld [smem:$0x7F9]  }
0x49: {  	[sflag:s24] =	ssyncset.done $0x0  }
0x4a: {  	[sflag:s24] =	ssyncadd.s32 $0xFFFFE000  }
0x4b: {  	[spmem:s22] =	stream.linear.scatter [tilespmem:s23], [sflag:$0x5], $0x2000, $0x38;
	[tilespmem:$0x1F000] =	vst v63  }
0x4c: {  	_ =	swait.ge [sflag:s24], $0x2000  }
0x4d: {  	s18 =	sld [smem:$0x7FA]  }
0x4e: {  	[sflag:s24] =	ssyncset.done $0x0  }
0x4f: {  	[sflag:s24] =	ssyncadd.s32 $0xFFFFE000  }
0x50: {  	[spmem:s18] =	stream.linear.scatter [tilespmem:s23], [sflag:$0x5], $0x2000, $0x38;
	[tilespmem:$0x1F000] =	vst v63  }
0x51: {  	_ =	swait.ge [sflag:s24], $0x2000  }
0x52: {  	s19 =	sld [smem:$0x7FB]  }
0x53: {  	[sflag:s24] =	ssyncset.done $0x0  }
0x54: {  	[sflag:s24] =	ssyncadd.s32 $0xFFFFE000  }
0x55: {  	[spmem:s19] =	stream.linear.scatter [tilespmem:s23], [sflag:$0x5], $0x2000, $0x38;
	[tilespmem:$0x1F000] =	vst v63  }
0x56: {  	_ =	swait.ge [sflag:s24], $0x2000  }
0x57: {  	s20 =	sld [smem:$0x7FC]  }
0x58: {  	[sflag:s24] =	ssyncset.done $0x0  }
0x59: {  	[sflag:s24] =	ssyncadd.s32 $0xFFFFE000  }
0x5a: {  	[spmem:s20] =	stream.linear.scatter [tilespmem:s23], [sflag:$0x5], $0x2000, $0x38;
	[tilespmem:$0x1F000] =	vst v63  }
0x5b: {  	_ =	swait.ge [sflag:s24], $0x2000  }
0x5c: {  	s21 =	sld [smem:$0x7FD]  }
0x5d: {  	[sflag:s24] =	ssyncset.done $0x0  }
0x5e: {  	[sflag:s24] =	ssyncadd.s32 $0xFFFFE000  }
0x5f: {  	[spmem:s21] =	stream.linear.scatter [tilespmem:s23], [sflag:$0x5], $0x2000, $0x38;
	[tilespmem:$0x1F000] =	vst v63  }
0x60: {  	_ =	swait.ge [sflag:s24], $0x2000  }
0x61: {  	[sflag:s24] =	ssyncset.done $0x0  }
0x62: {  	s22 =	rddreg [dreg:$0x1c];
	[sflag:s24] =	ssyncadd.s32 $0xFFFFE000  }
0x63: {  	[tilespmem:s3], [sflag:$0x1] =	stream.linear.gather [hbm4b:s22+s3], $0x400, $0x38;
	[tilespmem:$0x1F000] =	vst v63  }
0x64: {  	s18 =	rddreg [dreg:$0x1d]  }
0x65: {  	[tilespmem:s25], [sflag:$0x1] =	stream.linear.gather [hbm4b:s18+s3], $0x400, $0x38;
	[tilespmem:$0x1F000] =	vst v63  }
0x66: {  	[bflag:$0x0] =	sbarrier.arrive $0xFFFF  }
0x67: {  	s19 =	rddreg [dreg:$0x4]  }
0x68: {  	s18 =	rddreg [dreg:$0x3];
	s16 =	sadd.s32 $0x0, s19  }
0x69: {  	[tilespmem:s26], [sflag:$0x2] =	stream.linear.gather [hbm4b:s16+s3], $0x400, $0x38;
	[tilespmem:$0x1F000] =	vst v63  }
0x6a: {  	s20 =	sadd.s32 $0x0, s18  }
0x6b: {  	[tilespmem:s28], [sflag:$0x2] =	stream.linear.gather [hbm4b:s20+s3], $0x400, $0x38;
	[tilespmem:$0x1F000] =	vst v63  }
0x6c: {  	_ =	swait.ge [sflag:s29], $0x400  }
0x6d: {  	[sflag:s29] =	ssyncset.done $0x0  }
0x6e: {  	[sflag:s29] =	ssyncadd.s32 $0xFFFFFC00  }
0x6f: {  	_ =	swait.ge [sflag:s29], $0x400  }
0x70: {  	[sflag:s29] =	ssyncset.done $0x0  }
0x71: {  	[sflag:s29] =	ssyncadd.s32 $0xFFFFFC00  }
0x72: {  	[tilespmem:s31], [sflag:$0x3] =	stream.indirect.gather [hbm4b:s4+s30], $0x80, s3, s30, $0xb8;
	[tilespmem:$0x1F000] =	vst v63  }
0x73: {  	_ = 	snop  }
0x74: {  	[tilespmem:s0], [sflag:$0x4] =	stream.indirect.gather [hbm4b:s4+s30], $0x80, s30, s30, $0xb8;
	[tilespmem:$0x1F000] =	vst v63  }
0x75: {  	_ =	swait.ge [sflag:s2], $0x4000  }
0x76: {  	[sflag:s2] =	ssyncset.done $0x0  }
0x77: {  	[sflag:s2] =	ssyncadd.s32 $0xFFFFC000  }
0x78: {  	[spmem:s1] =	stream.indirect.scatter.add.f32 [tilespmem:s31], [sflag:$0x5], $0x80, s25, s30, $0xb8;
	[tilespmem:$0x1F000] =	vst v63  }
0x79: {  	_ =	swait.ge [sflag:s24], $0x4000  }
0x7a: {  	[sflag:s24] =	ssyncset.done $0x0  }
0x7b: {  	s21 =	rddreg [dreg:$0x5];
	[sflag:s24] =	ssyncadd.s32 $0xFFFFC000  }
0x7c: {  	[tilespmem:s31], [sflag:$0x3] =	stream.indirect.gather [hbm4b:s4+s30], $0x80, s21, s30, $0xb8;
	[tilespmem:$0x1F000] =	vst v63  }
0x7d: {  	_ =	swait.ge [sflag:s7], $0x4000  }
0x7e: {  	[sflag:s7] =	ssyncset.done $0x0  }
0x7f: {  	s22 =	rddreg [dreg:$0x6];
	[sflag:s7] =	ssyncadd.s32 $0xFFFFC000  }
0x80: {  	[spmem:s1] =	stream.indirect.scatter.add.f32 [tilespmem:s0], [sflag:$0x5], $0x80, s22, s30, $0xb8;
	[tilespmem:$0x1F000] =	vst v63  }
0x81: {  	_ =	swait.ge [sflag:s24], $0x4000  }
0x82: {  	[sflag:s24] =	ssyncset.done $0x0  }
0x83: {  	s18 =	rddreg [dreg:$0x7];
	[sflag:s24] =	ssyncadd.s32 $0xFFFFC000  }
0x84: {  	[tilespmem:s0], [sflag:$0x4] =	stream.indirect.gather [hbm4b:s4+s30], $0x80, s18, s30, $0xb8;
	[tilespmem:$0x1F000] =	vst v63  }
0x85: {  	_ =	swait.ge [sflag:s2], $0x4000  }
0x86: {  	[sflag:s2] =	ssyncset.done $0x0  }
0x87: {  	s19 =	rddreg [dreg:$0x8];
	[sflag:s2] =	ssyncadd.s32 $0xFFFFC000  }
0x88: {  	[spmem:s1] =	stream.indirect.scatter.add.f32 [tilespmem:s31], [sflag:$0x5], $0x80, s19, s30, $0xb8;
	[tilespmem:$0x1F000] =	vst v63  }
0x89: {  	_ =	swait.ge [sflag:s24], $0x4000  }
0x8a: {  	[sflag:s24] =	ssyncset.done $0x0  }
0x8b: {  	s20 =	rddreg [dreg:$0x9];
	[sflag:s24] =	ssyncadd.s32 $0xFFFFC000  }
0x8c: {  	[tilespmem:s31], [sflag:$0x3] =	stream.indirect.gather [hbm4b:s4+s30], $0x80, s20, s30, $0xb8;
	[tilespmem:$0x1F000] =	vst v63  }
0x8d: {  	_ =	swait.ge [sflag:s7], $0x4000  }
0x8e: {  	[sflag:s7] =	ssyncset.done $0x0  }
0x8f: {  	s21 =	rddreg [dreg:$0xa];
	[sflag:s7] =	ssyncadd.s32 $0xFFFFC000  }
0x90: {  	[spmem:s1] =	stream.indirect.scatter.add.f32 [tilespmem:s0], [sflag:$0x5], $0x80, s21, s30, $0xb8;
	[tilespmem:$0x1F000] =	vst v63  }
0x91: {  	_ =	swait.ge [sflag:s24], $0x4000  }
0x92: {  	[sflag:s24] =	ssyncset.done $0x0  }
0x93: {  	s22 =	rddreg [dreg:$0xb];
	[sflag:s24] =	ssyncadd.s32 $0xFFFFC000  }
0x94: {  	[tilespmem:s0], [sflag:$0x4] =	stream.indirect.gather [hbm4b:s4+s30], $0x80, s22, s30, $0xb8;
	[tilespmem:$0x1F000] =	vst v63  }
0x95: {  	_ =	swait.ge [sflag:s2], $0x4000  }
0x96: {  	[sflag:s2] =	ssyncset.done $0x0  }
0x97: {  	s18 =	rddreg [dreg:$0xc];
	[sflag:s2] =	ssyncadd.s32 $0xFFFFC000  }
0x98: {  	[spmem:s1] =	stream.indirect.scatter.add.f32 [tilespmem:s31], [sflag:$0x5], $0x80, s18, s30, $0xb8;
	[tilespmem:$0x1F000] =	vst v63  }
0x99: {  	_ =	swait.ge [sflag:s24], $0x4000  }
0x9a: {  	[sflag:s24] =	ssyncset.done $0x0  }
0x9b: {  	s19 =	rddreg [dreg:$0xd];
	[sflag:s24] =	ssyncadd.s32 $0xFFFFC000  }
0x9c: {  	[tilespmem:s31], [sflag:$0x3] =	stream.indirect.gather [hbm4b:s4+s30], $0x80, s19, s30, $0xb8;
	[tilespmem:$0x1F000] =	vst v63  }
0x9d: {  	_ =	swait.ge [sflag:s7], $0x4000  }
0x9e: {  	[sflag:s7] =	ssyncset.done $0x0  }
0x9f: {  	s20 =	rddreg [dreg:$0xe];
	[sflag:s7] =	ssyncadd.s32 $0xFFFFC000  }
0xa0: {  	[spmem:s1] =	stream.indirect.scatter.add.f32 [tilespmem:s0], [sflag:$0x5], $0x80, s20, s30, $0xb8;
	[tilespmem:$0x1F000] =	vst v63  }
0xa1: {  	_ =	swait.ge [sflag:s24], $0x4000  }
0xa2: {  	[sflag:s24] =	ssyncset.done $0x0  }
0xa3: {  	s21 =	rddreg [dreg:$0xf];
	[sflag:s24] =	ssyncadd.s32 $0xFFFFC000  }
0xa4: {  	[tilespmem:s0], [sflag:$0x4] =	stream.indirect.gather [hbm4b:s4+s30], $0x80, s21, s30, $0xb8;
	[tilespmem:$0x1F000] =	vst v63  }
0xa5: {  	_ =	swait.ge [sflag:s2], $0x4000  }
0xa6: {  	[sflag:s2] =	ssyncset.done $0x0  }
0xa7: {  	s22 =	rddreg [dreg:$0x10];
	[sflag:s2] =	ssyncadd.s32 $0xFFFFC000  }
0xa8: {  	[spmem:s1] =	stream.indirect.scatter.add.f32 [tilespmem:s31], [sflag:$0x5], $0x80, s22, s30, $0xb8;
	[tilespmem:$0x1F000] =	vst v63  }
0xa9: {  	_ =	swait.ge [sflag:s24], $0x4000  }
0xaa: {  	[sflag:s24] =	ssyncset.done $0x0  }
0xab: {  	[sflag:s24] =	ssyncadd.s32 $0xFFFFC000  }
0xac: {  	_ =	swait.ge [sflag:s7], $0x4000  }
0xad: {  	[sflag:s7] =	ssyncset.done $0x0  }
0xae: {  	s18 =	rddreg [dreg:$0x11];
	[sflag:s7] =	ssyncadd.s32 $0xFFFFC000  }
0xaf: {  	[spmem:s1] =	stream.indirect.scatter.add.f32 [tilespmem:s0], [sflag:$0x5], $0x80, s18, s30, $0xb8;
	[tilespmem:$0x1F000] =	vst v63  }
0xb0: {  	p0 =	por $0x0, $0x0;
	_ =	swait.ge [sflag:s24], $0x4000  }
0xb1: {  	s16 =	sshrl.u32 @!p0 s17, $0x3;
	[sflag:s24] =	ssyncset.done $0x0  }
0xb2: {  	s19 =	simm.s32 @!p0 $0x0;
	s18 =	sadd.s32 @!p0 s5, s16;
	[sflag:s24] =	ssyncadd.s32 $0xFFFFC000  }
0xb3: {  	[tilespmem:s19], [sflag:$0x1] =	stream.linear.gather @!p0 [hbm4b:s18+s19], $0x400, $0x38;
	[tilespmem:$0x1F000] =	vst v63  }
0xb4: {  	s16 =	sadd.s32 @!p0 s6, s16;
	s18 =	simm.s32 @!p0 $0x400  }
0xb5: {  	[tilespmem:s18], [sflag:$0x1] =	stream.linear.gather @!p0 [hbm4b:s16+s19], $0x400, $0x38;
	[tilespmem:$0x1F000] =	vst v63  }
0xb6: {  	_ =	swait.ge [sflag:s9], $0x400  }
0xb7: {  	[sflag:s9] =	ssyncset.done $0x0  }
0xb8: {  	[sflag:s9] =	ssyncadd.s32 $0xFFFFFC00  }
0xb9: {  	_ =	swait.ge [sflag:s9], $0x400  }
0xba: {  	[sflag:s9] =	ssyncset.done $0x0  }
0xbb: {  	[sflag:s9] =	ssyncadd.s32 $0xFFFFFC00  }
0xbc: {  	[tilespmem:s31], [sflag:$0x3] =	stream.indirect.gather [hbm4b:s4+s30], $0x80, s26, s30, $0xb8;
	[tilespmem:$0x1F000] =	vst v63  }
0xbd: {  	s19 =	rddreg [dreg:$0x12]  }
0xbe: {  	[tilespmem:s0], [sflag:$0x4] =	stream.indirect.gather [hbm4b:s4+s30], $0x80, s19, s30, $0xb8;
	[tilespmem:$0x1F000] =	vst v63  }
0xbf: {  	_ =	swait.ge [sflag:s2], $0x4000  }
0xc0: {  	[sflag:s2] =	ssyncset.done $0x0  }
0xc1: {  	[sflag:s2] =	ssyncadd.s32 $0xFFFFC000  }
0xc2: {  	[spmem:s1] =	stream.indirect.scatter.add.f32 [tilespmem:s31], [sflag:$0x5], $0x80, s28, s30, $0xb8;
	[tilespmem:$0x1F000] =	vst v63  }
0xc3: {  	_ =	swait.ge [sflag:s24], $0x4000  }
0xc4: {  	[sflag:s24] =	ssyncset.done $0x0  }
0xc5: {  	s20 =	rddreg [dreg:$0x13];
	[sflag:s24] =	ssyncadd.s32 $0xFFFFC000  }
0xc6: {  	[tilespmem:s31], [sflag:$0x3] =	stream.indirect.gather [hbm4b:s4+s30], $0x80, s20, s30, $0xb8;
	[tilespmem:$0x1F000] =	vst v63  }
0xc7: {  	_ =	swait.ge [sflag:s7], $0x4000  }
0xc8: {  	[sflag:s7] =	ssyncset.done $0x0  }
0xc9: {  	s21 =	rddreg [dreg:$0x14];
	[sflag:s7] =	ssyncadd.s32 $0xFFFFC000  }
0xca: {  	[spmem:s1] =	stream.indirect.scatter.add.f32 [tilespmem:s0], [sflag:$0x5], $0x80, s21, s30, $0xb8;
	[tilespmem:$0x1F000] =	vst v63  }
0xcb: {  	_ =	swait.ge [sflag:s24], $0x4000  }
0xcc: {  	[sflag:s24] =	ssyncset.done $0x0  }
0xcd: {  	s22 =	rddreg [dreg:$0x15];
	[sflag:s24] =	ssyncadd.s32 $0xFFFFC000  }
0xce: {  	[tilespmem:s0], [sflag:$0x4] =	stream.indirect.gather [hbm4b:s4+s30], $0x80, s22, s30, $0xb8;
	[tilespmem:$0x1F000] =	vst v63  }
0xcf: {  	_ =	swait.ge [sflag:s2], $0x4000  }
0xd0: {  	[sflag:s2] =	ssyncset.done $0x0  }
0xd1: {  	s18 =	rddreg [dreg:$0x16];
	[sflag:s2] =	ssyncadd.s32 $0xFFFFC000  }
0xd2: {  	[spmem:s1] =	stream.indirect.scatter.add.f32 [tilespmem:s31], [sflag:$0x5], $0x80, s18, s30, $0xb8;
	[tilespmem:$0x1F000] =	vst v63  }
0xd3: {  	_ =	swait.ge [sflag:s24], $0x4000  }
0xd4: {  	[sflag:s24] =	ssyncset.done $0x0  }
0xd5: {  	s19 =	rddreg [dreg:$0x17];
	[sflag:s24] =	ssyncadd.s32 $0xFFFFC000  }
0xd6: {  	[tilespmem:s31], [sflag:$0x3] =	stream.indirect.gather [hbm4b:s4+s30], $0x80, s19, s30, $0xb8;
	[tilespmem:$0x1F000] =	vst v63  }
0xd7: {  	_ =	swait.ge [sflag:s7], $0x4000  }
0xd8: {  	[sflag:s7] =	ssyncset.done $0x0  }
0xd9: {  	s20 =	rddreg [dreg:$0x18];
	[sflag:s7] =	ssyncadd.s32 $0xFFFFC000  }
0xda: {  	[spmem:s1] =	stream.indirect.scatter.add.f32 [tilespmem:s0], [sflag:$0x5], $0x80, s20, s30, $0xb8;
	[tilespmem:$0x1F000] =	vst v63  }
0xdb: {  	_ =	swait.ge [sflag:s24], $0x4000  }
0xdc: {  	[sflag:s24] =	ssyncset.done $0x0  }
0xdd: {  	s21 =	rddreg [dreg:$0x19];
	[sflag:s24] =	ssyncadd.s32 $0xFFFFC000  }
0xde: {  	[tilespmem:s0], [sflag:$0x4] =	stream.indirect.gather [hbm4b:s4+s30], $0x80, s21, s30, $0xb8;
	[tilespmem:$0x1F000] =	vst v63  }
0xdf: {  	_ =	swait.ge [sflag:s2], $0x4000  }
0xe0: {  	[sflag:s2] =	ssyncset.done $0x0  }
0xe1: {  	s22 =	rddreg [dreg:$0x1a];
	[sflag:s2] =	ssyncadd.s32 $0xFFFFC000  }
0xe2: {  	[spmem:s1] =	stream.indirect.scatter.add.f32 [tilespmem:s31], [sflag:$0x5], $0x80, s22, s30, $0xb8;
	[tilespmem:$0x1F000] =	vst v63  }
0xe3: {  	_ =	swait.ge [sflag:s24], $0x4000  }
0xe4: {  	[sflag:s24] =	ssyncset.done $0x0  }
0xe5: {  	[sflag:s24] =	ssyncadd.s32 $0xFFFFC000  }
0xe6: {  	[tilespmem:s31], [sflag:$0x3] =	stream.indirect.gather [hbm4b:s4+s30], $0x80, s10, s30, $0xb8;
	[tilespmem:$0x1F000] =	vst v63  }
0xe7: {  	_ =	swait.ge [sflag:s7], $0x4000  }
0xe8: {  	[sflag:s7] =	ssyncset.done $0x0  }
0xe9: {  	[sflag:s7] =	ssyncadd.s32 $0xFFFFC000  }
0xea: {  	[spmem:s1] =	stream.indirect.scatter.add.f32 [tilespmem:s0], [sflag:$0x5], $0x80, s11, s30, $0xb8;
	[tilespmem:$0x1F000] =	vst v63  }
0xeb: {  	_ =	swait.ge [sflag:s24], $0x4000  }
0xec: {  	[sflag:s24] =	ssyncset.done $0x0  }
0xed: {  	[sflag:s24] =	ssyncadd.s32 $0xFFFFC000  }
0xee: {  	[tilespmem:s0], [sflag:$0x4] =	stream.indirect.gather [hbm4b:s4+s30], $0x80, s12, s30, $0xb8;
	[tilespmem:$0x1F000] =	vst v63  }
0xef: {  	_ =	swait.ge [sflag:s2], $0x4000  }
0xf0: {  	[sflag:s2] =	ssyncset.done $0x0  }
0xf1: {  	[sflag:s2] =	ssyncadd.s32 $0xFFFFC000  }
0xf2: {  	[spmem:s1] =	stream.indirect.scatter.add.f32 [tilespmem:s31], [sflag:$0x5], $0x80, s13, s30, $0xb8;
	[tilespmem:$0x1F000] =	vst v63  }
0xf3: {  	_ =	swait.ge [sflag:s24], $0x4000  }
0xf4: {  	[sflag:s24] =	ssyncset.done $0x0  }
0xf5: {  	[sflag:s24] =	ssyncadd.s32 $0xFFFFC000  }
0xf6: {  	_ =	swait.ge [sflag:s7], $0x4000  }
0xf7: {  	[sflag:s7] =	ssyncset.done $0x0  }
0xf8: {  	[sflag:s7] =	ssyncadd.s32 $0xFFFFC000  }
0xf9: {  	[spmem:s1] =	stream.indirect.scatter.add.f32 [tilespmem:s0], [sflag:$0x5], $0x80, s14, s30, $0xb8;
	[tilespmem:$0x1F000] =	vst v63  }
0xfa: {  	s16 =	simm.s32 $0x100;
	s18 =	simm.s32 $0x200;
	_ =	swait.ge [sflag:s24], $0x4000  }
0xfb: {  	s22 =	smov.u32 s17;
	s20 =	rddreg [dreg:$0x4];
	[sflag:s24] =	ssyncset.done $0x0  }
.LBB2_2:
0xfc: {  	[sflag:s24] =	ssyncadd.s32 $0xFFFFC000;
	s21 =	rddreg [dreg:$0x3];
	s20 =	sadd.s32 s16, s20  }
0xfd: {  	[tilespmem:s26], [sflag:$0x2] =	stream.linear.gather [hbm4b:s20+s3], $0x400, $0x38;
	[tilespmem:$0x1F000] =	vst v63  }
0xfe: {  	s21 =	sadd.s32 s16, s21  }
0xff: {  	[tilespmem:s28], [sflag:$0x2] =	stream.linear.gather [hbm4b:s21+s3], $0x400, $0x38;
	[tilespmem:$0x1F000] =	vst v63  }
0x100: {  	_ =	swait.ge [sflag:s29], $0x400  }
0x101: {  	[sflag:s29] =	ssyncset.done $0x0  }
0x102: {  	[sflag:s29] =	ssyncadd.s32 $0xFFFFFC00  }
0x103: {  	_ =	swait.ge [sflag:s29], $0x400  }
0x104: {  	[sflag:s29] =	ssyncset.done $0x0  }
0x105: {  	[sflag:s29] =	ssyncadd.s32 $0xFFFFFC00  }
0x106: {  	[tilespmem:s31], [sflag:$0x3] =	stream.indirect.gather [hbm4b:s4+s30], $0x80, s3, s30, $0xb8;
	[tilespmem:$0x1F000] =	vst v63  }
0x107: {  	_ = 	snop  }
0x108: {  	[tilespmem:s0], [sflag:$0x4] =	stream.indirect.gather [hbm4b:s4+s30], $0x80, s30, s30, $0xb8;
	[tilespmem:$0x1F000] =	vst v63  }
0x109: {  	_ =	swait.ge [sflag:s2], $0x4000  }
0x10a: {  	[sflag:s2] =	ssyncset.done $0x0  }
0x10b: {  	[sflag:s2] =	ssyncadd.s32 $0xFFFFC000  }
0x10c: {  	[spmem:s1] =	stream.indirect.scatter.add.f32 [tilespmem:s31], [sflag:$0x5], $0x80, s25, s30, $0xb8;
	[tilespmem:$0x1F000] =	vst v63  }
0x10d: {  	_ =	swait.ge [sflag:s24], $0x4000  }
0x10e: {  	[sflag:s24] =	ssyncset.done $0x0  }
0x10f: {  	s21 =	rddreg [dreg:$0x5];
	[sflag:s24] =	ssyncadd.s32 $0xFFFFC000  }
0x110: {  	[tilespmem:s31], [sflag:$0x3] =	stream.indirect.gather [hbm4b:s4+s30], $0x80, s21, s30, $0xb8;
	[tilespmem:$0x1F000] =	vst v63  }
0x111: {  	_ =	swait.ge [sflag:s7], $0x4000  }
0x112: {  	[sflag:s7] =	ssyncset.done $0x0  }
0x113: {  	s21 =	rddreg [dreg:$0x6];
	[sflag:s7] =	ssyncadd.s32 $0xFFFFC000  }
0x114: {  	[spmem:s1] =	stream.indirect.scatter.add.f32 [tilespmem:s0], [sflag:$0x5], $0x80, s21, s30, $0xb8;
	[tilespmem:$0x1F000] =	vst v63  }
0x115: {  	_ =	swait.ge [sflag:s24], $0x4000  }
0x116: {  	[sflag:s24] =	ssyncset.done $0x0  }
0x117: {  	s21 =	rddreg [dreg:$0x7];
	[sflag:s24] =	ssyncadd.s32 $0xFFFFC000  }
0x118: {  	[tilespmem:s0], [sflag:$0x4] =	stream.indirect.gather [hbm4b:s4+s30], $0x80, s21, s30, $0xb8;
	[tilespmem:$0x1F000] =	vst v63  }
0x119: {  	_ =	swait.ge [sflag:s2], $0x4000  }
0x11a: {  	[sflag:s2] =	ssyncset.done $0x0  }
0x11b: {  	s21 =	rddreg [dreg:$0x8];
	[sflag:s2] =	ssyncadd.s32 $0xFFFFC000  }
0x11c: {  	[spmem:s1] =	stream.indirect.scatter.add.f32 [tilespmem:s31], [sflag:$0x5], $0x80, s21, s30, $0xb8;
	[tilespmem:$0x1F000] =	vst v63  }
0x11d: {  	_ =	swait.ge [sflag:s24], $0x4000  }
0x11e: {  	[sflag:s24] =	ssyncset.done $0x0  }
0x11f: {  	s21 =	rddreg [dreg:$0x9];
	[sflag:s24] =	ssyncadd.s32 $0xFFFFC000  }
0x120: {  	[tilespmem:s31], [sflag:$0x3] =	stream.indirect.gather [hbm4b:s4+s30], $0x80, s21, s30, $0xb8;
	[tilespmem:$0x1F000] =	vst v63  }
0x121: {  	_ =	swait.ge [sflag:s7], $0x4000  }
0x122: {  	[sflag:s7] =	ssyncset.done $0x0  }
0x123: {  	s21 =	rddreg [dreg:$0xa];
	[sflag:s7] =	ssyncadd.s32 $0xFFFFC000  }
0x124: {  	[spmem:s1] =	stream.indirect.scatter.add.f32 [tilespmem:s0], [sflag:$0x5], $0x80, s21, s30, $0xb8;
	[tilespmem:$0x1F000] =	vst v63  }
0x125: {  	_ =	swait.ge [sflag:s24], $0x4000  }
0x126: {  	[sflag:s24] =	ssyncset.done $0x0  }
0x127: {  	s21 =	rddreg [dreg:$0xb];
	[sflag:s24] =	ssyncadd.s32 $0xFFFFC000  }
0x128: {  	[tilespmem:s0], [sflag:$0x4] =	stream.indirect.gather [hbm4b:s4+s30], $0x80, s21, s30, $0xb8;
	[tilespmem:$0x1F000] =	vst v63  }
0x129: {  	_ =	swait.ge [sflag:s2], $0x4000  }
0x12a: {  	[sflag:s2] =	ssyncset.done $0x0  }
0x12b: {  	s21 =	rddreg [dreg:$0xc];
	[sflag:s2] =	ssyncadd.s32 $0xFFFFC000  }
0x12c: {  	[spmem:s1] =	stream.indirect.scatter.add.f32 [tilespmem:s31], [sflag:$0x5], $0x80, s21, s30, $0xb8;
	[tilespmem:$0x1F000] =	vst v63  }
0x12d: {  	_ =	swait.ge [sflag:s24], $0x4000  }
0x12e: {  	[sflag:s24] =	ssyncset.done $0x0  }
0x12f: {  	s21 =	rddreg [dreg:$0xd];
	[sflag:s24] =	ssyncadd.s32 $0xFFFFC000  }
0x130: {  	[tilespmem:s31], [sflag:$0x3] =	stream.indirect.gather [hbm4b:s4+s30], $0x80, s21, s30, $0xb8;
	[tilespmem:$0x1F000] =	vst v63  }
0x131: {  	_ =	swait.ge [sflag:s7], $0x4000  }
0x132: {  	[sflag:s7] =	ssyncset.done $0x0  }
0x133: {  	s21 =	rddreg [dreg:$0xe];
	[sflag:s7] =	ssyncadd.s32 $0xFFFFC000  }
0x134: {  	[spmem:s1] =	stream.indirect.scatter.add.f32 [tilespmem:s0], [sflag:$0x5], $0x80, s21, s30, $0xb8;
	[tilespmem:$0x1F000] =	vst v63  }
0x135: {  	_ =	swait.ge [sflag:s24], $0x4000  }
0x136: {  	[sflag:s24] =	ssyncset.done $0x0  }
0x137: {  	s21 =	rddreg [dreg:$0xf];
	[sflag:s24] =	ssyncadd.s32 $0xFFFFC000  }
0x138: {  	[tilespmem:s0], [sflag:$0x4] =	stream.indirect.gather [hbm4b:s4+s30], $0x80, s21, s30, $0xb8;
	[tilespmem:$0x1F000] =	vst v63  }
0x139: {  	_ =	swait.ge [sflag:s2], $0x4000  }
0x13a: {  	[sflag:s2] =	ssyncset.done $0x0  }
0x13b: {  	s21 =	rddreg [dreg:$0x10];
	[sflag:s2] =	ssyncadd.s32 $0xFFFFC000  }
0x13c: {  	[spmem:s1] =	stream.indirect.scatter.add.f32 [tilespmem:s31], [sflag:$0x5], $0x80, s21, s30, $0xb8;
	[tilespmem:$0x1F000] =	vst v63  }
0x13d: {  	_ =	swait.ge [sflag:s24], $0x4000  }
0x13e: {  	[sflag:s24] =	ssyncset.done $0x0  }
0x13f: {  	[sflag:s24] =	ssyncadd.s32 $0xFFFFC000  }
0x140: {  	_ =	swait.ge [sflag:s7], $0x4000  }
0x141: {  	[sflag:s7] =	ssyncset.done $0x0  }
0x142: {  	s22 =	sadd.s32 $0x800, s22;
	s21 =	rddreg [dreg:$0x11];
	[sflag:s7] =	ssyncadd.s32 $0xFFFFC000  }
0x143: {  	[spmem:s1] =	stream.indirect.scatter.add.f32 [tilespmem:s0], [sflag:$0x5], $0x80, s21, s30, $0xb8;
	[tilespmem:$0x1F000] =	vst v63  }
0x144: {  	s19 =	smov.u32 s18;
	p1 =	seq.s32 s16, $0x400;
	_ =	swait.ge [sflag:s24], $0x4000  }
0x145: {  	s16 =	smov.u32 s19;
	s19 =	sshrl.u32 @!p1 s22, $0x3;
	[sflag:s24] =	ssyncset.done $0x0  }
0x146: {  	s20 =	sadd.s32 @!p1 s5, s19;
	s21 =	simm.s32 @!p1 $0x0;
	[sflag:s24] =	ssyncadd.s32 $0xFFFFC000  }
0x147: {  	[tilespmem:s21], [sflag:$0x1] =	stream.linear.gather @!p1 [hbm4b:s20+s21], $0x400, $0x38;
	[tilespmem:$0x1F000] =	vst v63  }
0x148: {  	s19 =	sadd.s32 @!p1 s6, s19;
	s20 =	simm.s32 @!p1 $0x400  }
0x149: {  	[tilespmem:s20], [sflag:$0x1] =	stream.linear.gather @!p1 [hbm4b:s19+s21], $0x400, $0x38;
	[tilespmem:$0x1F000] =	vst v63  }
0x14a: {  	_ =	swait.ge [sflag:s9], $0x400  }
0x14b: {  	[sflag:s9] =	ssyncset.done $0x0  }
0x14c: {  	[sflag:s9] =	ssyncadd.s32 $0xFFFFFC00  }
0x14d: {  	_ =	swait.ge [sflag:s9], $0x400  }
0x14e: {  	[sflag:s9] =	ssyncset.done $0x0  }
0x14f: {  	[sflag:s9] =	ssyncadd.s32 $0xFFFFFC00  }
0x150: {  	[tilespmem:s31], [sflag:$0x3] =	stream.indirect.gather [hbm4b:s4+s30], $0x80, s26, s30, $0xb8;
	[tilespmem:$0x1F000] =	vst v63  }
0x151: {  	s21 =	rddreg [dreg:$0x12]  }
0x152: {  	[tilespmem:s0], [sflag:$0x4] =	stream.indirect.gather [hbm4b:s4+s30], $0x80, s21, s30, $0xb8;
	[tilespmem:$0x1F000] =	vst v63  }
0x153: {  	_ =	swait.ge [sflag:s2], $0x4000  }
0x154: {  	[sflag:s2] =	ssyncset.done $0x0  }
0x155: {  	[sflag:s2] =	ssyncadd.s32 $0xFFFFC000  }
0x156: {  	[spmem:s1] =	stream.indirect.scatter.add.f32 [tilespmem:s31], [sflag:$0x5], $0x80, s28, s30, $0xb8;
	[tilespmem:$0x1F000] =	vst v63  }
0x157: {  	_ =	swait.ge [sflag:s24], $0x4000  }
0x158: {  	[sflag:s24] =	ssyncset.done $0x0  }
0x159: {  	s20 =	rddreg [dreg:$0x13];
	[sflag:s24] =	ssyncadd.s32 $0xFFFFC000  }
0x15a: {  	[tilespmem:s31], [sflag:$0x3] =	stream.indirect.gather [hbm4b:s4+s30], $0x80, s20, s30, $0xb8;
	[tilespmem:$0x1F000] =	vst v63  }
0x15b: {  	_ =	swait.ge [sflag:s7], $0x4000  }
0x15c: {  	[sflag:s7] =	ssyncset.done $0x0  }
0x15d: {  	s21 =	rddreg [dreg:$0x14];
	[sflag:s7] =	ssyncadd.s32 $0xFFFFC000  }
0x15e: {  	[spmem:s1] =	stream.indirect.scatter.add.f32 [tilespmem:s0], [sflag:$0x5], $0x80, s21, s30, $0xb8;
	[tilespmem:$0x1F000] =	vst v63  }
0x15f: {  	_ =	swait.ge [sflag:s24], $0x4000  }
0x160: {  	[sflag:s24] =	ssyncset.done $0x0  }
0x161: {  	s20 =	rddreg [dreg:$0x15];
	[sflag:s24] =	ssyncadd.s32 $0xFFFFC000  }
0x162: {  	[tilespmem:s0], [sflag:$0x4] =	stream.indirect.gather [hbm4b:s4+s30], $0x80, s20, s30, $0xb8;
	[tilespmem:$0x1F000] =	vst v63  }
0x163: {  	_ =	swait.ge [sflag:s2], $0x4000  }
0x164: {  	[sflag:s2] =	ssyncset.done $0x0  }
0x165: {  	s21 =	rddreg [dreg:$0x16];
	[sflag:s2] =	ssyncadd.s32 $0xFFFFC000  }
0x166: {  	[spmem:s1] =	stream.indirect.scatter.add.f32 [tilespmem:s31], [sflag:$0x5], $0x80, s21, s30, $0xb8;
	[tilespmem:$0x1F000] =	vst v63  }
0x167: {  	_ =	swait.ge [sflag:s24], $0x4000  }
0x168: {  	[sflag:s24] =	ssyncset.done $0x0  }
0x169: {  	s20 =	rddreg [dreg:$0x17];
	[sflag:s24] =	ssyncadd.s32 $0xFFFFC000  }
0x16a: {  	[tilespmem:s31], [sflag:$0x3] =	stream.indirect.gather [hbm4b:s4+s30], $0x80, s20, s30, $0xb8;
	[tilespmem:$0x1F000] =	vst v63  }
0x16b: {  	_ =	swait.ge [sflag:s7], $0x4000  }
0x16c: {  	[sflag:s7] =	ssyncset.done $0x0  }
0x16d: {  	s21 =	rddreg [dreg:$0x18];
	[sflag:s7] =	ssyncadd.s32 $0xFFFFC000  }
0x16e: {  	[spmem:s1] =	stream.indirect.scatter.add.f32 [tilespmem:s0], [sflag:$0x5], $0x80, s21, s30, $0xb8;
	[tilespmem:$0x1F000] =	vst v63  }
0x16f: {  	_ =	swait.ge [sflag:s24], $0x4000  }
0x170: {  	[sflag:s24] =	ssyncset.done $0x0  }
0x171: {  	s20 =	rddreg [dreg:$0x19];
	[sflag:s24] =	ssyncadd.s32 $0xFFFFC000  }
0x172: {  	[tilespmem:s0], [sflag:$0x4] =	stream.indirect.gather [hbm4b:s4+s30], $0x80, s20, s30, $0xb8;
	[tilespmem:$0x1F000] =	vst v63  }
0x173: {  	_ =	swait.ge [sflag:s2], $0x4000  }
0x174: {  	[sflag:s2] =	ssyncset.done $0x0  }
0x175: {  	s21 =	rddreg [dreg:$0x1a];
	[sflag:s2] =	ssyncadd.s32 $0xFFFFC000  }
0x176: {  	[spmem:s1] =	stream.indirect.scatter.add.f32 [tilespmem:s31], [sflag:$0x5], $0x80, s21, s30, $0xb8;
	[tilespmem:$0x1F000] =	vst v63  }
0x177: {  	_ =	swait.ge [sflag:s24], $0x4000  }
0x178: {  	[sflag:s24] =	ssyncset.done $0x0  }
0x179: {  	[sflag:s24] =	ssyncadd.s32 $0xFFFFC000  }
0x17a: {  	[tilespmem:s31], [sflag:$0x3] =	stream.indirect.gather [hbm4b:s4+s30], $0x80, s10, s30, $0xb8;
	[tilespmem:$0x1F000] =	vst v63  }
0x17b: {  	_ =	swait.ge [sflag:s7], $0x4000  }
0x17c: {  	[sflag:s7] =	ssyncset.done $0x0  }
0x17d: {  	[sflag:s7] =	ssyncadd.s32 $0xFFFFC000  }
0x17e: {  	[spmem:s1] =	stream.indirect.scatter.add.f32 [tilespmem:s0], [sflag:$0x5], $0x80, s11, s30, $0xb8;
	[tilespmem:$0x1F000] =	vst v63  }
0x17f: {  	_ =	swait.ge [sflag:s24], $0x4000  }
0x180: {  	[sflag:s24] =	ssyncset.done $0x0  }
0x181: {  	[sflag:s24] =	ssyncadd.s32 $0xFFFFC000  }
0x182: {  	[tilespmem:s0], [sflag:$0x4] =	stream.indirect.gather [hbm4b:s4+s30], $0x80, s12, s30, $0xb8;
	[tilespmem:$0x1F000] =	vst v63  }
0x183: {  	_ =	swait.ge [sflag:s2], $0x4000  }
0x184: {  	[sflag:s2] =	ssyncset.done $0x0  }
0x185: {  	[sflag:s2] =	ssyncadd.s32 $0xFFFFC000  }
0x186: {  	[spmem:s1] =	stream.indirect.scatter.add.f32 [tilespmem:s31], [sflag:$0x5], $0x80, s13, s30, $0xb8;
	[tilespmem:$0x1F000] =	vst v63  }
0x187: {  	_ =	swait.ge [sflag:s24], $0x4000  }
0x188: {  	[sflag:s24] =	ssyncset.done $0x0  }
0x189: {  	s18 =	sadd.s32 $0x100, s18;
	[sflag:s24] =	ssyncadd.s32 $0xFFFFC000  }
0x18a: {  	p0 =	sne.s32 s18, $0x500;
	_ =	swait.ge [sflag:s7], $0x4000  }
.Ltmp0:
0x18b: {  	[sflag:s7] =	ssyncset.done $0x0;
	(pc) =	sbr.rel @p0 .LBB2_2-.Ltmp0, $4  }
0x18c: {  	[sflag:s7] =	ssyncadd.s32 $0xFFFFC000  }
0x18d: {  	[spmem:s1] =	stream.indirect.scatter.add.f32 [tilespmem:s0], [sflag:$0x5], $0x80, s14, s30, $0xb8;
	[tilespmem:$0x1F000] =	vst v63  }
0x18e: {  	_ =	swait.ge [sflag:s24], $0x4000  }
0x18f: {  	s20 =	rddreg [dreg:$0x4];
	[sflag:s24] =	ssyncset.done $0x0  }
0x190: {  	s18 =	rddreg [dreg:$0x3];
	[sflag:s24] =	ssyncadd.s32 $0xFFFFC000;
	s19 =	sadd.s32 s16, s20  }
0x191: {  	[tilespmem:s26], [sflag:$0x2] =	stream.linear.gather [hbm4b:s19+s3], $0x400, $0x38;
	[tilespmem:$0x1F000] =	vst v63  }
0x192: {  	s18 =	sadd.s32 s16, s18  }
0x193: {  	[tilespmem:s28], [sflag:$0x2] =	stream.linear.gather [hbm4b:s18+s3], $0x400, $0x38;
	[tilespmem:$0x1F000] =	vst v63  }
0x194: {  	_ =	swait.ge [sflag:s29], $0x400  }
0x195: {  	[sflag:s29] =	ssyncset.done $0x0  }
0x196: {  	[sflag:s29] =	ssyncadd.s32 $0xFFFFFC00  }
0x197: {  	_ =	swait.ge [sflag:s29], $0x400  }
0x198: {  	[sflag:s29] =	ssyncset.done $0x0  }
0x199: {  	[sflag:s29] =	ssyncadd.s32 $0xFFFFFC00  }
0x19a: {  	[tilespmem:s31], [sflag:$0x3] =	stream.indirect.gather [hbm4b:s4+s30], $0x80, s3, s30, $0xb8;
	[tilespmem:$0x1F000] =	vst v63  }
0x19b: {  	_ = 	snop  }
0x19c: {  	[tilespmem:s0], [sflag:$0x4] =	stream.indirect.gather [hbm4b:s4+s30], $0x80, s30, s30, $0xb8;
	[tilespmem:$0x1F000] =	vst v63  }
0x19d: {  	_ =	swait.ge [sflag:s2], $0x4000  }
0x19e: {  	[sflag:s2] =	ssyncset.done $0x0  }
0x19f: {  	[sflag:s2] =	ssyncadd.s32 $0xFFFFC000  }
0x1a0: {  	[spmem:s1] =	stream.indirect.scatter.add.f32 [tilespmem:s31], [sflag:$0x5], $0x80, s25, s30, $0xb8;
	[tilespmem:$0x1F000] =	vst v63  }
0x1a1: {  	_ =	swait.ge [sflag:s24], $0x4000  }
0x1a2: {  	[sflag:s24] =	ssyncset.done $0x0  }
0x1a3: {  	s19 =	rddreg [dreg:$0x5];
	[sflag:s24] =	ssyncadd.s32 $0xFFFFC000  }
0x1a4: {  	[tilespmem:s31], [sflag:$0x3] =	stream.indirect.gather [hbm4b:s4+s30], $0x80, s19, s30, $0xb8;
	[tilespmem:$0x1F000] =	vst v63  }
0x1a5: {  	_ =	swait.ge [sflag:s7], $0x4000  }
0x1a6: {  	[sflag:s7] =	ssyncset.done $0x0  }
0x1a7: {  	s20 =	rddreg [dreg:$0x6];
	[sflag:s7] =	ssyncadd.s32 $0xFFFFC000  }
0x1a8: {  	[spmem:s1] =	stream.indirect.scatter.add.f32 [tilespmem:s0], [sflag:$0x5], $0x80, s20, s30, $0xb8;
	[tilespmem:$0x1F000] =	vst v63  }
0x1a9: {  	_ =	swait.ge [sflag:s24], $0x4000  }
0x1aa: {  	[sflag:s24] =	ssyncset.done $0x0  }
0x1ab: {  	s21 =	rddreg [dreg:$0x7];
	[sflag:s24] =	ssyncadd.s32 $0xFFFFC000  }
0x1ac: {  	[tilespmem:s0], [sflag:$0x4] =	stream.indirect.gather [hbm4b:s4+s30], $0x80, s21, s30, $0xb8;
	[tilespmem:$0x1F000] =	vst v63  }
0x1ad: {  	_ =	swait.ge [sflag:s2], $0x4000  }
0x1ae: {  	[sflag:s2] =	ssyncset.done $0x0  }
0x1af: {  	s19 =	rddreg [dreg:$0x8];
	[sflag:s2] =	ssyncadd.s32 $0xFFFFC000  }
0x1b0: {  	[spmem:s1] =	stream.indirect.scatter.add.f32 [tilespmem:s31], [sflag:$0x5], $0x80, s19, s30, $0xb8;
	[tilespmem:$0x1F000] =	vst v63  }
0x1b1: {  	_ =	swait.ge [sflag:s24], $0x4000  }
0x1b2: {  	[sflag:s24] =	ssyncset.done $0x0  }
0x1b3: {  	s20 =	rddreg [dreg:$0x9];
	[sflag:s24] =	ssyncadd.s32 $0xFFFFC000  }
0x1b4: {  	[tilespmem:s31], [sflag:$0x3] =	stream.indirect.gather [hbm4b:s4+s30], $0x80, s20, s30, $0xb8;
	[tilespmem:$0x1F000] =	vst v63  }
0x1b5: {  	_ =	swait.ge [sflag:s7], $0x4000  }
0x1b6: {  	[sflag:s7] =	ssyncset.done $0x0  }
0x1b7: {  	s21 =	rddreg [dreg:$0xa];
	[sflag:s7] =	ssyncadd.s32 $0xFFFFC000  }
0x1b8: {  	[spmem:s1] =	stream.indirect.scatter.add.f32 [tilespmem:s0], [sflag:$0x5], $0x80, s21, s30, $0xb8;
	[tilespmem:$0x1F000] =	vst v63  }
0x1b9: {  	_ =	swait.ge [sflag:s24], $0x4000  }
0x1ba: {  	[sflag:s24] =	ssyncset.done $0x0  }
0x1bb: {  	s19 =	rddreg [dreg:$0xb];
	[sflag:s24] =	ssyncadd.s32 $0xFFFFC000  }
0x1bc: {  	[tilespmem:s0], [sflag:$0x4] =	stream.indirect.gather [hbm4b:s4+s30], $0x80, s19, s30, $0xb8;
	[tilespmem:$0x1F000] =	vst v63  }
0x1bd: {  	_ =	swait.ge [sflag:s2], $0x4000  }
0x1be: {  	[sflag:s2] =	ssyncset.done $0x0  }
0x1bf: {  	s20 =	rddreg [dreg:$0xc];
	[sflag:s2] =	ssyncadd.s32 $0xFFFFC000  }
0x1c0: {  	[spmem:s1] =	stream.indirect.scatter.add.f32 [tilespmem:s31], [sflag:$0x5], $0x80, s20, s30, $0xb8;
	[tilespmem:$0x1F000] =	vst v63  }
0x1c1: {  	_ =	swait.ge [sflag:s24], $0x4000  }
0x1c2: {  	[sflag:s24] =	ssyncset.done $0x0  }
0x1c3: {  	s21 =	rddreg [dreg:$0xd];
	[sflag:s24] =	ssyncadd.s32 $0xFFFFC000  }
0x1c4: {  	[tilespmem:s31], [sflag:$0x3] =	stream.indirect.gather [hbm4b:s4+s30], $0x80, s21, s30, $0xb8;
	[tilespmem:$0x1F000] =	vst v63  }
0x1c5: {  	_ =	swait.ge [sflag:s7], $0x4000  }
0x1c6: {  	[sflag:s7] =	ssyncset.done $0x0  }
0x1c7: {  	s19 =	rddreg [dreg:$0xe];
	[sflag:s7] =	ssyncadd.s32 $0xFFFFC000  }
0x1c8: {  	[spmem:s1] =	stream.indirect.scatter.add.f32 [tilespmem:s0], [sflag:$0x5], $0x80, s19, s30, $0xb8;
	[tilespmem:$0x1F000] =	vst v63  }
0x1c9: {  	_ =	swait.ge [sflag:s24], $0x4000  }
0x1ca: {  	[sflag:s24] =	ssyncset.done $0x0  }
0x1cb: {  	s20 =	rddreg [dreg:$0xf];
	[sflag:s24] =	ssyncadd.s32 $0xFFFFC000  }
0x1cc: {  	[tilespmem:s0], [sflag:$0x4] =	stream.indirect.gather [hbm4b:s4+s30], $0x80, s20, s30, $0xb8;
	[tilespmem:$0x1F000] =	vst v63  }
0x1cd: {  	_ =	swait.ge [sflag:s2], $0x4000  }
0x1ce: {  	[sflag:s2] =	ssyncset.done $0x0  }
0x1cf: {  	s21 =	rddreg [dreg:$0x10];
	[sflag:s2] =	ssyncadd.s32 $0xFFFFC000  }
0x1d0: {  	[spmem:s1] =	stream.indirect.scatter.add.f32 [tilespmem:s31], [sflag:$0x5], $0x80, s21, s30, $0xb8;
	[tilespmem:$0x1F000] =	vst v63  }
0x1d1: {  	_ =	swait.ge [sflag:s24], $0x4000  }
0x1d2: {  	[sflag:s24] =	ssyncset.done $0x0  }
0x1d3: {  	[sflag:s24] =	ssyncadd.s32 $0xFFFFC000  }
0x1d4: {  	_ =	swait.ge [sflag:s7], $0x4000  }
0x1d5: {  	[sflag:s7] =	ssyncset.done $0x0  }
0x1d6: {  	s19 =	rddreg [dreg:$0x11];
	[sflag:s7] =	ssyncadd.s32 $0xFFFFC000  }
0x1d7: {  	[spmem:s1] =	stream.indirect.scatter.add.f32 [tilespmem:s0], [sflag:$0x5], $0x80, s19, s30, $0xb8;
	[tilespmem:$0x1F000] =	vst v63  }
0x1d8: {  	p0 =	seq.s32 s16, $0x400;
	s18 =	sadd.s32 $0x800, s22;
	_ =	swait.ge [sflag:s24], $0x4000  }
0x1d9: {  	s16 =	sshrl.u32 @!p0 s18, $0x3;
	[sflag:s24] =	ssyncset.done $0x0  }
0x1da: {  	s18 =	sadd.s32 @!p0 s5, s16;
	s19 =	simm.s32 @!p0 $0x0;
	[sflag:s24] =	ssyncadd.s32 $0xFFFFC000  }
0x1db: {  	[tilespmem:s19], [sflag:$0x1] =	stream.linear.gather @!p0 [hbm4b:s18+s19], $0x400, $0x38;
	[tilespmem:$0x1F000] =	vst v63  }
0x1dc: {  	s16 =	sadd.s32 @!p0 s6, s16;
	s18 =	simm.s32 @!p0 $0x400  }
0x1dd: {  	[tilespmem:s18], [sflag:$0x1] =	stream.linear.gather @!p0 [hbm4b:s16+s19], $0x400, $0x38;
	[tilespmem:$0x1F000] =	vst v63  }
0x1de: {  	_ =	swait.ge [sflag:s9], $0x400  }
0x1df: {  	[sflag:s9] =	ssyncset.done $0x0  }
0x1e0: {  	[sflag:s9] =	ssyncadd.s32 $0xFFFFFC00  }
0x1e1: {  	_ =	swait.ge [sflag:s9], $0x400  }
0x1e2: {  	[sflag:s9] =	ssyncset.done $0x0  }
0x1e3: {  	[sflag:s9] =	ssyncadd.s32 $0xFFFFFC00  }
0x1e4: {  	[tilespmem:s31], [sflag:$0x3] =	stream.indirect.gather [hbm4b:s4+s30], $0x80, s26, s30, $0xb8;
	[tilespmem:$0x1F000] =	vst v63  }
0x1e5: {  	s20 =	rddreg [dreg:$0x12]  }
0x1e6: {  	[tilespmem:s0], [sflag:$0x4] =	stream.indirect.gather [hbm4b:s4+s30], $0x80, s20, s30, $0xb8;
	[tilespmem:$0x1F000] =	vst v63  }
0x1e7: {  	_ =	swait.ge [sflag:s2], $0x4000  }
0x1e8: {  	[sflag:s2] =	ssyncset.done $0x0  }
0x1e9: {  	[sflag:s2] =	ssyncadd.s32 $0xFFFFC000  }
0x1ea: {  	[spmem:s1] =	stream.indirect.scatter.add.f32 [tilespmem:s31], [sflag:$0x5], $0x80, s28, s30, $0xb8;
	[tilespmem:$0x1F000] =	vst v63  }
0x1eb: {  	_ =	swait.ge [sflag:s24], $0x4000  }
0x1ec: {  	[sflag:s24] =	ssyncset.done $0x0  }
0x1ed: {  	s21 =	rddreg [dreg:$0x13];
	[sflag:s24] =	ssyncadd.s32 $0xFFFFC000  }
0x1ee: {  	[tilespmem:s31], [sflag:$0x3] =	stream.indirect.gather [hbm4b:s4+s30], $0x80, s21, s30, $0xb8;
	[tilespmem:$0x1F000] =	vst v63  }
0x1ef: {  	_ =	swait.ge [sflag:s7], $0x4000  }
0x1f0: {  	[sflag:s7] =	ssyncset.done $0x0  }
0x1f1: {  	s22 =	rddreg [dreg:$0x14];
	[sflag:s7] =	ssyncadd.s32 $0xFFFFC000  }
0x1f2: {  	[spmem:s1] =	stream.indirect.scatter.add.f32 [tilespmem:s0], [sflag:$0x5], $0x80, s22, s30, $0xb8;
	[tilespmem:$0x1F000] =	vst v63  }
0x1f3: {  	_ =	swait.ge [sflag:s24], $0x4000  }
0x1f4: {  	[sflag:s24] =	ssyncset.done $0x0  }
0x1f5: {  	s18 =	rddreg [dreg:$0x15];
	[sflag:s24] =	ssyncadd.s32 $0xFFFFC000  }
0x1f6: {  	[tilespmem:s0], [sflag:$0x4] =	stream.indirect.gather [hbm4b:s4+s30], $0x80, s18, s30, $0xb8;
	[tilespmem:$0x1F000] =	vst v63  }
0x1f7: {  	_ =	swait.ge [sflag:s2], $0x4000  }
0x1f8: {  	[sflag:s2] =	ssyncset.done $0x0  }
0x1f9: {  	s19 =	rddreg [dreg:$0x16];
	[sflag:s2] =	ssyncadd.s32 $0xFFFFC000  }
0x1fa: {  	[spmem:s1] =	stream.indirect.scatter.add.f32 [tilespmem:s31], [sflag:$0x5], $0x80, s19, s30, $0xb8;
	[tilespmem:$0x1F000] =	vst v63  }
0x1fb: {  	_ =	swait.ge [sflag:s24], $0x4000  }
0x1fc: {  	[sflag:s24] =	ssyncset.done $0x0  }
0x1fd: {  	s20 =	rddreg [dreg:$0x17];
	[sflag:s24] =	ssyncadd.s32 $0xFFFFC000  }
0x1fe: {  	[tilespmem:s31], [sflag:$0x3] =	stream.indirect.gather [hbm4b:s4+s30], $0x80, s20, s30, $0xb8;
	[tilespmem:$0x1F000] =	vst v63  }
0x1ff: {  	_ =	swait.ge [sflag:s7], $0x4000  }
0x200: {  	[sflag:s7] =	ssyncset.done $0x0  }
0x201: {  	s21 =	rddreg [dreg:$0x18];
	[sflag:s7] =	ssyncadd.s32 $0xFFFFC000  }
0x202: {  	[spmem:s1] =	stream.indirect.scatter.add.f32 [tilespmem:s0], [sflag:$0x5], $0x80, s21, s30, $0xb8;
	[tilespmem:$0x1F000] =	vst v63  }
0x203: {  	_ =	swait.ge [sflag:s24], $0x4000  }
0x204: {  	[sflag:s24] =	ssyncset.done $0x0  }
0x205: {  	s22 =	rddreg [dreg:$0x19];
	[sflag:s24] =	ssyncadd.s32 $0xFFFFC000  }
0x206: {  	[tilespmem:s0], [sflag:$0x4] =	stream.indirect.gather [hbm4b:s4+s30], $0x80, s22, s30, $0xb8;
	[tilespmem:$0x1F000] =	vst v63  }
0x207: {  	_ =	swait.ge [sflag:s2], $0x4000  }
0x208: {  	[sflag:s2] =	ssyncset.done $0x0  }
0x209: {  	s18 =	rddreg [dreg:$0x1a];
	[sflag:s2] =	ssyncadd.s32 $0xFFFFC000  }
0x20a: {  	[spmem:s1] =	stream.indirect.scatter.add.f32 [tilespmem:s31], [sflag:$0x5], $0x80, s18, s30, $0xb8;
	[tilespmem:$0x1F000] =	vst v63  }
0x20b: {  	_ =	swait.ge [sflag:s24], $0x4000  }
0x20c: {  	[sflag:s24] =	ssyncset.done $0x0  }
0x20d: {  	[sflag:s24] =	ssyncadd.s32 $0xFFFFC000  }
0x20e: {  	[tilespmem:s31], [sflag:$0x3] =	stream.indirect.gather [hbm4b:s4+s30], $0x80, s10, s30, $0xb8;
	[tilespmem:$0x1F000] =	vst v63  }
0x20f: {  	_ =	swait.ge [sflag:s7], $0x4000  }
0x210: {  	[sflag:s7] =	ssyncset.done $0x0  }
0x211: {  	[sflag:s7] =	ssyncadd.s32 $0xFFFFC000  }
0x212: {  	[spmem:s1] =	stream.indirect.scatter.add.f32 [tilespmem:s0], [sflag:$0x5], $0x80, s11, s30, $0xb8;
	[tilespmem:$0x1F000] =	vst v63  }
0x213: {  	_ =	swait.ge [sflag:s24], $0x4000  }
0x214: {  	[sflag:s24] =	ssyncset.done $0x0  }
0x215: {  	[sflag:s24] =	ssyncadd.s32 $0xFFFFC000  }
0x216: {  	[tilespmem:s0], [sflag:$0x4] =	stream.indirect.gather [hbm4b:s4+s30], $0x80, s12, s30, $0xb8;
	[tilespmem:$0x1F000] =	vst v63  }
0x217: {  	_ =	swait.ge [sflag:s2], $0x4000  }
0x218: {  	[sflag:s2] =	ssyncset.done $0x0  }
0x219: {  	[sflag:s2] =	ssyncadd.s32 $0xFFFFC000  }
0x21a: {  	[spmem:s1] =	stream.indirect.scatter.add.f32 [tilespmem:s31], [sflag:$0x5], $0x80, s13, s30, $0xb8;
	[tilespmem:$0x1F000] =	vst v63  }
0x21b: {  	_ =	swait.ge [sflag:s24], $0x4000  }
0x21c: {  	[sflag:s24] =	ssyncset.done $0x0  }
0x21d: {  	[sflag:s24] =	ssyncadd.s32 $0xFFFFC000  }
0x21e: {  	_ =	swait.ge [sflag:s7], $0x4000  }
0x21f: {  	[sflag:s7] =	ssyncset.done $0x0  }
0x220: {  	[sflag:s7] =	ssyncadd.s32 $0xFFFFC000  }
0x221: {  	[spmem:s1] =	stream.indirect.scatter.add.f32 [tilespmem:s0], [sflag:$0x5], $0x80, s14, s30, $0xb8;
	[tilespmem:$0x1F000] =	vst v63  }
0x222: {  	_ =	swait.ge [sflag:s24], $0x4000  }
0x223: {  	[sflag:s24] =	ssyncset.done $0x0  }
0x224: {  	s19 =	stileid.u32;
	[sflag:s24] =	ssyncadd.s32 $0xFFFFC000  }
0x225: {  	s16 =	sshll.u32 s19, $0x6;
	[bflag:$0x0] =	sbarrier.arrive $0xFFFF  }
0x226: {  	s16 =	sor.u32 $0x1C05, s16;
	s20 =	sshrl.u32 s8, $0x3;
	s21 =	rddreg [dreg:$0x1e]  }
0x227: {  	[hbm:s21], [sflag:s16] =	dma.local [spmem:s20], $0x2800  }
0x228: {  	_ =	swait.ge [sflag:s24], $0x2800  }
0x229: {  	s15 =	sadd.s32 $0x1, s15;
	s22 =	rddreg [dreg:$0x1f]  }
0x22a: {  	p0 =	sne.s32 s15, s22  }
.Ltmp1:
0x22b: {  	_ = 	snop;
	(pc) =	sbr.rel @p0 .LBB2_1-.Ltmp1, $3  }
0x22c: {  	_ =	sdelay $0x1  }
0x22d: {  	[sflag:s24] =	ssyncset.done $0x0  }
0x22e: {  	[sflag:s24] =	ssyncadd.s32 $0xFFFFD800  }
0x22f: {  	_ =	sfence.sel $0x180000  }
0x230: {  	[bflag:$0x0] =	sbarrier.arrive $0xFFFF  }
0x231: {  	_ =	strace $0x9000004D  }
0x232: {  	s0 =	stileid.u32;
	[bflag:$0x2] =	sbarrier.arrive $0xFFFF  }
0x233: {  	p0 =	sne.s32 s0, $0x0;
	s0 =	rddreg [dreg:$0x2]  }
0x234: {  	s0 =	sadd.s32 @!p0 $0x100000, s0  }
0x235: {  	[sflag:s0] =	ssyncadd.tile.s32 @!p0 $0x1;
	_ =	shalt  }
.Lfunc_end2:
_tile_overlayer_lowered:
.L_overlay_start_2:
0x236: {  	(tag) =	ssettag $0x2  }
0x237: {  	s0 =	rddreg [dreg:$0x0];
	s2 =	stileid.u32  }
0x238: {  	s1 =	rddreg [dreg:$0x1];
	p0 =	sne.s32 s2, $0x0  }
0x239: {  	s3 =	rddreg [dreg:$0x2];
	[bflag:$0x3] =	sbarrier.arrive $0xFFFF;
	s2 =	simm.s32 @!p0 $0x1C05  }
0x23a: {  	[timem:s3], [sflag:s2] =	dma.local @!p0 [hbm:s0], s1  }
0x23b: {  	s0 =	simm.s32 @!p0 $0x5  }
0x23c: {  	_ =	swait.ge @!p0 [sflag:s0], s1  }
0x23d: {  	s1 =	ssub.s32 @!p0 $0x0, s1;
	[sflag:s0] =	ssyncset.done @!p0 $0x0  }
0x23e: {  	[sflag:s0] =	ssyncadd.s32 @!p0 s1  }
0x23f: {  	[bflag:$0x3] =	sbarrier.arrive $0xFFFF  }
0x240: {  	_ =	shalt  }

// kernel: kernel.8.cloned.1.call-start
scs
__scs_entry_jumppad:
0x0: {  	(pc) =	sbr.rel $0x88, $3  }
0x1: {  	(tag) =	ssettag $0x0;
	lr =	simm.s32 $0x1  }
0x2: {  	[smem:$0x3F98] =	sst lr;
	_ =	strace $0xD0000000  }
0x3: {  	_ = 	snop  }
0x4: {  	_ = 	snop  }
0x5: {  	_ = 	snop  }
0x6: {  	_ = 	snop  }
0x7: {  	_ = 	snop  }
__scs_overlays_trampoline_lowered:
0x8: {  	[smem:$0x3FA7] =	sst s0  }
0x9: {  	[smem:$0x3FA8] =	sst s1  }
0xa: {  	[smem:$0x3FA9] =	sst s2  }
0xb: {  	[smem:$0x3FAA] =	sst s3  }
0xc: {  	[smem:$0x3FAB] =	sst s4  }
0xd: {  	[smem:$0x3FAC] =	sst s5  }
0xe: {  	[smem:$0x3FAD] =	sst s6  }
0xf: {  	[smem:$0x3FAE] =	sst s7  }
0x10: {  	[smem:$0x3FAF] =	sst s8  }
0x11: {  	[smem:$0x3FB0] =	sst s9;
	s0 =	simm.s32 @!p0 $0x0  }
0x12: {  	s1 =	sld [smem:$0x3F96];
	s0 =	simm.s32 @p0 $0x1  }
0x13: {  	[smem:$0x3FB1] =	sst s0;
	s0 =	simm.s32 @!p1 $0x0  }
0x14: {  	s2 =	sld [smem:$0x3F95];
	s0 =	simm.s32 @p1 $0x1  }
0x15: {  	[smem:$0x3FB2] =	sst s0;
	s0 =	simm.s32 @!p2 $0x0  }
0x16: {  	s3 =	sld [smem:$0x3FDB];
	s0 =	simm.s32 @p2 $0x1  }
0x17: {  	s4 =	simm.s32 $0x1BF5;
	[smem:$0x3FB4] =	sst s0  }
0x18: {  	s0 =	sld [smem:$0x3F97];
	_ =	swait.ge [sflag:s4], $0x0  }
0x19: {  	s7 =	sld [smem:$0x3F98]  }
0x1a: {  	s8 =	sadd.s32 $0xFFFFE003, lr  }
0x1b: {  	s9 =	sadd.s32 $0xFFFFFEF7, lr;
	s5 =	simm.s32 $0xFFFFFFFF;
	p2 =	slt.u32 s8, $0xFFFFF086  }
0x1c: {  	p1 =	slt.u32 s9, $0xF7A;
	s5 =	simm.s32 @!p2 $0x0  }
0x1d: {  	s5 =	simm.s32 @p1 $0x1;
	p0 =	seq.s32 s7, s2  }
0x1e: {  	s7 =	smul.u32 @!p0 $0xF7A, s2;
	p2 =	seq.s32 @!p0 s5, $0x0  }
0x1f: {  	s9 =	smul.u32 $0xF7A, s1;
	s8 =	simm.s32 @!p0 $0x1BF5;
	p2 =	por !p2, p0  }
0x20: {  	[sflag:s8] =	ssyncset.s32 @!p0 $0xFFFFF086;
	s6 =	sadd.s32 @!p0 s3, s7;
	s7 =	simm.s32 @!p0 $0x108  }
0x21: {  	s3 =	sadd.s32 s3, s9;
	s6 =	sadd.s32 @!p0 $0x88, s6;
	s7 =	simm.s32 @p2 $0x1082  }
0x22: {  	[simem:s7], [sflag:s8] =	dma.local @!p0 [hbm:s6], $0xF7A  }
0x23: {  	s9 =	sor.u32 $0xD0000000, s2;
	s6 =	simm.s32 $0x108;
	_ =	swait.ge @!p0 [sflag:s8], $0x0  }
0x24: {  	s3 =	sadd.s32 $0x88, s3;
	s6 =	simm.s32 @!p1 $0x1082;
	[sflag:s4] =	ssyncset.s32 $0xFFFFF086  }
0x25: {  	[simem:s6], [sflag:s4] =	dma.local [hbm:s3], $0xF7A  }
0x26: {  	[smem:$0x3F98] =	sst s1;
	(tag) =	ssettag s2;
	_ =	strace s9  }
0x27: {  	s1 =	sld [smem:$0x3FA8]  }
0x28: {  	s2 =	sld [smem:$0x3FA9]  }
0x29: {  	s4 =	sld [smem:$0x3FAB]  }
0x2a: {  	p0 =	seq.s32 s5, $0x0;
	s5 =	sld [smem:$0x3FAC]  }
0x2b: {  	s6 =	sld [smem:$0x3FAD]  }
0x2c: {  	s7 =	sld [smem:$0x3FAE]  }
0x2d: {  	s3 =	simm.s32 $0x108;
	s8 =	sld [smem:$0x3FAF]  }
0x2e: {  	s3 =	simm.s32 @!p0 $0x1082;
	s9 =	sld [smem:$0x3FB0]  }
0x2f: {  	lr =	sadd.s32 s0, s3;
	s0 =	sld [smem:$0x3FA7]  }
0x30: {  	s3 =	sld [smem:$0x3FAA]  }
0x31: {  	[smem:$0x3FB3] =	sst s10  }
0x32: {  	s10 =	sld [smem:$0x3FB1];
	_ =	sdelay $0x3  }
0x33: {  	p0 =	seq.s32 s10, $0x1;
	s10 =	sld [smem:$0x3FB3];
	_ =	sdelay $0x3  }
0x34: {  	[smem:$0x3FB3] =	sst s10  }
0x35: {  	s10 =	sld [smem:$0x3FB2];
	_ =	sdelay $0x3  }
0x36: {  	p1 =	seq.s32 s10, $0x1;
	s10 =	sld [smem:$0x3FB3];
	_ =	sdelay $0x3  }
0x37: {  	[smem:$0x3FB3] =	sst s10  }
0x38: {  	s10 =	sld [smem:$0x3FB4]  }
0x39: {  	_ = 	snop;
	(pc) =	sbr.ind lr, $3  }
0x3a: {  	_ = 	snop  }
0x3b: {  	_ = 	snop  }
0x3c: {  	p2 =	seq.s32 s10, $0x1;
	s10 =	sld [smem:$0x3FB3]  }
0x3d: {  	_ =	shalt  }
0x3e: {  	_ =	shalt  }
0x3f: {  	_ =	shalt  }
0x40: {  	_ =	shalt  }
0x41: {  	_ =	shalt  }
0x42: {  	_ =	shalt  }
0x43: {  	_ =	shalt  }
0x44: {  	_ =	shalt  }
0x45: {  	_ =	shalt  }
0x46: {  	_ =	shalt  }
0x47: {  	_ =	shalt  }
0x48: {  	_ =	shalt  }
0x49: {  	_ =	shalt  }
0x4a: {  	_ =	shalt  }
0x4b: {  	_ =	shalt  }
0x4c: {  	_ =	shalt  }
0x4d: {  	_ =	shalt  }
0x4e: {  	_ =	shalt  }
0x4f: {  	_ =	shalt  }
0x50: {  	_ =	shalt  }
0x51: {  	_ =	shalt  }
0x52: {  	_ =	shalt  }
0x53: {  	_ =	shalt  }
0x54: {  	_ =	shalt  }
0x55: {  	_ =	shalt  }
0x56: {  	_ =	shalt  }
0x57: {  	_ =	shalt  }
0x58: {  	_ =	shalt  }
0x59: {  	_ =	shalt  }
0x5a: {  	_ =	shalt  }
0x5b: {  	_ =	shalt  }
0x5c: {  	_ =	shalt  }
0x5d: {  	_ =	shalt  }
0x5e: {  	_ =	shalt  }
0x5f: {  	_ =	shalt  }
0x60: {  	_ =	shalt  }
0x61: {  	_ =	shalt  }
0x62: {  	_ =	shalt  }
0x63: {  	_ =	shalt  }
0x64: {  	_ =	shalt  }
0x65: {  	_ =	shalt  }
0x66: {  	_ =	shalt  }
0x67: {  	_ =	shalt  }
0x68: {  	_ =	shalt  }
0x69: {  	_ =	shalt  }
0x6a: {  	_ =	shalt  }
0x6b: {  	_ =	shalt  }
0x6c: {  	_ =	shalt  }
0x6d: {  	_ =	shalt  }
0x6e: {  	_ =	shalt  }
0x6f: {  	_ =	shalt  }
0x70: {  	_ =	shalt  }
0x71: {  	_ =	shalt  }
0x72: {  	_ =	shalt  }
0x73: {  	_ =	shalt  }
0x74: {  	_ =	shalt  }
0x75: {  	_ =	shalt  }
0x76: {  	_ =	shalt  }
0x77: {  	_ =	shalt  }
0x78: {  	_ =	shalt  }
0x79: {  	_ =	shalt  }
0x7a: {  	_ =	shalt  }
0x7b: {  	_ =	shalt  }
0x7c: {  	_ =	shalt  }
0x7d: {  	_ =	shalt  }
0x7e: {  	_ =	shalt  }
0x7f: {  	_ =	shalt  }
0x80: {  	_ =	shalt  }
0x81: {  	_ =	shalt  }
0x82: {  	_ =	shalt  }
0x83: {  	_ =	shalt  }
0x84: {  	_ =	shalt  }
0x85: {  	_ =	shalt  }
0x86: {  	_ =	shalt  }
0x87: {  	_ =	shalt  }
.Lfunc_end0:
.L_simem_size_0:
called_computation_lowered:
.L_overlay_start_0:
0x88: {  	s2 =	sld [smem:$0x3FD9]  }
0x89: {  	s3 =	sld [smem:$0x3FFE];
	_ =	sdelay $0x1  }
0x8a: {  	s1 =	srdreg.scid  }
0x8b: {  	s0 =	sand.u32 $0x1, s1  }
0x8c: {  	s16 =	sshll.u32 s0, $0xA;
	s2 =	sadd.s32 s3, s2  }
0x8d: {  	s2 =	sadd.s32 s2, s16  }
0x8e: {  	[smem:$0x3FBF] =	sst s2  }
0x8f: {  	_ = 	snop  }
0x90: {  	(tm) =	ssettm $0x1  }
0x91: {  	s17 =	sld [smem:$0x3FFB];
	_ =	sdelay $0x3  }
0x92: {  	_ =	strace s17  }
0x93: {  	s2 =	sld [smem:$0x3FFC];
	_ =	sdelay $0x3  }
0x94: {  	_ =	strace s2  }
0x95: {  	s2 =	sld [smem:$0x3FFD];
	_ =	sdelay $0x3  }
0x96: {  	_ =	strace s2  }
0x97: {  	_ =	strace $0x8FFFFFFF  }
0x98: {  	s18 =	sld [smem:$0x3FDB];
	_ =	sdelay $0x1  }
0x99: {  	s19 =	simm.s32 $_scs_section_size  }
0x9a: {  	s4 =	simm.s32 $_size__tile_overlayer_lowered;
	s5 =	simm.s32 $_tile_overlayer_lowered  }
0x9b: {  	s22 =	simm.s32 $0x1BFF;
	s21 =	sshll.u32 s5, $0x1;
	s2 =	sadd.s32 s19, s18  }
0x9c: {  	s6 =	simm.s32 $0x0;
	s20 =	sshll.u32 s4, $0x1;
	s4 =	sadd.s32 s21, s2  }
0x9d: {  	[timem:s6], [sflag:s22] =	dma.local [hbm:s4], s20  }
0x9e: {  	_ =	swait.ge [sflag:s22], s20  }
0x9f: {  	s3 =	ssub.s32 $0x0, s20;
	[sflag:s22] =	ssyncset.done $0x0  }
0xa0: {  	[sflag:s22] =	ssyncadd.s32 s3;
	_ =	sdelay $0x1  }
0xa1: {  	s23 =	simm.s32 $0x1B8B  }
0xa2: {  	_ =	swait.ge [sflag:s23], $0x1  }
0xa3: {  	[sflag:s23] =	ssyncset.done $0x0  }
0xa4: {  	s25 =	simm.s32 $0x1B8E;
	s24 =	sld [smem:$0x3FFE];
	[sflag:s23] =	ssyncadd.s32 $0xFFFFFFFF  }
0xa5: {  	s26 =	simm.s32 $execute0_lowered;
	[smem:$0x3FD2] =	sst s25  }
0xa6: {  	s4 =	sshll.u32 s26, $0x1;
	_ =	strace $0x80000046;
	[dreg:$0x1] =	wrdreg $0xFFFFFFFF  }
0xa7: {  	s28 =	simm.s32 $_size_execute0_lowered;
	s2 =	sadd.s32 s2, s4;
	[dreg:$0x0] =	wrdreg $0x0  }
0xa8: {  	s4 =	sshll.u32 s28, $0x1;
	[dreg:$0x2] =	wrdreg s2  }
0xa9: {  	[dreg:$0x3] =	wrdreg s4  }
0xaa: {  	[dreg:$0x4] =	wrdreg $0xC0  }
0xab: {  	_ =	task [dreg:s6], $0x5FFFF  }
0xac: {  	[dreg:$0x1] =	wrdreg $0xFFFFFFFF  }
0xad: {  	[dreg:$0x0] =	wrdreg $0x60  }
0xae: {  	[dreg:$0x2] =	wrdreg s24  }
0xaf: {  	[dreg:$0x3] =	wrdreg $0x68000  }
0xb0: {  	[dreg:$0x4] =	wrdreg $0x9  }
0xb1: {  	_ =	task.clear_ibuf [dreg:s6], $0x5FFFF;
	_ =	strace $0x90000046  }
0xb2: {  	s29 =	simm.s32 $0x9;
	_ =	strace $0x80000048  }
0xb3: {  	_ =	swait.ge [sflag:s29], $0x1  }
0xb4: {  	[sflag:s29] =	ssyncadd.s32 $0xFFFFFFFF  }
0xb5: {  	_ =	strace $0x90000048  }
0xb6: {  	_ =	sfence  }
0xb7: {  	s30 =	sld [smem:$0x0];
	_ =	sdelay $0x2  }
0xb8: {  	s31 =	sshll.u32 s1, $0xD;
	s1 =	sshrl.u32 s1, $0x2  }
0xb9: {  	s3 =	sand.u32 $0x4000, s31;
	s1 =	sadd.s32 s1, s30  }
0xba: {  	s0 =	sor.u32 s3, s0;
	s1 =	sshll.u32 s1, $0x11  }
0xbb: {  	s0 =	sor.u32 s1, s0  }
0xbc: {  	s0 =	sadd.s32 $0x8F2B, s0  }
0xbd: {  	[sflag:s0] =	ssyncadd.remote.s32 $0x1  }
0xbe: {  	_ =	sfence.sel $0xFFFF  }
0xbf: {  	[dreg:$0x0] =	wrdreg $0xFFFFFFFF;
	(pc) =	sbr.abs _section_cstart, $3  }
0xc0: {  	[dreg:$0x1] =	wrdreg $0xFFFFFFFF  }
0xc1: {  	_ =	task.clear_ibuf [dreg:s6], $0x2FFFF;
	_ =	strace $0x9FFFFFFF  }
0xc2: {  	(tm) =	ssettm $0x7FFFFFFF  }
0xc3: {  	_ =	shalt  }
tec
execute0_lowered:
.L_overlay_start_1:
0x0: {  	(tag) =	ssettag $0x1  }
0x1: {  	s0 =	rddreg [dreg:$0x0]  }
0x2: {  	s1 =	rddreg [dreg:$0x1];
	s2 =	srdreg.scid  }
0x3: {  	s3 =	simm.s32 $0x0;
	s10 =	stileid.u32;
	s28 =	simm.s32 $0x80  }
0x4: {  	s29 =	simm.s32 $0x100;
	s30 =	simm.s32 $0x180;
	s31 =	simm.s32 $0x200  }
0x5: {  	s2 =	sand.u32 $0x1, s2;
	[smem:$0x7FF] =	sst s3;
	s6 =	smul.u32 $0x14000, s10  }
0x6: {  	s7 =	sadd.s32 $0x16E00, s0;
	s11 =	sadd.s32 $0x17200, s0;
	s8 =	smul.u32 $0x50000, s10  }
0x7: {  	s16 =	smul.u32 $0x2800, s10;
	_ =	strace $0x80000047;
	[dreg:$0x3] =	wrdreg s7  }
0x8: {  	s4 =	sadd.s32 $0xCE00, s0;
	s5 =	smul.u32 $0x140000, s2;
	[dreg:$0x4] =	wrdreg s11  }
0x9: {  	s12 =	sshll.u32 s2, $0x4;
	s13 =	ssub.s32 $0x2, s2;
	s2 =	smul.u32 $0x28000, s2  }
0xa: {  	s11 =	simm.s32 $0x600;
	s9 =	sshrl.u32 s13, $0x1;
	s15 =	sshrl.u32 s8, $0x2  }
0xb: {  	s8 =	simm.s32 $0x480;
	s5 =	sadd.s32 s6, s5;
	s7 =	sadd.s32 s15, s1  }
0xc: {  	s6 =	sor.u32 s10, s12;
	s14 =	ssub.s32 s13, s9;
	s17 =	sadd.s32 $0x2000, s7  }
0xd: {  	s9 =	simm.s32 $0x500;
	s18 =	sadd.s32 $0x4000, s7;
	[dreg:$0x8] =	wrdreg s17  }
0xe: {  	s10 =	simm.s32 $0x580;
	s19 =	sadd.s32 $0x6000, s7;
	[dreg:$0x9] =	wrdreg s18  }
0xf: {  	s12 =	simm.s32 $0x680;
	s20 =	sadd.s32 $0x8000, s7;
	[dreg:$0xa] =	wrdreg s19  }
0x10: {  	s13 =	simm.s32 $0x700;
	s21 =	sadd.s32 $0xA000, s7;
	[dreg:$0xb] =	wrdreg s20  }
0x11: {  	s15 =	simm.s32 $0x0;
	s22 =	sadd.s32 $0xC000, s7;
	[dreg:$0xc] =	wrdreg s21  }
0x12: {  	s5 =	sshrl.u32 s5, $0x3;
	s24 =	sadd.s32 $0xE000, s7;
	[dreg:$0xd] =	wrdreg s22  }
0x13: {  	s6 =	smul.u32 $0x2800, s6;
	s25 =	sadd.s32 $0x10000, s7;
	[dreg:$0xe] =	wrdreg s24  }
0x14: {  	s26 =	sadd.s32 $0x12000, s7;
	s0 =	sadd.s32 s5, s0;
	[dreg:$0xf] =	wrdreg s25  }
0x15: {  	s5 =	smax.u32 s14, $0x1;
	[dreg:$0x10] =	wrdreg s26;
	s22 =	simm.s32 $0x800  }
0x16: {  	s24 =	simm.s32 $0x4800;
	s25 =	simm.s32 $0x400;
	s26 =	simm.s32 $0x1  }
0x17: {  	s6 =	sshrl.u32 s6, $0x3;
	s0 =	sadd.s32 $0x17A00, s0;
	[dreg:$0x7] =	wrdreg s5  }
0x18: {  	s14 =	simm.s32 $0x780;
	s6 =	sadd.s32 s4, s6;
	[dreg:$0x6] =	wrdreg s0  }
0x19: {  	s5 =	simm.s32 $0x380;
	s0 =	sadd.s32 s16, s2;
	[dreg:$0x5] =	wrdreg s6  }
0x1a: {  	s23 =	sor.u32 $0x400, s0;
	s0 =	sadd.s32 $0x800, s0;
	s6 =	simm.s32 $0x2  }
0x1b: {  	s2 =	sshrl.u32 s23, $0x3;
	[dreg:$0x11] =	wrdreg s0;
	s23 =	simm.s32 $0x3  }
0x1c: {  	s0 =	simm.s32 $0x280;
	s21 =	sadd.s32 s2, s4;
	s2 =	simm.s32 $0x300  }
.LBB2_1:
0x1d: {  	s16 =	rddreg [dreg:$0x4]  }
0x1e: {  	[tilespmem:s22], [sflag:$0x3] =	stream.linear.gather [hbm4b:s16+s3], $0x4000, $0x38;
	[tilespmem:$0x1A800] =	vst v63  }
0x1f: {  	_ =	swait.ge [sflag:s23], $0x4000  }
0x20: {  	[sflag:s23] =	ssyncset.done $0x0  }
0x21: {  	s17 =	rddreg [dreg:$0x3];
	[sflag:s23] =	ssyncadd.s32 $0xFFFFC000  }
0x22: {  	[tilespmem:s24], [sflag:$0x3] =	stream.linear.gather [hbm4b:s17+s3], $0x2000, $0x38;
	[tilespmem:$0x1A800] =	vst v63  }
0x23: {  	_ =	swait.ge [sflag:s23], $0x2000  }
0x24: {  	[sflag:s23] =	ssyncset.done $0x0  }
0x25: {  	[sflag:s23] =	ssyncadd.s32 $0xFFFFE000  }
0x26: {  	[spmem:s7] =	stream.linear.scatter [tilespmem:s24], [sflag:$0x3], $0x2000, $0x38;
	[tilespmem:$0x1A800] =	vst v63  }
0x27: {  	_ =	swait.ge [sflag:s23], $0x2000  }
0x28: {  	[sflag:s23] =	ssyncset.done $0x0  }
0x29: {  	s18 =	rddreg [dreg:$0x8];
	[sflag:s23] =	ssyncadd.s32 $0xFFFFE000  }
0x2a: {  	[spmem:s18] =	stream.linear.scatter [tilespmem:s24], [sflag:$0x3], $0x2000, $0x38;
	[tilespmem:$0x1A800] =	vst v63  }
0x2b: {  	_ =	swait.ge [sflag:s23], $0x2000  }
0x2c: {  	[sflag:s23] =	ssyncset.done $0x0  }
0x2d: {  	s19 =	rddreg [dreg:$0x9];
	[sflag:s23] =	ssyncadd.s32 $0xFFFFE000  }
0x2e: {  	[spmem:s19] =	stream.linear.scatter [tilespmem:s24], [sflag:$0x3], $0x2000, $0x38;
	[tilespmem:$0x1A800] =	vst v63  }
0x2f: {  	_ =	swait.ge [sflag:s23], $0x2000  }
0x30: {  	[sflag:s23] =	ssyncset.done $0x0  }
0x31: {  	s20 =	rddreg [dreg:$0xa];
	[sflag:s23] =	ssyncadd.s32 $0xFFFFE000  }
0x32: {  	[spmem:s20] =	stream.linear.scatter [tilespmem:s24], [sflag:$0x3], $0x2000, $0x38;
	[tilespmem:$0x1A800] =	vst v63  }
0x33: {  	_ =	swait.ge [sflag:s23], $0x2000  }
0x34: {  	[sflag:s23] =	ssyncset.done $0x0  }
0x35: {  	s17 =	rddreg [dreg:$0xb];
	[sflag:s23] =	ssyncadd.s32 $0xFFFFE000  }
0x36: {  	[spmem:s17] =	stream.linear.scatter [tilespmem:s24], [sflag:$0x3], $0x2000, $0x38;
	[tilespmem:$0x1A800] =	vst v63  }
0x37: {  	_ =	swait.ge [sflag:s23], $0x2000  }
0x38: {  	[sflag:s23] =	ssyncset.done $0x0  }
0x39: {  	s18 =	rddreg [dreg:$0xc];
	[sflag:s23] =	ssyncadd.s32 $0xFFFFE000  }
0x3a: {  	[spmem:s18] =	stream.linear.scatter [tilespmem:s24], [sflag:$0x3], $0x2000, $0x38;
	[tilespmem:$0x1A800] =	vst v63  }
0x3b: {  	_ =	swait.ge [sflag:s23], $0x2000  }
0x3c: {  	[sflag:s23] =	ssyncset.done $0x0  }
0x3d: {  	s19 =	rddreg [dreg:$0xd];
	[sflag:s23] =	ssyncadd.s32 $0xFFFFE000  }
0x3e: {  	[spmem:s19] =	stream.linear.scatter [tilespmem:s24], [sflag:$0x3], $0x2000, $0x38;
	[tilespmem:$0x1A800] =	vst v63  }
0x3f: {  	_ =	swait.ge [sflag:s23], $0x2000  }
0x40: {  	[sflag:s23] =	ssyncset.done $0x0  }
0x41: {  	s20 =	rddreg [dreg:$0xe];
	[sflag:s23] =	ssyncadd.s32 $0xFFFFE000  }
0x42: {  	[spmem:s20] =	stream.linear.scatter [tilespmem:s24], [sflag:$0x3], $0x2000, $0x38;
	[tilespmem:$0x1A800] =	vst v63  }
0x43: {  	_ =	swait.ge [sflag:s23], $0x2000  }
0x44: {  	[sflag:s23] =	ssyncset.done $0x0  }
0x45: {  	s17 =	rddreg [dreg:$0xf];
	[sflag:s23] =	ssyncadd.s32 $0xFFFFE000  }
0x46: {  	[spmem:s17] =	stream.linear.scatter [tilespmem:s24], [sflag:$0x3], $0x2000, $0x38;
	[tilespmem:$0x1A800] =	vst v63  }
0x47: {  	_ =	swait.ge [sflag:s23], $0x2000  }
0x48: {  	[sflag:s23] =	ssyncset.done $0x0  }
0x49: {  	s18 =	rddreg [dreg:$0x10];
	[sflag:s23] =	ssyncadd.s32 $0xFFFFE000  }
0x4a: {  	[spmem:s18] =	stream.linear.scatter [tilespmem:s24], [sflag:$0x3], $0x2000, $0x38;
	[tilespmem:$0x1A800] =	vst v63  }
0x4b: {  	_ =	swait.ge [sflag:s23], $0x2000  }
0x4c: {  	[sflag:s23] =	ssyncset.done $0x0  }
0x4d: {  	s19 =	rddreg [dreg:$0x5];
	[sflag:s23] =	ssyncadd.s32 $0xFFFFE000  }
0x4e: {  	[tilespmem:s3], [sflag:$0x1] =	stream.linear.gather [hbm4b:s19+s3], $0x400, $0x38;
	[tilespmem:$0x1A800] =	vst v63  }
0x4f: {  	s20 =	sadd.s32 $0x0, s21;
	[bflag:$0x0] =	sbarrier.arrive $0xFFFF  }
0x50: {  	[tilespmem:s25], [sflag:$0x2] =	stream.linear.gather [hbm4b:s20+s3], $0x400, $0x38;
	[tilespmem:$0x1A800] =	vst v63  }
0x51: {  	_ =	swait.ge [sflag:s26], $0x400  }
0x52: {  	[sflag:s26] =	ssyncset.done $0x0  }
0x53: {  	[sflag:s26] =	ssyncadd.s32 $0xFFFFFC00  }
0x54: {  	[spmem:s1] =	stream.indirect.scatter.add.f32 [tilespmem:s22], [sflag:$0x3], $0x80, s3, s28, $0xb8;
	[tilespmem:$0x1A800] =	vst v63  }
0x55: {  	_ =	swait.ge [sflag:s23], $0x4000  }
0x56: {  	[sflag:s23] =	ssyncset.done $0x0  }
0x57: {  	[sflag:s23] =	ssyncadd.s32 $0xFFFFC000  }
0x58: {  	[spmem:s1] =	stream.indirect.scatter.add.f32 [tilespmem:s22], [sflag:$0x3], $0x80, s28, s28, $0xb8;
	[tilespmem:$0x1A800] =	vst v63  }
0x59: {  	_ =	swait.ge [sflag:s23], $0x4000  }
0x5a: {  	[sflag:s23] =	ssyncset.done $0x0  }
0x5b: {  	[sflag:s23] =	ssyncadd.s32 $0xFFFFC000  }
0x5c: {  	[spmem:s1] =	stream.indirect.scatter.add.f32 [tilespmem:s22], [sflag:$0x3], $0x80, s29, s28, $0xb8;
	[tilespmem:$0x1A800] =	vst v63  }
0x5d: {  	_ =	swait.ge [sflag:s23], $0x4000  }
0x5e: {  	[sflag:s23] =	ssyncset.done $0x0  }
0x5f: {  	[sflag:s23] =	ssyncadd.s32 $0xFFFFC000  }
0x60: {  	[spmem:s1] =	stream.indirect.scatter.add.f32 [tilespmem:s22], [sflag:$0x3], $0x80, s30, s28, $0xb8;
	[tilespmem:$0x1A800] =	vst v63  }
0x61: {  	_ =	swait.ge [sflag:s23], $0x4000  }
0x62: {  	[sflag:s23] =	ssyncset.done $0x0  }
0x63: {  	[sflag:s23] =	ssyncadd.s32 $0xFFFFC000  }
0x64: {  	[spmem:s1] =	stream.indirect.scatter.add.f32 [tilespmem:s22], [sflag:$0x3], $0x80, s31, s28, $0xb8;
	[tilespmem:$0x1A800] =	vst v63  }
0x65: {  	_ =	swait.ge [sflag:s23], $0x4000  }
0x66: {  	[sflag:s23] =	ssyncset.done $0x0  }
0x67: {  	[sflag:s23] =	ssyncadd.s32 $0xFFFFC000  }
0x68: {  	[spmem:s1] =	stream.indirect.scatter.add.f32 [tilespmem:s22], [sflag:$0x3], $0x80, s0, s28, $0xb8;
	[tilespmem:$0x1A800] =	vst v63  }
0x69: {  	_ =	swait.ge [sflag:s23], $0x4000  }
0x6a: {  	[sflag:s23] =	ssyncset.done $0x0  }
0x6b: {  	[sflag:s23] =	ssyncadd.s32 $0xFFFFC000  }
0x6c: {  	[spmem:s1] =	stream.indirect.scatter.add.f32 [tilespmem:s22], [sflag:$0x3], $0x80, s2, s28, $0xb8;
	[tilespmem:$0x1A800] =	vst v63  }
0x6d: {  	_ =	swait.ge [sflag:s23], $0x4000  }
0x6e: {  	[sflag:s23] =	ssyncset.done $0x0  }
0x6f: {  	[sflag:s23] =	ssyncadd.s32 $0xFFFFC000  }
0x70: {  	[spmem:s1] =	stream.indirect.scatter.add.f32 [tilespmem:s22], [sflag:$0x3], $0x80, s5, s28, $0xb8;
	[tilespmem:$0x1A800] =	vst v63  }
0x71: {  	_ =	swait.ge [sflag:s23], $0x4000  }
0x72: {  	p0 =	por $0x0, $0x0;
	s19 =	rddreg [dreg:$0x11]  }
0x73: {  	[sflag:s23] =	ssyncset.done $0x0;
	s16 =	sshrl.u32 @!p0 s19, $0x3  }
0x74: {  	s17 =	simm.s32 @!p0 $0x0;
	[sflag:s23] =	ssyncadd.s32 $0xFFFFC000;
	s16 =	sadd.s32 @!p0 s4, s16  }
0x75: {  	[tilespmem:s17], [sflag:$0x1] =	stream.linear.gather @!p0 [hbm4b:s16+s17], $0x400, $0x38;
	[tilespmem:$0x1A800] =	vst v63  }
0x76: {  	_ =	swait.ge [sflag:s6], $0x400  }
0x77: {  	[sflag:s6] =	ssyncset.done $0x0  }
0x78: {  	[sflag:s6] =	ssyncadd.s32 $0xFFFFFC00  }
0x79: {  	[spmem:s1] =	stream.indirect.scatter.add.f32 [tilespmem:s22], [sflag:$0x3], $0x80, s25, s28, $0xb8;
	[tilespmem:$0x1A800] =	vst v63  }
0x7a: {  	_ =	swait.ge [sflag:s23], $0x4000  }
0x7b: {  	[sflag:s23] =	ssyncset.done $0x0  }
0x7c: {  	[sflag:s23] =	ssyncadd.s32 $0xFFFFC000  }
0x7d: {  	[spmem:s1] =	stream.indirect.scatter.add.f32 [tilespmem:s22], [sflag:$0x3], $0x80, s8, s28, $0xb8;
	[tilespmem:$0x1A800] =	vst v63  }
0x7e: {  	_ =	swait.ge [sflag:s23], $0x4000  }
0x7f: {  	[sflag:s23] =	ssyncset.done $0x0  }
0x80: {  	[sflag:s23] =	ssyncadd.s32 $0xFFFFC000  }
0x81: {  	[spmem:s1] =	stream.indirect.scatter.add.f32 [tilespmem:s22], [sflag:$0x3], $0x80, s9, s28, $0xb8;
	[tilespmem:$0x1A800] =	vst v63  }
0x82: {  	_ =	swait.ge [sflag:s23], $0x4000  }
0x83: {  	[sflag:s23] =	ssyncset.done $0x0  }
0x84: {  	[sflag:s23] =	ssyncadd.s32 $0xFFFFC000  }
0x85: {  	[spmem:s1] =	stream.indirect.scatter.add.f32 [tilespmem:s22], [sflag:$0x3], $0x80, s10, s28, $0xb8;
	[tilespmem:$0x1A800] =	vst v63  }
0x86: {  	_ =	swait.ge [sflag:s23], $0x4000  }
0x87: {  	[sflag:s23] =	ssyncset.done $0x0  }
0x88: {  	[sflag:s23] =	ssyncadd.s32 $0xFFFFC000  }
0x89: {  	[spmem:s1] =	stream.indirect.scatter.add.f32 [tilespmem:s22], [sflag:$0x3], $0x80, s11, s28, $0xb8;
	[tilespmem:$0x1A800] =	vst v63  }
0x8a: {  	_ =	swait.ge [sflag:s23], $0x4000  }
0x8b: {  	[sflag:s23] =	ssyncset.done $0x0  }
0x8c: {  	[sflag:s23] =	ssyncadd.s32 $0xFFFFC000  }
0x8d: {  	[spmem:s1] =	stream.indirect.scatter.add.f32 [tilespmem:s22], [sflag:$0x3], $0x80, s12, s28, $0xb8;
	[tilespmem:$0x1A800] =	vst v63  }
0x8e: {  	_ =	swait.ge [sflag:s23], $0x4000  }
0x8f: {  	[sflag:s23] =	ssyncset.done $0x0  }
0x90: {  	[sflag:s23] =	ssyncadd.s32 $0xFFFFC000  }
0x91: {  	[spmem:s1] =	stream.indirect.scatter.add.f32 [tilespmem:s22], [sflag:$0x3], $0x80, s13, s28, $0xb8;
	[tilespmem:$0x1A800] =	vst v63  }
0x92: {  	_ =	swait.ge [sflag:s23], $0x4000  }
0x93: {  	[sflag:s23] =	ssyncset.done $0x0  }
0x94: {  	[sflag:s23] =	ssyncadd.s32 $0xFFFFC000  }
0x95: {  	[spmem:s1] =	stream.indirect.scatter.add.f32 [tilespmem:s22], [sflag:$0x3], $0x80, s14, s28, $0xb8;
	[tilespmem:$0x1A800] =	vst v63  }
0x96: {  	s18 =	simm.s32 $0x200;
	_ =	swait.ge [sflag:s23], $0x4000  }
0x97: {  	s16 =	simm.s32 $0x100;
	s17 =	sadd.s32 $0x800, s19;
	[sflag:s23] =	ssyncset.done $0x0  }
.LBB2_2:
0x98: {  	s20 =	sadd.s32 s16, s21  }
0x99: {  	[sflag:s23] =	ssyncadd.s32 $0xFFFFC000;
	s19 =	smov.u32 s18;
	s18 =	sadd.s32 $0x100, s18  }
0x9a: {  	[tilespmem:s25], [sflag:$0x2] =	stream.linear.gather [hbm4b:s20+s3], $0x400, $0x38;
	[tilespmem:$0x1A800] =	vst v63  }
0x9b: {  	p0 =	sne.s32 s18, $0x500;
	_ =	swait.ge [sflag:s26], $0x400  }
0x9c: {  	[sflag:s26] =	ssyncset.done $0x0  }
0x9d: {  	[sflag:s26] =	ssyncadd.s32 $0xFFFFFC00  }
0x9e: {  	[spmem:s1] =	stream.indirect.scatter.add.f32 [tilespmem:s22], [sflag:$0x3], $0x80, s3, s28, $0xb8;
	[tilespmem:$0x1A800] =	vst v63  }
0x9f: {  	_ =	swait.ge [sflag:s23], $0x4000  }
0xa0: {  	[sflag:s23] =	ssyncset.done $0x0  }
0xa1: {  	[sflag:s23] =	ssyncadd.s32 $0xFFFFC000  }
0xa2: {  	[spmem:s1] =	stream.indirect.scatter.add.f32 [tilespmem:s22], [sflag:$0x3], $0x80, s28, s28, $0xb8;
	[tilespmem:$0x1A800] =	vst v63  }
0xa3: {  	_ =	swait.ge [sflag:s23], $0x4000  }
0xa4: {  	[sflag:s23] =	ssyncset.done $0x0  }
0xa5: {  	[sflag:s23] =	ssyncadd.s32 $0xFFFFC000  }
0xa6: {  	[spmem:s1] =	stream.indirect.scatter.add.f32 [tilespmem:s22], [sflag:$0x3], $0x80, s29, s28, $0xb8;
	[tilespmem:$0x1A800] =	vst v63  }
0xa7: {  	_ =	swait.ge [sflag:s23], $0x4000  }
0xa8: {  	[sflag:s23] =	ssyncset.done $0x0  }
0xa9: {  	[sflag:s23] =	ssyncadd.s32 $0xFFFFC000  }
0xaa: {  	[spmem:s1] =	stream.indirect.scatter.add.f32 [tilespmem:s22], [sflag:$0x3], $0x80, s30, s28, $0xb8;
	[tilespmem:$0x1A800] =	vst v63  }
0xab: {  	_ =	swait.ge [sflag:s23], $0x4000  }
0xac: {  	[sflag:s23] =	ssyncset.done $0x0  }
0xad: {  	[sflag:s23] =	ssyncadd.s32 $0xFFFFC000  }
0xae: {  	[spmem:s1] =	stream.indirect.scatter.add.f32 [tilespmem:s22], [sflag:$0x3], $0x80, s31, s28, $0xb8;
	[tilespmem:$0x1A800] =	vst v63  }
0xaf: {  	_ =	swait.ge [sflag:s23], $0x4000  }
0xb0: {  	[sflag:s23] =	ssyncset.done $0x0  }
0xb1: {  	[sflag:s23] =	ssyncadd.s32 $0xFFFFC000  }
0xb2: {  	[spmem:s1] =	stream.indirect.scatter.add.f32 [tilespmem:s22], [sflag:$0x3], $0x80, s0, s28, $0xb8;
	[tilespmem:$0x1A800] =	vst v63  }
0xb3: {  	_ =	swait.ge [sflag:s23], $0x4000  }
0xb4: {  	[sflag:s23] =	ssyncset.done $0x0  }
0xb5: {  	[sflag:s23] =	ssyncadd.s32 $0xFFFFC000  }
0xb6: {  	[spmem:s1] =	stream.indirect.scatter.add.f32 [tilespmem:s22], [sflag:$0x3], $0x80, s2, s28, $0xb8;
	[tilespmem:$0x1A800] =	vst v63  }
0xb7: {  	_ =	swait.ge [sflag:s23], $0x4000  }
0xb8: {  	[sflag:s23] =	ssyncset.done $0x0  }
0xb9: {  	[sflag:s23] =	ssyncadd.s32 $0xFFFFC000  }
0xba: {  	[spmem:s1] =	stream.indirect.scatter.add.f32 [tilespmem:s22], [sflag:$0x3], $0x80, s5, s28, $0xb8;
	[tilespmem:$0x1A800] =	vst v63  }
0xbb: {  	p1 =	seq.s32 s16, $0x400;
	s16 =	smov.u32 s19;
	_ =	swait.ge [sflag:s23], $0x4000  }
0xbc: {  	s19 =	sshrl.u32 @!p1 s17, $0x3;
	[sflag:s23] =	ssyncset.done $0x0  }
0xbd: {  	s20 =	simm.s32 @!p1 $0x0;
	s19 =	sadd.s32 @!p1 s4, s19;
	[sflag:s23] =	ssyncadd.s32 $0xFFFFC000  }
0xbe: {  	[tilespmem:s20], [sflag:$0x1] =	stream.linear.gather @!p1 [hbm4b:s19+s20], $0x400, $0x38;
	[tilespmem:$0x1A800] =	vst v63  }
0xbf: {  	_ =	swait.ge [sflag:s6], $0x400  }
0xc0: {  	[sflag:s6] =	ssyncset.done $0x0  }
0xc1: {  	[sflag:s6] =	ssyncadd.s32 $0xFFFFFC00  }
0xc2: {  	[spmem:s1] =	stream.indirect.scatter.add.f32 [tilespmem:s22], [sflag:$0x3], $0x80, s25, s28, $0xb8;
	[tilespmem:$0x1A800] =	vst v63  }
0xc3: {  	_ =	swait.ge [sflag:s23], $0x4000  }
0xc4: {  	[sflag:s23] =	ssyncset.done $0x0  }
0xc5: {  	[sflag:s23] =	ssyncadd.s32 $0xFFFFC000  }
0xc6: {  	[spmem:s1] =	stream.indirect.scatter.add.f32 [tilespmem:s22], [sflag:$0x3], $0x80, s8, s28, $0xb8;
	[tilespmem:$0x1A800] =	vst v63  }
0xc7: {  	_ =	swait.ge [sflag:s23], $0x4000  }
0xc8: {  	[sflag:s23] =	ssyncset.done $0x0  }
0xc9: {  	[sflag:s23] =	ssyncadd.s32 $0xFFFFC000  }
0xca: {  	[spmem:s1] =	stream.indirect.scatter.add.f32 [tilespmem:s22], [sflag:$0x3], $0x80, s9, s28, $0xb8;
	[tilespmem:$0x1A800] =	vst v63  }
0xcb: {  	_ =	swait.ge [sflag:s23], $0x4000  }
0xcc: {  	[sflag:s23] =	ssyncset.done $0x0  }
0xcd: {  	[sflag:s23] =	ssyncadd.s32 $0xFFFFC000  }
0xce: {  	[spmem:s1] =	stream.indirect.scatter.add.f32 [tilespmem:s22], [sflag:$0x3], $0x80, s10, s28, $0xb8;
	[tilespmem:$0x1A800] =	vst v63  }
0xcf: {  	_ =	swait.ge [sflag:s23], $0x4000  }
0xd0: {  	[sflag:s23] =	ssyncset.done $0x0  }
0xd1: {  	[sflag:s23] =	ssyncadd.s32 $0xFFFFC000  }
0xd2: {  	[spmem:s1] =	stream.indirect.scatter.add.f32 [tilespmem:s22], [sflag:$0x3], $0x80, s11, s28, $0xb8;
	[tilespmem:$0x1A800] =	vst v63  }
0xd3: {  	_ =	swait.ge [sflag:s23], $0x4000  }
0xd4: {  	[sflag:s23] =	ssyncset.done $0x0  }
0xd5: {  	[sflag:s23] =	ssyncadd.s32 $0xFFFFC000  }
0xd6: {  	[spmem:s1] =	stream.indirect.scatter.add.f32 [tilespmem:s22], [sflag:$0x3], $0x80, s12, s28, $0xb8;
	[tilespmem:$0x1A800] =	vst v63  }
0xd7: {  	_ =	swait.ge [sflag:s23], $0x4000  }
0xd8: {  	[sflag:s23] =	ssyncset.done $0x0  }
0xd9: {  	[sflag:s23] =	ssyncadd.s32 $0xFFFFC000  }
0xda: {  	[spmem:s1] =	stream.indirect.scatter.add.f32 [tilespmem:s22], [sflag:$0x3], $0x80, s13, s28, $0xb8;
	[tilespmem:$0x1A800] =	vst v63  }
0xdb: {  	_ =	swait.ge [sflag:s23], $0x4000  }
.Ltmp0:
0xdc: {  	[sflag:s23] =	ssyncset.done $0x0;
	(pc) =	sbr.rel @p0 .LBB2_2-.Ltmp0, $4  }
0xdd: {  	[sflag:s23] =	ssyncadd.s32 $0xFFFFC000  }
0xde: {  	[spmem:s1] =	stream.indirect.scatter.add.f32 [tilespmem:s22], [sflag:$0x3], $0x80, s14, s28, $0xb8;
	[tilespmem:$0x1A800] =	vst v63  }
0xdf: {  	_ =	swait.ge [sflag:s23], $0x4000  }
0xe0: {  	s17 =	sadd.s32 $0x800, s17;
	[sflag:s23] =	ssyncset.done $0x0  }
0xe1: {  	s18 =	sadd.s32 s16, s21;
	[sflag:s23] =	ssyncadd.s32 $0xFFFFC000  }
0xe2: {  	[tilespmem:s25], [sflag:$0x2] =	stream.linear.gather [hbm4b:s18+s3], $0x400, $0x38;
	[tilespmem:$0x1A800] =	vst v63  }
0xe3: {  	_ =	swait.ge [sflag:s26], $0x400  }
0xe4: {  	[sflag:s26] =	ssyncset.done $0x0  }
0xe5: {  	[sflag:s26] =	ssyncadd.s32 $0xFFFFFC00  }
0xe6: {  	[spmem:s1] =	stream.indirect.scatter.add.f32 [tilespmem:s22], [sflag:$0x3], $0x80, s3, s28, $0xb8;
	[tilespmem:$0x1A800] =	vst v63  }
0xe7: {  	_ =	swait.ge [sflag:s23], $0x4000  }
0xe8: {  	[sflag:s23] =	ssyncset.done $0x0  }
0xe9: {  	[sflag:s23] =	ssyncadd.s32 $0xFFFFC000  }
0xea: {  	[spmem:s1] =	stream.indirect.scatter.add.f32 [tilespmem:s22], [sflag:$0x3], $0x80, s28, s28, $0xb8;
	[tilespmem:$0x1A800] =	vst v63  }
0xeb: {  	_ =	swait.ge [sflag:s23], $0x4000  }
0xec: {  	[sflag:s23] =	ssyncset.done $0x0  }
0xed: {  	[sflag:s23] =	ssyncadd.s32 $0xFFFFC000  }
0xee: {  	[spmem:s1] =	stream.indirect.scatter.add.f32 [tilespmem:s22], [sflag:$0x3], $0x80, s29, s28, $0xb8;
	[tilespmem:$0x1A800] =	vst v63  }
0xef: {  	_ =	swait.ge [sflag:s23], $0x4000  }
0xf0: {  	[sflag:s23] =	ssyncset.done $0x0  }
0xf1: {  	[sflag:s23] =	ssyncadd.s32 $0xFFFFC000  }
0xf2: {  	[spmem:s1] =	stream.indirect.scatter.add.f32 [tilespmem:s22], [sflag:$0x3], $0x80, s30, s28, $0xb8;
	[tilespmem:$0x1A800] =	vst v63  }
0xf3: {  	_ =	swait.ge [sflag:s23], $0x4000  }
0xf4: {  	[sflag:s23] =	ssyncset.done $0x0  }
0xf5: {  	[sflag:s23] =	ssyncadd.s32 $0xFFFFC000  }
0xf6: {  	[spmem:s1] =	stream.indirect.scatter.add.f32 [tilespmem:s22], [sflag:$0x3], $0x80, s31, s28, $0xb8;
	[tilespmem:$0x1A800] =	vst v63  }
0xf7: {  	_ =	swait.ge [sflag:s23], $0x4000  }
0xf8: {  	[sflag:s23] =	ssyncset.done $0x0  }
0xf9: {  	[sflag:s23] =	ssyncadd.s32 $0xFFFFC000  }
0xfa: {  	[spmem:s1] =	stream.indirect.scatter.add.f32 [tilespmem:s22], [sflag:$0x3], $0x80, s0, s28, $0xb8;
	[tilespmem:$0x1A800] =	vst v63  }
0xfb: {  	_ =	swait.ge [sflag:s23], $0x4000  }
0xfc: {  	[sflag:s23] =	ssyncset.done $0x0  }
0xfd: {  	[sflag:s23] =	ssyncadd.s32 $0xFFFFC000  }
0xfe: {  	[spmem:s1] =	stream.indirect.scatter.add.f32 [tilespmem:s22], [sflag:$0x3], $0x80, s2, s28, $0xb8;
	[tilespmem:$0x1A800] =	vst v63  }
0xff: {  	_ =	swait.ge [sflag:s23], $0x4000  }
0x100: {  	[sflag:s23] =	ssyncset.done $0x0  }
0x101: {  	[sflag:s23] =	ssyncadd.s32 $0xFFFFC000  }
0x102: {  	[spmem:s1] =	stream.indirect.scatter.add.f32 [tilespmem:s22], [sflag:$0x3], $0x80, s5, s28, $0xb8;
	[tilespmem:$0x1A800] =	vst v63  }
0x103: {  	p0 =	seq.s32 s16, $0x400;
	_ =	swait.ge [sflag:s23], $0x4000  }
0x104: {  	s16 =	sshrl.u32 @!p0 s17, $0x3;
	[sflag:s23] =	ssyncset.done $0x0  }
0x105: {  	s17 =	simm.s32 @!p0 $0x0;
	s16 =	sadd.s32 @!p0 s4, s16;
	[sflag:s23] =	ssyncadd.s32 $0xFFFFC000  }
0x106: {  	[tilespmem:s17], [sflag:$0x1] =	stream.linear.gather @!p0 [hbm4b:s16+s17], $0x400, $0x38;
	[tilespmem:$0x1A800] =	vst v63  }
0x107: {  	_ =	swait.ge [sflag:s6], $0x400  }
0x108: {  	[sflag:s6] =	ssyncset.done $0x0  }
0x109: {  	[sflag:s6] =	ssyncadd.s32 $0xFFFFFC00  }
0x10a: {  	[spmem:s1] =	stream.indirect.scatter.add.f32 [tilespmem:s22], [sflag:$0x3], $0x80, s25, s28, $0xb8;
	[tilespmem:$0x1A800] =	vst v63  }
0x10b: {  	_ =	swait.ge [sflag:s23], $0x4000  }
0x10c: {  	[sflag:s23] =	ssyncset.done $0x0  }
0x10d: {  	[sflag:s23] =	ssyncadd.s32 $0xFFFFC000  }
0x10e: {  	[spmem:s1] =	stream.indirect.scatter.add.f32 [tilespmem:s22], [sflag:$0x3], $0x80, s8, s28, $0xb8;
	[tilespmem:$0x1A800] =	vst v63  }
0x10f: {  	_ =	swait.ge [sflag:s23], $0x4000  }
0x110: {  	[sflag:s23] =	ssyncset.done $0x0  }
0x111: {  	[sflag:s23] =	ssyncadd.s32 $0xFFFFC000  }
0x112: {  	[spmem:s1] =	stream.indirect.scatter.add.f32 [tilespmem:s22], [sflag:$0x3], $0x80, s9, s28, $0xb8;
	[tilespmem:$0x1A800] =	vst v63  }
0x113: {  	_ =	swait.ge [sflag:s23], $0x4000  }
0x114: {  	[sflag:s23] =	ssyncset.done $0x0  }
0x115: {  	[sflag:s23] =	ssyncadd.s32 $0xFFFFC000  }
0x116: {  	[spmem:s1] =	stream.indirect.scatter.add.f32 [tilespmem:s22], [sflag:$0x3], $0x80, s10, s28, $0xb8;
	[tilespmem:$0x1A800] =	vst v63  }
0x117: {  	_ =	swait.ge [sflag:s23], $0x4000  }
0x118: {  	[sflag:s23] =	ssyncset.done $0x0  }
0x119: {  	[sflag:s23] =	ssyncadd.s32 $0xFFFFC000  }
0x11a: {  	[spmem:s1] =	stream.indirect.scatter.add.f32 [tilespmem:s22], [sflag:$0x3], $0x80, s11, s28, $0xb8;
	[tilespmem:$0x1A800] =	vst v63  }
0x11b: {  	_ =	swait.ge [sflag:s23], $0x4000  }
0x11c: {  	[sflag:s23] =	ssyncset.done $0x0  }
0x11d: {  	[sflag:s23] =	ssyncadd.s32 $0xFFFFC000  }
0x11e: {  	[spmem:s1] =	stream.indirect.scatter.add.f32 [tilespmem:s22], [sflag:$0x3], $0x80, s12, s28, $0xb8;
	[tilespmem:$0x1A800] =	vst v63  }
0x11f: {  	_ =	swait.ge [sflag:s23], $0x4000  }
0x120: {  	[sflag:s23] =	ssyncset.done $0x0  }
0x121: {  	[sflag:s23] =	ssyncadd.s32 $0xFFFFC000  }
0x122: {  	[spmem:s1] =	stream.indirect.scatter.add.f32 [tilespmem:s22], [sflag:$0x3], $0x80, s13, s28, $0xb8;
	[tilespmem:$0x1A800] =	vst v63  }
0x123: {  	_ =	swait.ge [sflag:s23], $0x4000  }
0x124: {  	[sflag:s23] =	ssyncset.done $0x0  }
0x125: {  	[sflag:s23] =	ssyncadd.s32 $0xFFFFC000  }
0x126: {  	[spmem:s1] =	stream.indirect.scatter.add.f32 [tilespmem:s22], [sflag:$0x3], $0x80, s14, s28, $0xb8;
	[tilespmem:$0x1A800] =	vst v63  }
0x127: {  	_ =	swait.ge [sflag:s23], $0x4000  }
0x128: {  	[sflag:s23] =	ssyncset.done $0x0  }
0x129: {  	s17 =	stileid.u32;
	[sflag:s23] =	ssyncadd.s32 $0xFFFFC000  }
0x12a: {  	s16 =	sshll.u32 s17, $0x6;
	[bflag:$0x0] =	sbarrier.arrive $0xFFFF  }
0x12b: {  	s18 =	sshrl.u32 s7, $0x3;
	s16 =	sor.u32 $0x1C03, s16;
	s19 =	rddreg [dreg:$0x6]  }
0x12c: {  	[hbm:s19], [sflag:s16] =	dma.local [spmem:s18], $0x2800  }
0x12d: {  	_ =	swait.ge [sflag:s23], $0x2800  }
0x12e: {  	s15 =	sadd.s32 $0x1, s15;
	s20 =	rddreg [dreg:$0x7]  }
0x12f: {  	p0 =	sne.s32 s15, s20  }
.Ltmp1:
0x130: {  	_ = 	snop;
	(pc) =	sbr.rel @p0 .LBB2_1-.Ltmp1, $3  }
0x131: {  	_ =	sdelay $0x1  }
0x132: {  	[sflag:s23] =	ssyncset.done $0x0  }
0x133: {  	[sflag:s23] =	ssyncadd.s32 $0xFFFFD800  }
0x134: {  	_ =	sfence.sel $0x180000  }
0x135: {  	[bflag:$0x0] =	sbarrier.arrive $0xFFFF  }
0x136: {  	_ =	strace $0x90000047  }
0x137: {  	s0 =	stileid.u32;
	[bflag:$0x2] =	sbarrier.arrive $0xFFFF  }
0x138: {  	p0 =	sne.s32 s0, $0x0;
	s0 =	rddreg [dreg:$0x2]  }
0x139: {  	s0 =	sadd.s32 @!p0 $0x100000, s0  }
0x13a: {  	[sflag:s0] =	ssyncadd.tile.s32 @!p0 $0x1;
	_ =	shalt  }
.Lfunc_end2:
_tile_overlayer_lowered:
.L_overlay_start_2:
0x13b: {  	(tag) =	ssettag $0x2  }
0x13c: {  	s0 =	rddreg [dreg:$0x0];
	s2 =	stileid.u32  }
0x13d: {  	s1 =	rddreg [dreg:$0x1];
	p0 =	sne.s32 s2, $0x0  }
0x13e: {  	s3 =	rddreg [dreg:$0x2];
	[bflag:$0x3] =	sbarrier.arrive $0xFFFF;
	s2 =	simm.s32 @!p0 $0x1C03  }
0x13f: {  	[timem:s3], [sflag:s2] =	dma.local @!p0 [hbm:s0], s1  }
0x140: {  	s0 =	simm.s32 @!p0 $0x3  }
0x141: {  	_ =	swait.ge @!p0 [sflag:s0], s1  }
0x142: {  	s1 =	ssub.s32 @!p0 $0x0, s1;
	[sflag:s0] =	ssyncset.done @!p0 $0x0  }
0x143: {  	[sflag:s0] =	ssyncadd.s32 @!p0 s1  }
0x144: {  	[bflag:$0x3] =	sbarrier.arrive $0xFFFF  }
0x145: {  	_ =	shalt  }

</sc_bundles>
